<compile_context>
chip_gen: v7x
topology: tpu7x:2x2x1
jax: 0.10.2.dev20260603
libtpu: 0.0.44.dev20260713+nightly
codegen_flags: <defaults>
</compile_context>

<pallas_src>
import functools

import jax
import jax.numpy as jnp
from jax import lax
from jax.experimental import pallas as pl
from jax.experimental.pallas import tpu as pltpu
from jax.experimental.pallas import tpu_sc as plsc

ED = 32
NCTX = 5
B = 16384
NC = 2
NS = 16
NW = NC * NS
BPW = B // NW
PPW = BPW * NCTX
CHUNK = 128


def _sc_body(tgt_hbm, ctx_hbm, ttab_hbm, ctab_hbm, out_hbm,
             tidx_v, cidx_v, trows_v, crows_v, out_v, sem):
    wid = lax.axis_index("s") * NC + lax.axis_index("c")
    bbase = wid * BPW
    pbase = wid * PPW

    pltpu.sync_copy(tgt_hbm.at[pl.ds(bbase, BPW)], tidx_v)
    pltpu.sync_copy(ctx_hbm.at[pl.ds(pbase, PPW)], cidx_v)

    copies = []
    for j in range(BPW // CHUNK):
        copies.append(pltpu.make_async_copy(
            ttab_hbm.at[tidx_v.at[pl.ds(j * CHUNK, CHUNK)]],
            trows_v.at[pl.ds(j * CHUNK, CHUNK)],
            sem))
    for j in range(PPW // CHUNK):
        copies.append(pltpu.make_async_copy(
            ctab_hbm.at[cidx_v.at[pl.ds(j * CHUNK, CHUNK)]],
            crows_v.at[pl.ds(j * CHUNK, CHUNK)],
            sem))
    for cp in copies:
        cp.start()
    for cp in copies:
        cp.wait()

    lane = lax.iota(jnp.int32, 16)

    def body(i, carry):
        b0 = i * 16
        accs = [jnp.zeros((16,), jnp.float32) for _ in range(NCTX)]
        for bb in range(16):
            b = b0 + bb
            we0 = trows_v[b, pl.ds(0, 16)]
            we1 = trows_v[b, pl.ds(16, 16)]
            for c in range(NCTX):
                lp = bb * NCTX + c
                p = b * NCTX + c
                v = (crows_v[p, pl.ds(0, 16)] * we0
                     + crows_v[p, pl.ds(16, 16)] * we1)
                s = jnp.sum(v)
                g, ln = divmod(lp, 16)
                accs[g] = jnp.where(lane == ln, s, accs[g])
        for g in range(NCTX):
            out_v[pl.ds(b0 * NCTX + g * 16, 16)] = accs[g]
        return carry

    lax.fori_loop(0, BPW // 16, body, 0)
    pltpu.sync_copy(out_v, out_hbm.at[pl.ds(pbase, PPW)])


def kernel(target, context, target_table, context_table):
    tgt = target.reshape(B)
    ctx = context.reshape(B * NCTX)
    mesh = plsc.VectorSubcoreMesh(core_axis_name="c", subcore_axis_name="s")
    run = functools.partial(
        pl.kernel,
        mesh=mesh,
        out_type=jax.ShapeDtypeStruct((B * NCTX,), jnp.float32),
        scratch_types=[
            pltpu.VMEM((BPW,), jnp.int32),
            pltpu.VMEM((PPW,), jnp.int32),
            pltpu.VMEM((BPW, ED), jnp.float32),
            pltpu.VMEM((PPW, ED), jnp.float32),
            pltpu.VMEM((PPW,), jnp.float32),
            pltpu.SemaphoreType.DMA,
        ],
        compiler_params=pltpu.CompilerParams(
            needs_layout_passes=False, use_tc_tiling_on_sc=False),
    )(_sc_body)
    out = run(tgt, ctx, target_table, context_table)
    return out.reshape(B, NCTX)

# --- scband reference (transcript-rebuilt; emitter-appended) ---
"""Pipeline reference for scband-word2-vec-24309514895787 (READ-ONLY COPY).

The authoritative reference and input builder live on the scoring server;
editing this copy changes nothing except your own understanding.
"""

import jax, jax.numpy as jnp
import numpy as np

VS = 1000000
ED = 32
NNS = 4
B = 16384


def setup_inputs(seed: int = 0) -> dict:
    key = jax.random.key(seed)
    k1, k2, k3, k4 = jax.random.split(key, 4)
    target = jax.random.randint(k1, (B, 1), 0, VS, dtype=jnp.int32)
    context = jax.random.randint(k2, (B, NNS + 1, 1), 0, VS, dtype=jnp.int32)
    # Embedding tables (keras Embedding default init: uniform(-0.05, 0.05))
    target_table = jax.random.uniform(k3, (VS, ED), dtype=jnp.float32, minval=-0.05, maxval=0.05)
    context_table = jax.random.uniform(k4, (VS, ED), dtype=jnp.float32, minval=-0.05, maxval=0.05)
    return {
        "target": target,
        "context": context,
        "target_table": target_table,
        "context_table": context_table,
    }


def reference(target, context, target_table, context_table):
    # we = target_embedding(target): (B, 1) -> (B, 1, ED)
    we = jnp.take(target_table, target, axis=0)
    # ce = context_embedding(context): (B, NNS+1, 1) -> (B, NNS+1, 1, ED)
    ce = jnp.take(context_table, context, axis=0)
    # Dot(axes=(3, 2)) == batch_dot contracting ce axis 3 (ED) with we axis 2 (ED)
    # result shape (B, NNS+1, 1, 1)
    dots = jnp.einsum('bcue,bte->bcut', ce, we)
    # Flatten -> (B, NNS+1)
    return dots.reshape(dots.shape[0], -1)

if __name__ == "__main__":
    import jax
    _d = setup_inputs()
    print(jax.jit(kernel)(*tuple(_d.values())))

</pallas_src>

<mosaic_0001>
#map = affine_map<(d0, d1) -> (0)>
#map1 = affine_map<(d0, d1) -> (0, 0)>
module attributes {stable_mosaic.version = 14 : i64} {
  func.func @_sc_body(%arg0: i32, %arg1: i32, %arg2: memref<16384xi32, #tpu.memory_space<hbm>>, %arg3: memref<81920xi32, #tpu.memory_space<hbm>>, %arg4: memref<1000000x32xf32, #tpu.memory_space<hbm>>, %arg5: memref<1000000x32xf32, #tpu.memory_space<hbm>>, %arg6: memref<81920xf32, #tpu.memory_space<hbm>>, %arg7: memref<512xi32, #tpu.memory_space<vmem>>, %arg8: memref<2560xi32, #tpu.memory_space<vmem>>, %arg9: memref<512x32xf32, #tpu.memory_space<vmem>>, %arg10: memref<2560x32xf32, #tpu.memory_space<vmem>>, %arg11: memref<2560xf32, #tpu.memory_space<vmem>>, %arg12: memref<!tpu.dma_semaphore, #tpu.memory_space<semaphore_mem>>) attributes {dimension_semantics = [#tpu.dimension_semantics<core_parallel>, #tpu.dimension_semantics<subcore_parallel>], iteration_bounds = array<i64: 2, 16>, scalar_prefetch = 0 : i64, scratch_operands = 6 : i64, tpu.core_type = #tpu.core_type<sc_vector_subcore>, window_params = [{transform_indices = #map}, {transform_indices = #map}, {transform_indices = #map1}, {transform_indices = #map1}, {transform_indices = #map}]} {
    %mul3A = arith.constant 2 : i32
    %mul3A_0 = arith.muli %arg1, %mul3A : i32
    %add3A = arith.addi %mul3A_0, %arg0 : i32
    %mul3A_1 = arith.constant 512 : i32
    %mul3A_2 = arith.muli %add3A, %mul3A_1 : i32
    %mul3A_3 = arith.constant 2560 : i32
    %mul3A_4 = arith.muli %add3A, %mul3A_3 : i32
    "tpu.region"() ({
      %run_scoped3A = tpu.sem_alloc : memref<!tpu.dma_semaphore, #tpu.memory_space<semaphore_mem>>
      %dma_start3A_392 = tpu.memref_slice %arg2[%mul3A_2] : memref<16384xi32, #tpu.memory_space<hbm>> -> memref<512xi32, #tpu.memory_space<hbm>>
      %dma_start3A_393 = tpu.memref_slice %arg2[%mul3A_2] : memref<16384xi32, #tpu.memory_space<hbm>> -> memref<512xi32, #tpu.memory_space<hbm>>
      tpu.enqueue_dma source(%dma_start3A_393 : memref<512xi32, #tpu.memory_space<hbm>>) target(%arg7 : memref<512xi32, #tpu.memory_space<vmem>>) target_semaphore(%run_scoped3A : memref<!tpu.dma_semaphore, #tpu.memory_space<semaphore_mem>>)
      %dma_wait3A_394 = tpu.memref_slice %arg2[%mul3A_2] : memref<16384xi32, #tpu.memory_space<hbm>> -> memref<512xi32, #tpu.memory_space<hbm>>
      %dma_wait3A_395 = tpu.memref_slice %arg2[%mul3A_2] : memref<16384xi32, #tpu.memory_space<hbm>> -> memref<512xi32, #tpu.memory_space<hbm>>
      tpu.wait_dma2 semaphore(%run_scoped3A : memref<!tpu.dma_semaphore, #tpu.memory_space<semaphore_mem>>) src(%dma_wait3A_395 : memref<512xi32, #tpu.memory_space<hbm>>) dst(%arg7 : memref<512xi32, #tpu.memory_space<vmem>>)
      tpu.yield
    }) : () -> ()
    "tpu.region"() ({
      %run_scoped3A = tpu.sem_alloc : memref<!tpu.dma_semaphore, #tpu.memory_space<semaphore_mem>>
      %dma_start3A_392 = tpu.memref_slice %arg3[%mul3A_4] : memref<81920xi32, #tpu.memory_space<hbm>> -> memref<2560xi32, #tpu.memory_space<hbm>>
      %dma_start3A_393 = tpu.memref_slice %arg3[%mul3A_4] : memref<81920xi32, #tpu.memory_space<hbm>> -> memref<2560xi32, #tpu.memory_space<hbm>>
      tpu.enqueue_dma source(%dma_start3A_393 : memref<2560xi32, #tpu.memory_space<hbm>>) target(%arg8 : memref<2560xi32, #tpu.memory_space<vmem>>) target_semaphore(%run_scoped3A : memref<!tpu.dma_semaphore, #tpu.memory_space<semaphore_mem>>)
      %dma_wait3A_394 = tpu.memref_slice %arg3[%mul3A_4] : memref<81920xi32, #tpu.memory_space<hbm>> -> memref<2560xi32, #tpu.memory_space<hbm>>
      %dma_wait3A_395 = tpu.memref_slice %arg3[%mul3A_4] : memref<81920xi32, #tpu.memory_space<hbm>> -> memref<2560xi32, #tpu.memory_space<hbm>>
      tpu.wait_dma2 semaphore(%run_scoped3A : memref<!tpu.dma_semaphore, #tpu.memory_space<semaphore_mem>>) src(%dma_wait3A_395 : memref<2560xi32, #tpu.memory_space<hbm>>) dst(%arg8 : memref<2560xi32, #tpu.memory_space<vmem>>)
      tpu.yield
    }) : () -> ()
    %dma_start3A = arith.constant 0 : i32
    %dma_start3A_5 = arith.constant 0 : i32
    %dma_start3A_6 = tpu.memref_slice %arg9[%dma_start3A, %dma_start3A_5] : memref<512x32xf32, #tpu.memory_space<vmem>> -> memref<128x32xf32, #tpu.memory_space<vmem>>
    %dma_start3A_7 = arith.constant 0 : i32
    %dma_start3A_8 = tpu.memref_slice %arg7[%dma_start3A_7] : memref<512xi32, #tpu.memory_space<vmem>> -> memref<128xi32, #tpu.memory_space<vmem>>
    %dma_start3A_9 = arith.constant 0 : i32
    %dma_start3A_10 = arith.constant 0 : i32
    %dma_start3A_11 = tpu.memref_slice %arg4[%dma_start3A_9, %dma_start3A_10] : memref<1000000x32xf32, #tpu.memory_space<hbm>> -> memref<1000000x32xf32, #tpu.memory_space<hbm>>
    tpu.enqueue_indirect_dma source(%dma_start3A_11 : memref<1000000x32xf32, #tpu.memory_space<hbm>>) target(%dma_start3A_6 : memref<128x32xf32, #tpu.memory_space<vmem>>) offsets(%dma_start3A_8 : memref<128xi32, #tpu.memory_space<vmem>>) semaphore(%arg12 : memref<!tpu.dma_semaphore, #tpu.memory_space<semaphore_mem>>)
    %dma_start3A_12 = arith.constant 128 : i32
    %dma_start3A_13 = arith.constant 0 : i32
    %dma_start3A_14 = tpu.memref_slice %arg9[%dma_start3A_12, %dma_start3A_13] : memref<512x32xf32, #tpu.memory_space<vmem>> -> memref<128x32xf32, #tpu.memory_space<vmem>>
    %dma_start3A_15 = arith.constant 128 : i32
    %dma_start3A_16 = tpu.memref_slice %arg7[%dma_start3A_15] : memref<512xi32, #tpu.memory_space<vmem>> -> memref<128xi32, #tpu.memory_space<vmem>>
    %dma_start3A_17 = arith.constant 0 : i32
    %dma_start3A_18 = arith.constant 0 : i32
    %dma_start3A_19 = tpu.memref_slice %arg4[%dma_start3A_17, %dma_start3A_18] : memref<1000000x32xf32, #tpu.memory_space<hbm>> -> memref<1000000x32xf32, #tpu.memory_space<hbm>>
    tpu.enqueue_indirect_dma source(%dma_start3A_19 : memref<1000000x32xf32, #tpu.memory_space<hbm>>) target(%dma_start3A_14 : memref<128x32xf32, #tpu.memory_space<vmem>>) offsets(%dma_start3A_16 : memref<128xi32, #tpu.memory_space<vmem>>) semaphore(%arg12 : memref<!tpu.dma_semaphore, #tpu.memory_space<semaphore_mem>>)
    %dma_start3A_20 = arith.constant 256 : i32
    %dma_start3A_21 = arith.constant 0 : i32
    %dma_start3A_22 = tpu.memref_slice %arg9[%dma_start3A_20, %dma_start3A_21] : memref<512x32xf32, #tpu.memory_space<vmem>> -> memref<128x32xf32, #tpu.memory_space<vmem>>
    %dma_start3A_23 = arith.constant 256 : i32
    %dma_start3A_24 = tpu.memref_slice %arg7[%dma_start3A_23] : memref<512xi32, #tpu.memory_space<vmem>> -> memref<128xi32, #tpu.memory_space<vmem>>
    %dma_start3A_25 = arith.constant 0 : i32
    %dma_start3A_26 = arith.constant 0 : i32
    %dma_start3A_27 = tpu.memref_slice %arg4[%dma_start3A_25, %dma_start3A_26] : memref<1000000x32xf32, #tpu.memory_space<hbm>> -> memref<1000000x32xf32, #tpu.memory_space<hbm>>
    tpu.enqueue_indirect_dma source(%dma_start3A_27 : memref<1000000x32xf32, #tpu.memory_space<hbm>>) target(%dma_start3A_22 : memref<128x32xf32, #tpu.memory_space<vmem>>) offsets(%dma_start3A_24 : memref<128xi32, #tpu.memory_space<vmem>>) semaphore(%arg12 : memref<!tpu.dma_semaphore, #tpu.memory_space<semaphore_mem>>)
    %dma_start3A_28 = arith.constant 384 : i32
    %dma_start3A_29 = arith.constant 0 : i32
    %dma_start3A_30 = tpu.memref_slice %arg9[%dma_start3A_28, %dma_start3A_29] : memref<512x32xf32, #tpu.memory_space<vmem>> -> memref<128x32xf32, #tpu.memory_space<vmem>>
    %dma_start3A_31 = arith.constant 384 : i32
    %dma_start3A_32 = tpu.memref_slice %arg7[%dma_start3A_31] : memref<512xi32, #tpu.memory_space<vmem>> -> memref<128xi32, #tpu.memory_space<vmem>>
    %dma_start3A_33 = arith.constant 0 : i32
    %dma_start3A_34 = arith.constant 0 : i32
    %dma_start3A_35 = tpu.memref_slice %arg4[%dma_start3A_33, %dma_start3A_34] : memref<1000000x32xf32, #tpu.memory_space<hbm>> -> memref<1000000x32xf32, #tpu.memory_space<hbm>>
    tpu.enqueue_indirect_dma source(%dma_start3A_35 : memref<1000000x32xf32, #tpu.memory_space<hbm>>) target(%dma_start3A_30 : memref<128x32xf32, #tpu.memory_space<vmem>>) offsets(%dma_start3A_32 : memref<128xi32, #tpu.memory_space<vmem>>) semaphore(%arg12 : memref<!tpu.dma_semaphore, #tpu.memory_space<semaphore_mem>>)
    %dma_start3A_36 = arith.constant 0 : i32
    %dma_start3A_37 = arith.constant 0 : i32
    %dma_start3A_38 = tpu.memref_slice %arg10[%dma_start3A_36, %dma_start3A_37] : memref<2560x32xf32, #tpu.memory_space<vmem>> -> memref<128x32xf32, #tpu.memory_space<vmem>>
    %dma_start3A_39 = arith.constant 0 : i32
    %dma_start3A_40 = tpu.memref_slice %arg8[%dma_start3A_39] : memref<2560xi32, #tpu.memory_space<vmem>> -> memref<128xi32, #tpu.memory_space<vmem>>
    %dma_start3A_41 = arith.constant 0 : i32
    %dma_start3A_42 = arith.constant 0 : i32
    %dma_start3A_43 = tpu.memref_slice %arg5[%dma_start3A_41, %dma_start3A_42] : memref<1000000x32xf32, #tpu.memory_space<hbm>> -> memref<1000000x32xf32, #tpu.memory_space<hbm>>
    tpu.enqueue_indirect_dma source(%dma_start3A_43 : memref<1000000x32xf32, #tpu.memory_space<hbm>>) target(%dma_start3A_38 : memref<128x32xf32, #tpu.memory_space<vmem>>) offsets(%dma_start3A_40 : memref<128xi32, #tpu.memory_space<vmem>>) semaphore(%arg12 : memref<!tpu.dma_semaphore, #tpu.memory_space<semaphore_mem>>)
    %dma_start3A_44 = arith.constant 128 : i32
    %dma_start3A_45 = arith.constant 0 : i32
    %dma_start3A_46 = tpu.memref_slice %arg10[%dma_start3A_44, %dma_start3A_45] : memref<2560x32xf32, #tpu.memory_space<vmem>> -> memref<128x32xf32, #tpu.memory_space<vmem>>
    %dma_start3A_47 = arith.constant 128 : i32
    %dma_start3A_48 = tpu.memref_slice %arg8[%dma_start3A_47] : memref<2560xi32, #tpu.memory_space<vmem>> -> memref<128xi32, #tpu.memory_space<vmem>>
    %dma_start3A_49 = arith.constant 0 : i32
    %dma_start3A_50 = arith.constant 0 : i32
    %dma_start3A_51 = tpu.memref_slice %arg5[%dma_start3A_49, %dma_start3A_50] : memref<1000000x32xf32, #tpu.memory_space<hbm>> -> memref<1000000x32xf32, #tpu.memory_space<hbm>>
    tpu.enqueue_indirect_dma source(%dma_start3A_51 : memref<1000000x32xf32, #tpu.memory_space<hbm>>) target(%dma_start3A_46 : memref<128x32xf32, #tpu.memory_space<vmem>>) offsets(%dma_start3A_48 : memref<128xi32, #tpu.memory_space<vmem>>) semaphore(%arg12 : memref<!tpu.dma_semaphore, #tpu.memory_space<semaphore_mem>>)
    %dma_start3A_52 = arith.constant 256 : i32
    %dma_start3A_53 = arith.constant 0 : i32
    %dma_start3A_54 = tpu.memref_slice %arg10[%dma_start3A_52, %dma_start3A_53] : memref<2560x32xf32, #tpu.memory_space<vmem>> -> memref<128x32xf32, #tpu.memory_space<vmem>>
    %dma_start3A_55 = arith.constant 256 : i32
    %dma_start3A_56 = tpu.memref_slice %arg8[%dma_start3A_55] : memref<2560xi32, #tpu.memory_space<vmem>> -> memref<128xi32, #tpu.memory_space<vmem>>
    %dma_start3A_57 = arith.constant 0 : i32
    %dma_start3A_58 = arith.constant 0 : i32
    %dma_start3A_59 = tpu.memref_slice %arg5[%dma_start3A_57, %dma_start3A_58] : memref<1000000x32xf32, #tpu.memory_space<hbm>> -> memref<1000000x32xf32, #tpu.memory_space<hbm>>
    tpu.enqueue_indirect_dma source(%dma_start3A_59 : memref<1000000x32xf32, #tpu.memory_space<hbm>>) target(%dma_start3A_54 : memref<128x32xf32, #tpu.memory_space<vmem>>) offsets(%dma_start3A_56 : memref<128xi32, #tpu.memory_space<vmem>>) semaphore(%arg12 : memref<!tpu.dma_semaphore, #tpu.memory_space<semaphore_mem>>)
    %dma_start3A_60 = arith.constant 384 : i32
    %dma_start3A_61 = arith.constant 0 : i32
    %dma_start3A_62 = tpu.memref_slice %arg10[%dma_start3A_60, %dma_start3A_61] : memref<2560x32xf32, #tpu.memory_space<vmem>> -> memref<128x32xf32, #tpu.memory_space<vmem>>
    %dma_start3A_63 = arith.constant 384 : i32
    %dma_start3A_64 = tpu.memref_slice %arg8[%dma_start3A_63] : memref<2560xi32, #tpu.memory_space<vmem>> -> memref<128xi32, #tpu.memory_space<vmem>>
    %dma_start3A_65 = arith.constant 0 : i32
    %dma_start3A_66 = arith.constant 0 : i32
    %dma_start3A_67 = tpu.memref_slice %arg5[%dma_start3A_65, %dma_start3A_66] : memref<1000000x32xf32, #tpu.memory_space<hbm>> -> memref<1000000x32xf32, #tpu.memory_space<hbm>>
    tpu.enqueue_indirect_dma source(%dma_start3A_67 : memref<1000000x32xf32, #tpu.memory_space<hbm>>) target(%dma_start3A_62 : memref<128x32xf32, #tpu.memory_space<vmem>>) offsets(%dma_start3A_64 : memref<128xi32, #tpu.memory_space<vmem>>) semaphore(%arg12 : memref<!tpu.dma_semaphore, #tpu.memory_space<semaphore_mem>>)
    %dma_start3A_68 = arith.constant 512 : i32
    %dma_start3A_69 = arith.constant 0 : i32
    %dma_start3A_70 = tpu.memref_slice %arg10[%dma_start3A_68, %dma_start3A_69] : memref<2560x32xf32, #tpu.memory_space<vmem>> -> memref<128x32xf32, #tpu.memory_space<vmem>>
    %dma_start3A_71 = arith.constant 512 : i32
    %dma_start3A_72 = tpu.memref_slice %arg8[%dma_start3A_71] : memref<2560xi32, #tpu.memory_space<vmem>> -> memref<128xi32, #tpu.memory_space<vmem>>
    %dma_start3A_73 = arith.constant 0 : i32
    %dma_start3A_74 = arith.constant 0 : i32
    %dma_start3A_75 = tpu.memref_slice %arg5[%dma_start3A_73, %dma_start3A_74] : memref<1000000x32xf32, #tpu.memory_space<hbm>> -> memref<1000000x32xf32, #tpu.memory_space<hbm>>
    tpu.enqueue_indirect_dma source(%dma_start3A_75 : memref<1000000x32xf32, #tpu.memory_space<hbm>>) target(%dma_start3A_70 : memref<128x32xf32, #tpu.memory_space<vmem>>) offsets(%dma_start3A_72 : memref<128xi32, #tpu.memory_space<vmem>>) semaphore(%arg12 : memref<!tpu.dma_semaphore, #tpu.memory_space<semaphore_mem>>)
    %dma_start3A_76 = arith.constant 640 : i32
    %dma_start3A_77 = arith.constant 0 : i32
    %dma_start3A_78 = tpu.memref_slice %arg10[%dma_start3A_76, %dma_start3A_77] : memref<2560x32xf32, #tpu.memory_space<vmem>> -> memref<128x32xf32, #tpu.memory_space<vmem>>
    %dma_start3A_79 = arith.constant 640 : i32
    %dma_start3A_80 = tpu.memref_slice %arg8[%dma_start3A_79] : memref<2560xi32, #tpu.memory_space<vmem>> -> memref<128xi32, #tpu.memory_space<vmem>>
    %dma_start3A_81 = arith.constant 0 : i32
    %dma_start3A_82 = arith.constant 0 : i32
    %dma_start3A_83 = tpu.memref_slice %arg5[%dma_start3A_81, %dma_start3A_82] : memref<1000000x32xf32, #tpu.memory_space<hbm>> -> memref<1000000x32xf32, #tpu.memory_space<hbm>>
    tpu.enqueue_indirect_dma source(%dma_start3A_83 : memref<1000000x32xf32, #tpu.memory_space<hbm>>) target(%dma_start3A_78 : memref<128x32xf32, #tpu.memory_space<vmem>>) offsets(%dma_start3A_80 : memref<128xi32, #tpu.memory_space<vmem>>) semaphore(%arg12 : memref<!tpu.dma_semaphore, #tpu.memory_space<semaphore_mem>>)
    %dma_start3A_84 = arith.constant 768 : i32
    %dma_start3A_85 = arith.constant 0 : i32
    %dma_start3A_86 = tpu.memref_slice %arg10[%dma_start3A_84, %dma_start3A_85] : memref<2560x32xf32, #tpu.memory_space<vmem>> -> memref<128x32xf32, #tpu.memory_space<vmem>>
    %dma_start3A_87 = arith.constant 768 : i32
    %dma_start3A_88 = tpu.memref_slice %arg8[%dma_start3A_87] : memref<2560xi32, #tpu.memory_space<vmem>> -> memref<128xi32, #tpu.memory_space<vmem>>
    %dma_start3A_89 = arith.constant 0 : i32
    %dma_start3A_90 = arith.constant 0 : i32
    %dma_start3A_91 = tpu.memref_slice %arg5[%dma_start3A_89, %dma_start3A_90] : memref<1000000x32xf32, #tpu.memory_space<hbm>> -> memref<1000000x32xf32, #tpu.memory_space<hbm>>
    tpu.enqueue_indirect_dma source(%dma_start3A_91 : memref<1000000x32xf32, #tpu.memory_space<hbm>>) target(%dma_start3A_86 : memref<128x32xf32, #tpu.memory_space<vmem>>) offsets(%dma_start3A_88 : memref<128xi32, #tpu.memory_space<vmem>>) semaphore(%arg12 : memref<!tpu.dma_semaphore, #tpu.memory_space<semaphore_mem>>)
    %dma_start3A_92 = arith.constant 896 : i32
    %dma_start3A_93 = arith.constant 0 : i32
    %dma_start3A_94 = tpu.memref_slice %arg10[%dma_start3A_92, %dma_start3A_93] : memref<2560x32xf32, #tpu.memory_space<vmem>> -> memref<128x32xf32, #tpu.memory_space<vmem>>
    %dma_start3A_95 = arith.constant 896 : i32
    %dma_start3A_96 = tpu.memref_slice %arg8[%dma_start3A_95] : memref<2560xi32, #tpu.memory_space<vmem>> -> memref<128xi32, #tpu.memory_space<vmem>>
    %dma_start3A_97 = arith.constant 0 : i32
    %dma_start3A_98 = arith.constant 0 : i32
    %dma_start3A_99 = tpu.memref_slice %arg5[%dma_start3A_97, %dma_start3A_98] : memref<1000000x32xf32, #tpu.memory_space<hbm>> -> memref<1000000x32xf32, #tpu.memory_space<hbm>>
    tpu.enqueue_indirect_dma source(%dma_start3A_99 : memref<1000000x32xf32, #tpu.memory_space<hbm>>) target(%dma_start3A_94 : memref<128x32xf32, #tpu.memory_space<vmem>>) offsets(%dma_start3A_96 : memref<128xi32, #tpu.memory_space<vmem>>) semaphore(%arg12 : memref<!tpu.dma_semaphore, #tpu.memory_space<semaphore_mem>>)
    %dma_start3A_100 = arith.constant 1024 : i32
    %dma_start3A_101 = arith.constant 0 : i32
    %dma_start3A_102 = tpu.memref_slice %arg10[%dma_start3A_100, %dma_start3A_101] : memref<2560x32xf32, #tpu.memory_space<vmem>> -> memref<128x32xf32, #tpu.memory_space<vmem>>
    %dma_start3A_103 = arith.constant 1024 : i32
    %dma_start3A_104 = tpu.memref_slice %arg8[%dma_start3A_103] : memref<2560xi32, #tpu.memory_space<vmem>> -> memref<128xi32, #tpu.memory_space<vmem>>
    %dma_start3A_105 = arith.constant 0 : i32
    %dma_start3A_106 = arith.constant 0 : i32
    %dma_start3A_107 = tpu.memref_slice %arg5[%dma_start3A_105, %dma_start3A_106] : memref<1000000x32xf32, #tpu.memory_space<hbm>> -> memref<1000000x32xf32, #tpu.memory_space<hbm>>
    tpu.enqueue_indirect_dma source(%dma_start3A_107 : memref<1000000x32xf32, #tpu.memory_space<hbm>>) target(%dma_start3A_102 : memref<128x32xf32, #tpu.memory_space<vmem>>) offsets(%dma_start3A_104 : memref<128xi32, #tpu.memory_space<vmem>>) semaphore(%arg12 : memref<!tpu.dma_semaphore, #tpu.memory_space<semaphore_mem>>)
    %dma_start3A_108 = arith.constant 1152 : i32
    %dma_start3A_109 = arith.constant 0 : i32
    %dma_start3A_110 = tpu.memref_slice %arg10[%dma_start3A_108, %dma_start3A_109] : memref<2560x32xf32, #tpu.memory_space<vmem>> -> memref<128x32xf32, #tpu.memory_space<vmem>>
    %dma_start3A_111 = arith.constant 1152 : i32
    %dma_start3A_112 = tpu.memref_slice %arg8[%dma_start3A_111] : memref<2560xi32, #tpu.memory_space<vmem>> -> memref<128xi32, #tpu.memory_space<vmem>>
    %dma_start3A_113 = arith.constant 0 : i32
    %dma_start3A_114 = arith.constant 0 : i32
    %dma_start3A_115 = tpu.memref_slice %arg5[%dma_start3A_113, %dma_start3A_114] : memref<1000000x32xf32, #tpu.memory_space<hbm>> -> memref<1000000x32xf32, #tpu.memory_space<hbm>>
    tpu.enqueue_indirect_dma source(%dma_start3A_115 : memref<1000000x32xf32, #tpu.memory_space<hbm>>) target(%dma_start3A_110 : memref<128x32xf32, #tpu.memory_space<vmem>>) offsets(%dma_start3A_112 : memref<128xi32, #tpu.memory_space<vmem>>) semaphore(%arg12 : memref<!tpu.dma_semaphore, #tpu.memory_space<semaphore_mem>>)
    %dma_start3A_116 = arith.constant 1280 : i32
    %dma_start3A_117 = arith.constant 0 : i32
    %dma_start3A_118 = tpu.memref_slice %arg10[%dma_start3A_116, %dma_start3A_117] : memref<2560x32xf32, #tpu.memory_space<vmem>> -> memref<128x32xf32, #tpu.memory_space<vmem>>
    %dma_start3A_119 = arith.constant 1280 : i32
    %dma_start3A_120 = tpu.memref_slice %arg8[%dma_start3A_119] : memref<2560xi32, #tpu.memory_space<vmem>> -> memref<128xi32, #tpu.memory_space<vmem>>
    %dma_start3A_121 = arith.constant 0 : i32
    %dma_start3A_122 = arith.constant 0 : i32
    %dma_start3A_123 = tpu.memref_slice %arg5[%dma_start3A_121, %dma_start3A_122] : memref<1000000x32xf32, #tpu.memory_space<hbm>> -> memref<1000000x32xf32, #tpu.memory_space<hbm>>
    tpu.enqueue_indirect_dma source(%dma_start3A_123 : memref<1000000x32xf32, #tpu.memory_space<hbm>>) target(%dma_start3A_118 : memref<128x32xf32, #tpu.memory_space<vmem>>) offsets(%dma_start3A_120 : memref<128xi32, #tpu.memory_space<vmem>>) semaphore(%arg12 : memref<!tpu.dma_semaphore, #tpu.memory_space<semaphore_mem>>)
    %dma_start3A_124 = arith.constant 1408 : i32
    %dma_start3A_125 = arith.constant 0 : i32
    %dma_start3A_126 = tpu.memref_slice %arg10[%dma_start3A_124, %dma_start3A_125] : memref<2560x32xf32, #tpu.memory_space<vmem>> -> memref<128x32xf32, #tpu.memory_space<vmem>>
    %dma_start3A_127 = arith.constant 1408 : i32
    %dma_start3A_128 = tpu.memref_slice %arg8[%dma_start3A_127] : memref<2560xi32, #tpu.memory_space<vmem>> -> memref<128xi32, #tpu.memory_space<vmem>>
    %dma_start3A_129 = arith.constant 0 : i32
    %dma_start3A_130 = arith.constant 0 : i32
    %dma_start3A_131 = tpu.memref_slice %arg5[%dma_start3A_129, %dma_start3A_130] : memref<1000000x32xf32, #tpu.memory_space<hbm>> -> memref<1000000x32xf32, #tpu.memory_space<hbm>>
    tpu.enqueue_indirect_dma source(%dma_start3A_131 : memref<1000000x32xf32, #tpu.memory_space<hbm>>) target(%dma_start3A_126 : memref<128x32xf32, #tpu.memory_space<vmem>>) offsets(%dma_start3A_128 : memref<128xi32, #tpu.memory_space<vmem>>) semaphore(%arg12 : memref<!tpu.dma_semaphore, #tpu.memory_space<semaphore_mem>>)
    %dma_start3A_132 = arith.constant 1536 : i32
    %dma_start3A_133 = arith.constant 0 : i32
    %dma_start3A_134 = tpu.memref_slice %arg10[%dma_start3A_132, %dma_start3A_133] : memref<2560x32xf32, #tpu.memory_space<vmem>> -> memref<128x32xf32, #tpu.memory_space<vmem>>
    %dma_start3A_135 = arith.constant 1536 : i32
    %dma_start3A_136 = tpu.memref_slice %arg8[%dma_start3A_135] : memref<2560xi32, #tpu.memory_space<vmem>> -> memref<128xi32, #tpu.memory_space<vmem>>
    %dma_start3A_137 = arith.constant 0 : i32
    %dma_start3A_138 = arith.constant 0 : i32
    %dma_start3A_139 = tpu.memref_slice %arg5[%dma_start3A_137, %dma_start3A_138] : memref<1000000x32xf32, #tpu.memory_space<hbm>> -> memref<1000000x32xf32, #tpu.memory_space<hbm>>
    tpu.enqueue_indirect_dma source(%dma_start3A_139 : memref<1000000x32xf32, #tpu.memory_space<hbm>>) target(%dma_start3A_134 : memref<128x32xf32, #tpu.memory_space<vmem>>) offsets(%dma_start3A_136 : memref<128xi32, #tpu.memory_space<vmem>>) semaphore(%arg12 : memref<!tpu.dma_semaphore, #tpu.memory_space<semaphore_mem>>)
    %dma_start3A_140 = arith.constant 1664 : i32
    %dma_start3A_141 = arith.constant 0 : i32
    %dma_start3A_142 = tpu.memref_slice %arg10[%dma_start3A_140, %dma_start3A_141] : memref<2560x32xf32, #tpu.memory_space<vmem>> -> memref<128x32xf32, #tpu.memory_space<vmem>>
    %dma_start3A_143 = arith.constant 1664 : i32
    %dma_start3A_144 = tpu.memref_slice %arg8[%dma_start3A_143] : memref<2560xi32, #tpu.memory_space<vmem>> -> memref<128xi32, #tpu.memory_space<vmem>>
    %dma_start3A_145 = arith.constant 0 : i32
    %dma_start3A_146 = arith.constant 0 : i32
    %dma_start3A_147 = tpu.memref_slice %arg5[%dma_start3A_145, %dma_start3A_146] : memref<1000000x32xf32, #tpu.memory_space<hbm>> -> memref<1000000x32xf32, #tpu.memory_space<hbm>>
    tpu.enqueue_indirect_dma source(%dma_start3A_147 : memref<1000000x32xf32, #tpu.memory_space<hbm>>) target(%dma_start3A_142 : memref<128x32xf32, #tpu.memory_space<vmem>>) offsets(%dma_start3A_144 : memref<128xi32, #tpu.memory_space<vmem>>) semaphore(%arg12 : memref<!tpu.dma_semaphore, #tpu.memory_space<semaphore_mem>>)
    %dma_start3A_148 = arith.constant 1792 : i32
    %dma_start3A_149 = arith.constant 0 : i32
    %dma_start3A_150 = tpu.memref_slice %arg10[%dma_start3A_148, %dma_start3A_149] : memref<2560x32xf32, #tpu.memory_space<vmem>> -> memref<128x32xf32, #tpu.memory_space<vmem>>
    %dma_start3A_151 = arith.constant 1792 : i32
    %dma_start3A_152 = tpu.memref_slice %arg8[%dma_start3A_151] : memref<2560xi32, #tpu.memory_space<vmem>> -> memref<128xi32, #tpu.memory_space<vmem>>
    %dma_start3A_153 = arith.constant 0 : i32
    %dma_start3A_154 = arith.constant 0 : i32
    %dma_start3A_155 = tpu.memref_slice %arg5[%dma_start3A_153, %dma_start3A_154] : memref<1000000x32xf32, #tpu.memory_space<hbm>> -> memref<1000000x32xf32, #tpu.memory_space<hbm>>
    tpu.enqueue_indirect_dma source(%dma_start3A_155 : memref<1000000x32xf32, #tpu.memory_space<hbm>>) target(%dma_start3A_150 : memref<128x32xf32, #tpu.memory_space<vmem>>) offsets(%dma_start3A_152 : memref<128xi32, #tpu.memory_space<vmem>>) semaphore(%arg12 : memref<!tpu.dma_semaphore, #tpu.memory_space<semaphore_mem>>)
    %dma_start3A_156 = arith.constant 1920 : i32
    %dma_start3A_157 = arith.constant 0 : i32
    %dma_start3A_158 = tpu.memref_slice %arg10[%dma_start3A_156, %dma_start3A_157] : memref<2560x32xf32, #tpu.memory_space<vmem>> -> memref<128x32xf32, #tpu.memory_space<vmem>>
    %dma_start3A_159 = arith.constant 1920 : i32
    %dma_start3A_160 = tpu.memref_slice %arg8[%dma_start3A_159] : memref<2560xi32, #tpu.memory_space<vmem>> -> memref<128xi32, #tpu.memory_space<vmem>>
    %dma_start3A_161 = arith.constant 0 : i32
    %dma_start3A_162 = arith.constant 0 : i32
    %dma_start3A_163 = tpu.memref_slice %arg5[%dma_start3A_161, %dma_start3A_162] : memref<1000000x32xf32, #tpu.memory_space<hbm>> -> memref<1000000x32xf32, #tpu.memory_space<hbm>>
    tpu.enqueue_indirect_dma source(%dma_start3A_163 : memref<1000000x32xf32, #tpu.memory_space<hbm>>) target(%dma_start3A_158 : memref<128x32xf32, #tpu.memory_space<vmem>>) offsets(%dma_start3A_160 : memref<128xi32, #tpu.memory_space<vmem>>) semaphore(%arg12 : memref<!tpu.dma_semaphore, #tpu.memory_space<semaphore_mem>>)
    %dma_start3A_164 = arith.constant 2048 : i32
    %dma_start3A_165 = arith.constant 0 : i32
    %dma_start3A_166 = tpu.memref_slice %arg10[%dma_start3A_164, %dma_start3A_165] : memref<2560x32xf32, #tpu.memory_space<vmem>> -> memref<128x32xf32, #tpu.memory_space<vmem>>
    %dma_start3A_167 = arith.constant 2048 : i32
    %dma_start3A_168 = tpu.memref_slice %arg8[%dma_start3A_167] : memref<2560xi32, #tpu.memory_space<vmem>> -> memref<128xi32, #tpu.memory_space<vmem>>
    %dma_start3A_169 = arith.constant 0 : i32
    %dma_start3A_170 = arith.constant 0 : i32
    %dma_start3A_171 = tpu.memref_slice %arg5[%dma_start3A_169, %dma_start3A_170] : memref<1000000x32xf32, #tpu.memory_space<hbm>> -> memref<1000000x32xf32, #tpu.memory_space<hbm>>
    tpu.enqueue_indirect_dma source(%dma_start3A_171 : memref<1000000x32xf32, #tpu.memory_space<hbm>>) target(%dma_start3A_166 : memref<128x32xf32, #tpu.memory_space<vmem>>) offsets(%dma_start3A_168 : memref<128xi32, #tpu.memory_space<vmem>>) semaphore(%arg12 : memref<!tpu.dma_semaphore, #tpu.memory_space<semaphore_mem>>)
    %dma_start3A_172 = arith.constant 2176 : i32
    %dma_start3A_173 = arith.constant 0 : i32
    %dma_start3A_174 = tpu.memref_slice %arg10[%dma_start3A_172, %dma_start3A_173] : memref<2560x32xf32, #tpu.memory_space<vmem>> -> memref<128x32xf32, #tpu.memory_space<vmem>>
    %dma_start3A_175 = arith.constant 2176 : i32
    %dma_start3A_176 = tpu.memref_slice %arg8[%dma_start3A_175] : memref<2560xi32, #tpu.memory_space<vmem>> -> memref<128xi32, #tpu.memory_space<vmem>>
    %dma_start3A_177 = arith.constant 0 : i32
    %dma_start3A_178 = arith.constant 0 : i32
    %dma_start3A_179 = tpu.memref_slice %arg5[%dma_start3A_177, %dma_start3A_178] : memref<1000000x32xf32, #tpu.memory_space<hbm>> -> memref<1000000x32xf32, #tpu.memory_space<hbm>>
    tpu.enqueue_indirect_dma source(%dma_start3A_179 : memref<1000000x32xf32, #tpu.memory_space<hbm>>) target(%dma_start3A_174 : memref<128x32xf32, #tpu.memory_space<vmem>>) offsets(%dma_start3A_176 : memref<128xi32, #tpu.memory_space<vmem>>) semaphore(%arg12 : memref<!tpu.dma_semaphore, #tpu.memory_space<semaphore_mem>>)
    %dma_start3A_180 = arith.constant 2304 : i32
    %dma_start3A_181 = arith.constant 0 : i32
    %dma_start3A_182 = tpu.memref_slice %arg10[%dma_start3A_180, %dma_start3A_181] : memref<2560x32xf32, #tpu.memory_space<vmem>> -> memref<128x32xf32, #tpu.memory_space<vmem>>
    %dma_start3A_183 = arith.constant 2304 : i32
    %dma_start3A_184 = tpu.memref_slice %arg8[%dma_start3A_183] : memref<2560xi32, #tpu.memory_space<vmem>> -> memref<128xi32, #tpu.memory_space<vmem>>
    %dma_start3A_185 = arith.constant 0 : i32
    %dma_start3A_186 = arith.constant 0 : i32
    %dma_start3A_187 = tpu.memref_slice %arg5[%dma_start3A_185, %dma_start3A_186] : memref<1000000x32xf32, #tpu.memory_space<hbm>> -> memref<1000000x32xf32, #tpu.memory_space<hbm>>
    tpu.enqueue_indirect_dma source(%dma_start3A_187 : memref<1000000x32xf32, #tpu.memory_space<hbm>>) target(%dma_start3A_182 : memref<128x32xf32, #tpu.memory_space<vmem>>) offsets(%dma_start3A_184 : memref<128xi32, #tpu.memory_space<vmem>>) semaphore(%arg12 : memref<!tpu.dma_semaphore, #tpu.memory_space<semaphore_mem>>)
    %dma_start3A_188 = arith.constant 2432 : i32
    %dma_start3A_189 = arith.constant 0 : i32
    %dma_start3A_190 = tpu.memref_slice %arg10[%dma_start3A_188, %dma_start3A_189] : memref<2560x32xf32, #tpu.memory_space<vmem>> -> memref<128x32xf32, #tpu.memory_space<vmem>>
    %dma_start3A_191 = arith.constant 2432 : i32
    %dma_start3A_192 = tpu.memref_slice %arg8[%dma_start3A_191] : memref<2560xi32, #tpu.memory_space<vmem>> -> memref<128xi32, #tpu.memory_space<vmem>>
    %dma_start3A_193 = arith.constant 0 : i32
    %dma_start3A_194 = arith.constant 0 : i32
    %dma_start3A_195 = tpu.memref_slice %arg5[%dma_start3A_193, %dma_start3A_194] : memref<1000000x32xf32, #tpu.memory_space<hbm>> -> memref<1000000x32xf32, #tpu.memory_space<hbm>>
    tpu.enqueue_indirect_dma source(%dma_start3A_195 : memref<1000000x32xf32, #tpu.memory_space<hbm>>) target(%dma_start3A_190 : memref<128x32xf32, #tpu.memory_space<vmem>>) offsets(%dma_start3A_192 : memref<128xi32, #tpu.memory_space<vmem>>) semaphore(%arg12 : memref<!tpu.dma_semaphore, #tpu.memory_space<semaphore_mem>>)
    %dma_wait3A = arith.constant 0 : i32
    %dma_wait3A_196 = arith.constant 0 : i32
    %dma_wait3A_197 = tpu.memref_slice %arg9[%dma_wait3A, %dma_wait3A_196] : memref<512x32xf32, #tpu.memory_space<vmem>> -> memref<128x32xf32, #tpu.memory_space<vmem>>
    %dma_wait3A_198 = arith.constant 0 : i32
    %dma_wait3A_199 = tpu.memref_slice %arg7[%dma_wait3A_198] : memref<512xi32, #tpu.memory_space<vmem>> -> memref<128xi32, #tpu.memory_space<vmem>>
    %dma_wait3A_200 = arith.constant 0 : i32
    %dma_wait3A_201 = arith.constant 0 : i32
    %dma_wait3A_202 = tpu.memref_slice %arg4[%dma_wait3A_200, %dma_wait3A_201] : memref<1000000x32xf32, #tpu.memory_space<hbm>> -> memref<1000000x32xf32, #tpu.memory_space<hbm>>
    tpu.wait_indirect_dma semaphore(%arg12 : memref<!tpu.dma_semaphore, #tpu.memory_space<semaphore_mem>>) src(%dma_wait3A_202 : memref<1000000x32xf32, #tpu.memory_space<hbm>>) dst(%dma_wait3A_197 : memref<128x32xf32, #tpu.memory_space<vmem>>)
    %dma_wait3A_203 = arith.constant 128 : i32
    %dma_wait3A_204 = arith.constant 0 : i32
    %dma_wait3A_205 = tpu.memref_slice %arg9[%dma_wait3A_203, %dma_wait3A_204] : memref<512x32xf32, #tpu.memory_space<vmem>> -> memref<128x32xf32, #tpu.memory_space<vmem>>
    %dma_wait3A_206 = arith.constant 128 : i32
    %dma_wait3A_207 = tpu.memref_slice %arg7[%dma_wait3A_206] : memref<512xi32, #tpu.memory_space<vmem>> -> memref<128xi32, #tpu.memory_space<vmem>>
    %dma_wait3A_208 = arith.constant 0 : i32
    %dma_wait3A_209 = arith.constant 0 : i32
    %dma_wait3A_210 = tpu.memref_slice %arg4[%dma_wait3A_208, %dma_wait3A_209] : memref<1000000x32xf32, #tpu.memory_space<hbm>> -> memref<1000000x32xf32, #tpu.memory_space<hbm>>
    tpu.wait_indirect_dma semaphore(%arg12 : memref<!tpu.dma_semaphore, #tpu.memory_space<semaphore_mem>>) src(%dma_wait3A_210 : memref<1000000x32xf32, #tpu.memory_space<hbm>>) dst(%dma_wait3A_205 : memref<128x32xf32, #tpu.memory_space<vmem>>)
    %dma_wait3A_211 = arith.constant 256 : i32
    %dma_wait3A_212 = arith.constant 0 : i32
    %dma_wait3A_213 = tpu.memref_slice %arg9[%dma_wait3A_211, %dma_wait3A_212] : memref<512x32xf32, #tpu.memory_space<vmem>> -> memref<128x32xf32, #tpu.memory_space<vmem>>
    %dma_wait3A_214 = arith.constant 256 : i32
    %dma_wait3A_215 = tpu.memref_slice %arg7[%dma_wait3A_214] : memref<512xi32, #tpu.memory_space<vmem>> -> memref<128xi32, #tpu.memory_space<vmem>>
    %dma_wait3A_216 = arith.constant 0 : i32
    %dma_wait3A_217 = arith.constant 0 : i32
    %dma_wait3A_218 = tpu.memref_slice %arg4[%dma_wait3A_216, %dma_wait3A_217] : memref<1000000x32xf32, #tpu.memory_space<hbm>> -> memref<1000000x32xf32, #tpu.memory_space<hbm>>
    tpu.wait_indirect_dma semaphore(%arg12 : memref<!tpu.dma_semaphore, #tpu.memory_space<semaphore_mem>>) src(%dma_wait3A_218 : memref<1000000x32xf32, #tpu.memory_space<hbm>>) dst(%dma_wait3A_213 : memref<128x32xf32, #tpu.memory_space<vmem>>)
    %dma_wait3A_219 = arith.constant 384 : i32
    %dma_wait3A_220 = arith.constant 0 : i32
    %dma_wait3A_221 = tpu.memref_slice %arg9[%dma_wait3A_219, %dma_wait3A_220] : memref<512x32xf32, #tpu.memory_space<vmem>> -> memref<128x32xf32, #tpu.memory_space<vmem>>
    %dma_wait3A_222 = arith.constant 384 : i32
    %dma_wait3A_223 = tpu.memref_slice %arg7[%dma_wait3A_222] : memref<512xi32, #tpu.memory_space<vmem>> -> memref<128xi32, #tpu.memory_space<vmem>>
    %dma_wait3A_224 = arith.constant 0 : i32
    %dma_wait3A_225 = arith.constant 0 : i32
    %dma_wait3A_226 = tpu.memref_slice %arg4[%dma_wait3A_224, %dma_wait3A_225] : memref<1000000x32xf32, #tpu.memory_space<hbm>> -> memref<1000000x32xf32, #tpu.memory_space<hbm>>
    tpu.wait_indirect_dma semaphore(%arg12 : memref<!tpu.dma_semaphore, #tpu.memory_space<semaphore_mem>>) src(%dma_wait3A_226 : memref<1000000x32xf32, #tpu.memory_space<hbm>>) dst(%dma_wait3A_221 : memref<128x32xf32, #tpu.memory_space<vmem>>)
    %dma_wait3A_227 = arith.constant 0 : i32
    %dma_wait3A_228 = arith.constant 0 : i32
    %dma_wait3A_229 = tpu.memref_slice %arg10[%dma_wait3A_227, %dma_wait3A_228] : memref<2560x32xf32, #tpu.memory_space<vmem>> -> memref<128x32xf32, #tpu.memory_space<vmem>>
    %dma_wait3A_230 = arith.constant 0 : i32
    %dma_wait3A_231 = tpu.memref_slice %arg8[%dma_wait3A_230] : memref<2560xi32, #tpu.memory_space<vmem>> -> memref<128xi32, #tpu.memory_space<vmem>>
    %dma_wait3A_232 = arith.constant 0 : i32
    %dma_wait3A_233 = arith.constant 0 : i32
    %dma_wait3A_234 = tpu.memref_slice %arg5[%dma_wait3A_232, %dma_wait3A_233] : memref<1000000x32xf32, #tpu.memory_space<hbm>> -> memref<1000000x32xf32, #tpu.memory_space<hbm>>
    tpu.wait_indirect_dma semaphore(%arg12 : memref<!tpu.dma_semaphore, #tpu.memory_space<semaphore_mem>>) src(%dma_wait3A_234 : memref<1000000x32xf32, #tpu.memory_space<hbm>>) dst(%dma_wait3A_229 : memref<128x32xf32, #tpu.memory_space<vmem>>)
    %dma_wait3A_235 = arith.constant 128 : i32
    %dma_wait3A_236 = arith.constant 0 : i32
    %dma_wait3A_237 = tpu.memref_slice %arg10[%dma_wait3A_235, %dma_wait3A_236] : memref<2560x32xf32, #tpu.memory_space<vmem>> -> memref<128x32xf32, #tpu.memory_space<vmem>>
    %dma_wait3A_238 = arith.constant 128 : i32
    %dma_wait3A_239 = tpu.memref_slice %arg8[%dma_wait3A_238] : memref<2560xi32, #tpu.memory_space<vmem>> -> memref<128xi32, #tpu.memory_space<vmem>>
    %dma_wait3A_240 = arith.constant 0 : i32
    %dma_wait3A_241 = arith.constant 0 : i32
    %dma_wait3A_242 = tpu.memref_slice %arg5[%dma_wait3A_240, %dma_wait3A_241] : memref<1000000x32xf32, #tpu.memory_space<hbm>> -> memref<1000000x32xf32, #tpu.memory_space<hbm>>
    tpu.wait_indirect_dma semaphore(%arg12 : memref<!tpu.dma_semaphore, #tpu.memory_space<semaphore_mem>>) src(%dma_wait3A_242 : memref<1000000x32xf32, #tpu.memory_space<hbm>>) dst(%dma_wait3A_237 : memref<128x32xf32, #tpu.memory_space<vmem>>)
    %dma_wait3A_243 = arith.constant 256 : i32
    %dma_wait3A_244 = arith.constant 0 : i32
    %dma_wait3A_245 = tpu.memref_slice %arg10[%dma_wait3A_243, %dma_wait3A_244] : memref<2560x32xf32, #tpu.memory_space<vmem>> -> memref<128x32xf32, #tpu.memory_space<vmem>>
    %dma_wait3A_246 = arith.constant 256 : i32
    %dma_wait3A_247 = tpu.memref_slice %arg8[%dma_wait3A_246] : memref<2560xi32, #tpu.memory_space<vmem>> -> memref<128xi32, #tpu.memory_space<vmem>>
    %dma_wait3A_248 = arith.constant 0 : i32
    %dma_wait3A_249 = arith.constant 0 : i32
    %dma_wait3A_250 = tpu.memref_slice %arg5[%dma_wait3A_248, %dma_wait3A_249] : memref<1000000x32xf32, #tpu.memory_space<hbm>> -> memref<1000000x32xf32, #tpu.memory_space<hbm>>
    tpu.wait_indirect_dma semaphore(%arg12 : memref<!tpu.dma_semaphore, #tpu.memory_space<semaphore_mem>>) src(%dma_wait3A_250 : memref<1000000x32xf32, #tpu.memory_space<hbm>>) dst(%dma_wait3A_245 : memref<128x32xf32, #tpu.memory_space<vmem>>)
    %dma_wait3A_251 = arith.constant 384 : i32
    %dma_wait3A_252 = arith.constant 0 : i32
    %dma_wait3A_253 = tpu.memref_slice %arg10[%dma_wait3A_251, %dma_wait3A_252] : memref<2560x32xf32, #tpu.memory_space<vmem>> -> memref<128x32xf32, #tpu.memory_space<vmem>>
    %dma_wait3A_254 = arith.constant 384 : i32
    %dma_wait3A_255 = tpu.memref_slice %arg8[%dma_wait3A_254] : memref<2560xi32, #tpu.memory_space<vmem>> -> memref<128xi32, #tpu.memory_space<vmem>>
    %dma_wait3A_256 = arith.constant 0 : i32
    %dma_wait3A_257 = arith.constant 0 : i32
    %dma_wait3A_258 = tpu.memref_slice %arg5[%dma_wait3A_256, %dma_wait3A_257] : memref<1000000x32xf32, #tpu.memory_space<hbm>> -> memref<1000000x32xf32, #tpu.memory_space<hbm>>
    tpu.wait_indirect_dma semaphore(%arg12 : memref<!tpu.dma_semaphore, #tpu.memory_space<semaphore_mem>>) src(%dma_wait3A_258 : memref<1000000x32xf32, #tpu.memory_space<hbm>>) dst(%dma_wait3A_253 : memref<128x32xf32, #tpu.memory_space<vmem>>)
    %dma_wait3A_259 = arith.constant 512 : i32
    %dma_wait3A_260 = arith.constant 0 : i32
    %dma_wait3A_261 = tpu.memref_slice %arg10[%dma_wait3A_259, %dma_wait3A_260] : memref<2560x32xf32, #tpu.memory_space<vmem>> -> memref<128x32xf32, #tpu.memory_space<vmem>>
    %dma_wait3A_262 = arith.constant 512 : i32
    %dma_wait3A_263 = tpu.memref_slice %arg8[%dma_wait3A_262] : memref<2560xi32, #tpu.memory_space<vmem>> -> memref<128xi32, #tpu.memory_space<vmem>>
    %dma_wait3A_264 = arith.constant 0 : i32
    %dma_wait3A_265 = arith.constant 0 : i32
    %dma_wait3A_266 = tpu.memref_slice %arg5[%dma_wait3A_264, %dma_wait3A_265] : memref<1000000x32xf32, #tpu.memory_space<hbm>> -> memref<1000000x32xf32, #tpu.memory_space<hbm>>
    tpu.wait_indirect_dma semaphore(%arg12 : memref<!tpu.dma_semaphore, #tpu.memory_space<semaphore_mem>>) src(%dma_wait3A_266 : memref<1000000x32xf32, #tpu.memory_space<hbm>>) dst(%dma_wait3A_261 : memref<128x32xf32, #tpu.memory_space<vmem>>)
    %dma_wait3A_267 = arith.constant 640 : i32
    %dma_wait3A_268 = arith.constant 0 : i32
    %dma_wait3A_269 = tpu.memref_slice %arg10[%dma_wait3A_267, %dma_wait3A_268] : memref<2560x32xf32, #tpu.memory_space<vmem>> -> memref<128x32xf32, #tpu.memory_space<vmem>>
    %dma_wait3A_270 = arith.constant 640 : i32
    %dma_wait3A_271 = tpu.memref_slice %arg8[%dma_wait3A_270] : memref<2560xi32, #tpu.memory_space<vmem>> -> memref<128xi32, #tpu.memory_space<vmem>>
    %dma_wait3A_272 = arith.constant 0 : i32
    %dma_wait3A_273 = arith.constant 0 : i32
    %dma_wait3A_274 = tpu.memref_slice %arg5[%dma_wait3A_272, %dma_wait3A_273] : memref<1000000x32xf32, #tpu.memory_space<hbm>> -> memref<1000000x32xf32, #tpu.memory_space<hbm>>
    tpu.wait_indirect_dma semaphore(%arg12 : memref<!tpu.dma_semaphore, #tpu.memory_space<semaphore_mem>>) src(%dma_wait3A_274 : memref<1000000x32xf32, #tpu.memory_space<hbm>>) dst(%dma_wait3A_269 : memref<128x32xf32, #tpu.memory_space<vmem>>)
    %dma_wait3A_275 = arith.constant 768 : i32
    %dma_wait3A_276 = arith.constant 0 : i32
    %dma_wait3A_277 = tpu.memref_slice %arg10[%dma_wait3A_275, %dma_wait3A_276] : memref<2560x32xf32, #tpu.memory_space<vmem>> -> memref<128x32xf32, #tpu.memory_space<vmem>>
    %dma_wait3A_278 = arith.constant 768 : i32
    %dma_wait3A_279 = tpu.memref_slice %arg8[%dma_wait3A_278] : memref<2560xi32, #tpu.memory_space<vmem>> -> memref<128xi32, #tpu.memory_space<vmem>>
    %dma_wait3A_280 = arith.constant 0 : i32
    %dma_wait3A_281 = arith.constant 0 : i32
    %dma_wait3A_282 = tpu.memref_slice %arg5[%dma_wait3A_280, %dma_wait3A_281] : memref<1000000x32xf32, #tpu.memory_space<hbm>> -> memref<1000000x32xf32, #tpu.memory_space<hbm>>
    tpu.wait_indirect_dma semaphore(%arg12 : memref<!tpu.dma_semaphore, #tpu.memory_space<semaphore_mem>>) src(%dma_wait3A_282 : memref<1000000x32xf32, #tpu.memory_space<hbm>>) dst(%dma_wait3A_277 : memref<128x32xf32, #tpu.memory_space<vmem>>)
    %dma_wait3A_283 = arith.constant 896 : i32
    %dma_wait3A_284 = arith.constant 0 : i32
    %dma_wait3A_285 = tpu.memref_slice %arg10[%dma_wait3A_283, %dma_wait3A_284] : memref<2560x32xf32, #tpu.memory_space<vmem>> -> memref<128x32xf32, #tpu.memory_space<vmem>>
    %dma_wait3A_286 = arith.constant 896 : i32
    %dma_wait3A_287 = tpu.memref_slice %arg8[%dma_wait3A_286] : memref<2560xi32, #tpu.memory_space<vmem>> -> memref<128xi32, #tpu.memory_space<vmem>>
    %dma_wait3A_288 = arith.constant 0 : i32
    %dma_wait3A_289 = arith.constant 0 : i32
    %dma_wait3A_290 = tpu.memref_slice %arg5[%dma_wait3A_288, %dma_wait3A_289] : memref<1000000x32xf32, #tpu.memory_space<hbm>> -> memref<1000000x32xf32, #tpu.memory_space<hbm>>
    tpu.wait_indirect_dma semaphore(%arg12 : memref<!tpu.dma_semaphore, #tpu.memory_space<semaphore_mem>>) src(%dma_wait3A_290 : memref<1000000x32xf32, #tpu.memory_space<hbm>>) dst(%dma_wait3A_285 : memref<128x32xf32, #tpu.memory_space<vmem>>)
    %dma_wait3A_291 = arith.constant 1024 : i32
    %dma_wait3A_292 = arith.constant 0 : i32
    %dma_wait3A_293 = tpu.memref_slice %arg10[%dma_wait3A_291, %dma_wait3A_292] : memref<2560x32xf32, #tpu.memory_space<vmem>> -> memref<128x32xf32, #tpu.memory_space<vmem>>
    %dma_wait3A_294 = arith.constant 1024 : i32
    %dma_wait3A_295 = tpu.memref_slice %arg8[%dma_wait3A_294] : memref<2560xi32, #tpu.memory_space<vmem>> -> memref<128xi32, #tpu.memory_space<vmem>>
    %dma_wait3A_296 = arith.constant 0 : i32
    %dma_wait3A_297 = arith.constant 0 : i32
    %dma_wait3A_298 = tpu.memref_slice %arg5[%dma_wait3A_296, %dma_wait3A_297] : memref<1000000x32xf32, #tpu.memory_space<hbm>> -> memref<1000000x32xf32, #tpu.memory_space<hbm>>
    tpu.wait_indirect_dma semaphore(%arg12 : memref<!tpu.dma_semaphore, #tpu.memory_space<semaphore_mem>>) src(%dma_wait3A_298 : memref<1000000x32xf32, #tpu.memory_space<hbm>>) dst(%dma_wait3A_293 : memref<128x32xf32, #tpu.memory_space<vmem>>)
    %dma_wait3A_299 = arith.constant 1152 : i32
    %dma_wait3A_300 = arith.constant 0 : i32
    %dma_wait3A_301 = tpu.memref_slice %arg10[%dma_wait3A_299, %dma_wait3A_300] : memref<2560x32xf32, #tpu.memory_space<vmem>> -> memref<128x32xf32, #tpu.memory_space<vmem>>
    %dma_wait3A_302 = arith.constant 1152 : i32
    %dma_wait3A_303 = tpu.memref_slice %arg8[%dma_wait3A_302] : memref<2560xi32, #tpu.memory_space<vmem>> -> memref<128xi32, #tpu.memory_space<vmem>>
    %dma_wait3A_304 = arith.constant 0 : i32
    %dma_wait3A_305 = arith.constant 0 : i32
    %dma_wait3A_306 = tpu.memref_slice %arg5[%dma_wait3A_304, %dma_wait3A_305] : memref<1000000x32xf32, #tpu.memory_space<hbm>> -> memref<1000000x32xf32, #tpu.memory_space<hbm>>
    tpu.wait_indirect_dma semaphore(%arg12 : memref<!tpu.dma_semaphore, #tpu.memory_space<semaphore_mem>>) src(%dma_wait3A_306 : memref<1000000x32xf32, #tpu.memory_space<hbm>>) dst(%dma_wait3A_301 : memref<128x32xf32, #tpu.memory_space<vmem>>)
    %dma_wait3A_307 = arith.constant 1280 : i32
    %dma_wait3A_308 = arith.constant 0 : i32
    %dma_wait3A_309 = tpu.memref_slice %arg10[%dma_wait3A_307, %dma_wait3A_308] : memref<2560x32xf32, #tpu.memory_space<vmem>> -> memref<128x32xf32, #tpu.memory_space<vmem>>
    %dma_wait3A_310 = arith.constant 1280 : i32
    %dma_wait3A_311 = tpu.memref_slice %arg8[%dma_wait3A_310] : memref<2560xi32, #tpu.memory_space<vmem>> -> memref<128xi32, #tpu.memory_space<vmem>>
    %dma_wait3A_312 = arith.constant 0 : i32
    %dma_wait3A_313 = arith.constant 0 : i32
    %dma_wait3A_314 = tpu.memref_slice %arg5[%dma_wait3A_312, %dma_wait3A_313] : memref<1000000x32xf32, #tpu.memory_space<hbm>> -> memref<1000000x32xf32, #tpu.memory_space<hbm>>
    tpu.wait_indirect_dma semaphore(%arg12 : memref<!tpu.dma_semaphore, #tpu.memory_space<semaphore_mem>>) src(%dma_wait3A_314 : memref<1000000x32xf32, #tpu.memory_space<hbm>>) dst(%dma_wait3A_309 : memref<128x32xf32, #tpu.memory_space<vmem>>)
    %dma_wait3A_315 = arith.constant 1408 : i32
    %dma_wait3A_316 = arith.constant 0 : i32
    %dma_wait3A_317 = tpu.memref_slice %arg10[%dma_wait3A_315, %dma_wait3A_316] : memref<2560x32xf32, #tpu.memory_space<vmem>> -> memref<128x32xf32, #tpu.memory_space<vmem>>
    %dma_wait3A_318 = arith.constant 1408 : i32
    %dma_wait3A_319 = tpu.memref_slice %arg8[%dma_wait3A_318] : memref<2560xi32, #tpu.memory_space<vmem>> -> memref<128xi32, #tpu.memory_space<vmem>>
    %dma_wait3A_320 = arith.constant 0 : i32
    %dma_wait3A_321 = arith.constant 0 : i32
    %dma_wait3A_322 = tpu.memref_slice %arg5[%dma_wait3A_320, %dma_wait3A_321] : memref<1000000x32xf32, #tpu.memory_space<hbm>> -> memref<1000000x32xf32, #tpu.memory_space<hbm>>
    tpu.wait_indirect_dma semaphore(%arg12 : memref<!tpu.dma_semaphore, #tpu.memory_space<semaphore_mem>>) src(%dma_wait3A_322 : memref<1000000x32xf32, #tpu.memory_space<hbm>>) dst(%dma_wait3A_317 : memref<128x32xf32, #tpu.memory_space<vmem>>)
    %dma_wait3A_323 = arith.constant 1536 : i32
    %dma_wait3A_324 = arith.constant 0 : i32
    %dma_wait3A_325 = tpu.memref_slice %arg10[%dma_wait3A_323, %dma_wait3A_324] : memref<2560x32xf32, #tpu.memory_space<vmem>> -> memref<128x32xf32, #tpu.memory_space<vmem>>
    %dma_wait3A_326 = arith.constant 1536 : i32
    %dma_wait3A_327 = tpu.memref_slice %arg8[%dma_wait3A_326] : memref<2560xi32, #tpu.memory_space<vmem>> -> memref<128xi32, #tpu.memory_space<vmem>>
    %dma_wait3A_328 = arith.constant 0 : i32
    %dma_wait3A_329 = arith.constant 0 : i32
    %dma_wait3A_330 = tpu.memref_slice %arg5[%dma_wait3A_328, %dma_wait3A_329] : memref<1000000x32xf32, #tpu.memory_space<hbm>> -> memref<1000000x32xf32, #tpu.memory_space<hbm>>
    tpu.wait_indirect_dma semaphore(%arg12 : memref<!tpu.dma_semaphore, #tpu.memory_space<semaphore_mem>>) src(%dma_wait3A_330 : memref<1000000x32xf32, #tpu.memory_space<hbm>>) dst(%dma_wait3A_325 : memref<128x32xf32, #tpu.memory_space<vmem>>)
    %dma_wait3A_331 = arith.constant 1664 : i32
    %dma_wait3A_332 = arith.constant 0 : i32
    %dma_wait3A_333 = tpu.memref_slice %arg10[%dma_wait3A_331, %dma_wait3A_332] : memref<2560x32xf32, #tpu.memory_space<vmem>> -> memref<128x32xf32, #tpu.memory_space<vmem>>
    %dma_wait3A_334 = arith.constant 1664 : i32
    %dma_wait3A_335 = tpu.memref_slice %arg8[%dma_wait3A_334] : memref<2560xi32, #tpu.memory_space<vmem>> -> memref<128xi32, #tpu.memory_space<vmem>>
    %dma_wait3A_336 = arith.constant 0 : i32
    %dma_wait3A_337 = arith.constant 0 : i32
    %dma_wait3A_338 = tpu.memref_slice %arg5[%dma_wait3A_336, %dma_wait3A_337] : memref<1000000x32xf32, #tpu.memory_space<hbm>> -> memref<1000000x32xf32, #tpu.memory_space<hbm>>
    tpu.wait_indirect_dma semaphore(%arg12 : memref<!tpu.dma_semaphore, #tpu.memory_space<semaphore_mem>>) src(%dma_wait3A_338 : memref<1000000x32xf32, #tpu.memory_space<hbm>>) dst(%dma_wait3A_333 : memref<128x32xf32, #tpu.memory_space<vmem>>)
    %dma_wait3A_339 = arith.constant 1792 : i32
    %dma_wait3A_340 = arith.constant 0 : i32
    %dma_wait3A_341 = tpu.memref_slice %arg10[%dma_wait3A_339, %dma_wait3A_340] : memref<2560x32xf32, #tpu.memory_space<vmem>> -> memref<128x32xf32, #tpu.memory_space<vmem>>
    %dma_wait3A_342 = arith.constant 1792 : i32
    %dma_wait3A_343 = tpu.memref_slice %arg8[%dma_wait3A_342] : memref<2560xi32, #tpu.memory_space<vmem>> -> memref<128xi32, #tpu.memory_space<vmem>>
    %dma_wait3A_344 = arith.constant 0 : i32
    %dma_wait3A_345 = arith.constant 0 : i32
    %dma_wait3A_346 = tpu.memref_slice %arg5[%dma_wait3A_344, %dma_wait3A_345] : memref<1000000x32xf32, #tpu.memory_space<hbm>> -> memref<1000000x32xf32, #tpu.memory_space<hbm>>
    tpu.wait_indirect_dma semaphore(%arg12 : memref<!tpu.dma_semaphore, #tpu.memory_space<semaphore_mem>>) src(%dma_wait3A_346 : memref<1000000x32xf32, #tpu.memory_space<hbm>>) dst(%dma_wait3A_341 : memref<128x32xf32, #tpu.memory_space<vmem>>)
    %dma_wait3A_347 = arith.constant 1920 : i32
    %dma_wait3A_348 = arith.constant 0 : i32
    %dma_wait3A_349 = tpu.memref_slice %arg10[%dma_wait3A_347, %dma_wait3A_348] : memref<2560x32xf32, #tpu.memory_space<vmem>> -> memref<128x32xf32, #tpu.memory_space<vmem>>
    %dma_wait3A_350 = arith.constant 1920 : i32
    %dma_wait3A_351 = tpu.memref_slice %arg8[%dma_wait3A_350] : memref<2560xi32, #tpu.memory_space<vmem>> -> memref<128xi32, #tpu.memory_space<vmem>>
    %dma_wait3A_352 = arith.constant 0 : i32
    %dma_wait3A_353 = arith.constant 0 : i32
    %dma_wait3A_354 = tpu.memref_slice %arg5[%dma_wait3A_352, %dma_wait3A_353] : memref<1000000x32xf32, #tpu.memory_space<hbm>> -> memref<1000000x32xf32, #tpu.memory_space<hbm>>
    tpu.wait_indirect_dma semaphore(%arg12 : memref<!tpu.dma_semaphore, #tpu.memory_space<semaphore_mem>>) src(%dma_wait3A_354 : memref<1000000x32xf32, #tpu.memory_space<hbm>>) dst(%dma_wait3A_349 : memref<128x32xf32, #tpu.memory_space<vmem>>)
    %dma_wait3A_355 = arith.constant 2048 : i32
    %dma_wait3A_356 = arith.constant 0 : i32
    %dma_wait3A_357 = tpu.memref_slice %arg10[%dma_wait3A_355, %dma_wait3A_356] : memref<2560x32xf32, #tpu.memory_space<vmem>> -> memref<128x32xf32, #tpu.memory_space<vmem>>
    %dma_wait3A_358 = arith.constant 2048 : i32
    %dma_wait3A_359 = tpu.memref_slice %arg8[%dma_wait3A_358] : memref<2560xi32, #tpu.memory_space<vmem>> -> memref<128xi32, #tpu.memory_space<vmem>>
    %dma_wait3A_360 = arith.constant 0 : i32
    %dma_wait3A_361 = arith.constant 0 : i32
    %dma_wait3A_362 = tpu.memref_slice %arg5[%dma_wait3A_360, %dma_wait3A_361] : memref<1000000x32xf32, #tpu.memory_space<hbm>> -> memref<1000000x32xf32, #tpu.memory_space<hbm>>
    tpu.wait_indirect_dma semaphore(%arg12 : memref<!tpu.dma_semaphore, #tpu.memory_space<semaphore_mem>>) src(%dma_wait3A_362 : memref<1000000x32xf32, #tpu.memory_space<hbm>>) dst(%dma_wait3A_357 : memref<128x32xf32, #tpu.memory_space<vmem>>)
    %dma_wait3A_363 = arith.constant 2176 : i32
    %dma_wait3A_364 = arith.constant 0 : i32
    %dma_wait3A_365 = tpu.memref_slice %arg10[%dma_wait3A_363, %dma_wait3A_364] : memref<2560x32xf32, #tpu.memory_space<vmem>> -> memref<128x32xf32, #tpu.memory_space<vmem>>
    %dma_wait3A_366 = arith.constant 2176 : i32
    %dma_wait3A_367 = tpu.memref_slice %arg8[%dma_wait3A_366] : memref<2560xi32, #tpu.memory_space<vmem>> -> memref<128xi32, #tpu.memory_space<vmem>>
    %dma_wait3A_368 = arith.constant 0 : i32
    %dma_wait3A_369 = arith.constant 0 : i32
    %dma_wait3A_370 = tpu.memref_slice %arg5[%dma_wait3A_368, %dma_wait3A_369] : memref<1000000x32xf32, #tpu.memory_space<hbm>> -> memref<1000000x32xf32, #tpu.memory_space<hbm>>
    tpu.wait_indirect_dma semaphore(%arg12 : memref<!tpu.dma_semaphore, #tpu.memory_space<semaphore_mem>>) src(%dma_wait3A_370 : memref<1000000x32xf32, #tpu.memory_space<hbm>>) dst(%dma_wait3A_365 : memref<128x32xf32, #tpu.memory_space<vmem>>)
    %dma_wait3A_371 = arith.constant 2304 : i32
    %dma_wait3A_372 = arith.constant 0 : i32
    %dma_wait3A_373 = tpu.memref_slice %arg10[%dma_wait3A_371, %dma_wait3A_372] : memref<2560x32xf32, #tpu.memory_space<vmem>> -> memref<128x32xf32, #tpu.memory_space<vmem>>
    %dma_wait3A_374 = arith.constant 2304 : i32
    %dma_wait3A_375 = tpu.memref_slice %arg8[%dma_wait3A_374] : memref<2560xi32, #tpu.memory_space<vmem>> -> memref<128xi32, #tpu.memory_space<vmem>>
    %dma_wait3A_376 = arith.constant 0 : i32
    %dma_wait3A_377 = arith.constant 0 : i32
    %dma_wait3A_378 = tpu.memref_slice %arg5[%dma_wait3A_376, %dma_wait3A_377] : memref<1000000x32xf32, #tpu.memory_space<hbm>> -> memref<1000000x32xf32, #tpu.memory_space<hbm>>
    tpu.wait_indirect_dma semaphore(%arg12 : memref<!tpu.dma_semaphore, #tpu.memory_space<semaphore_mem>>) src(%dma_wait3A_378 : memref<1000000x32xf32, #tpu.memory_space<hbm>>) dst(%dma_wait3A_373 : memref<128x32xf32, #tpu.memory_space<vmem>>)
    %dma_wait3A_379 = arith.constant 2432 : i32
    %dma_wait3A_380 = arith.constant 0 : i32
    %dma_wait3A_381 = tpu.memref_slice %arg10[%dma_wait3A_379, %dma_wait3A_380] : memref<2560x32xf32, #tpu.memory_space<vmem>> -> memref<128x32xf32, #tpu.memory_space<vmem>>
    %dma_wait3A_382 = arith.constant 2432 : i32
    %dma_wait3A_383 = tpu.memref_slice %arg8[%dma_wait3A_382] : memref<2560xi32, #tpu.memory_space<vmem>> -> memref<128xi32, #tpu.memory_space<vmem>>
    %dma_wait3A_384 = arith.constant 0 : i32
    %dma_wait3A_385 = arith.constant 0 : i32
    %dma_wait3A_386 = tpu.memref_slice %arg5[%dma_wait3A_384, %dma_wait3A_385] : memref<1000000x32xf32, #tpu.memory_space<hbm>> -> memref<1000000x32xf32, #tpu.memory_space<hbm>>
    tpu.wait_indirect_dma semaphore(%arg12 : memref<!tpu.dma_semaphore, #tpu.memory_space<semaphore_mem>>) src(%dma_wait3A_386 : memref<1000000x32xf32, #tpu.memory_space<hbm>>) dst(%dma_wait3A_381 : memref<128x32xf32, #tpu.memory_space<vmem>>)
    %iota3A = tpu.iota {dimensions = array<i32: 0>} : vector<16xi32>
    %scan3A = arith.constant 0 : i32
    %scan3A_387 = arith.constant 0 : i32
    %scan3A_388 = arith.constant 32 : i32
    %scan3A_389 = arith.addi %scan3A_387, %scan3A_388 : i32
    %scan3A_390 = arith.constant 1 : i32
    scf.for %scan3A_392 = %scan3A_387 to %scan3A_389 step %scan3A_390  : i32 {
      %mul3A_393 = arith.constant 16 : i32
      %mul3A_394 = arith.muli %scan3A_392, %mul3A_393 : i32
      %broadcast_in_dim3A = arith.constant 0.000000e+00 : f32
      %broadcast_in_dim3A_395 = vector.broadcast %broadcast_in_dim3A : f32 to vector<16xf32>
      %broadcast_in_dim3A_396 = arith.constant 0.000000e+00 : f32
      %broadcast_in_dim3A_397 = vector.broadcast %broadcast_in_dim3A_396 : f32 to vector<16xf32>
      %broadcast_in_dim3A_398 = arith.constant 0.000000e+00 : f32
      %broadcast_in_dim3A_399 = vector.broadcast %broadcast_in_dim3A_398 : f32 to vector<16xf32>
      %broadcast_in_dim3A_400 = arith.constant 0.000000e+00 : f32
      %broadcast_in_dim3A_401 = vector.broadcast %broadcast_in_dim3A_400 : f32 to vector<16xf32>
      %broadcast_in_dim3A_402 = arith.constant 0.000000e+00 : f32
      %broadcast_in_dim3A_403 = vector.broadcast %broadcast_in_dim3A_402 : f32 to vector<16xf32>
      %add3A_404 = arith.constant 0 : i32
      %add3A_405 = arith.addi %mul3A_394, %add3A_404 : i32
      %get3A = arith.index_cast %add3A_405 : i32 to index
      %get3A_406 = arith.constant 0 : index
      %get3A_407 = tpu.vector_load %arg9[%get3A, %get3A_406] {strides = array<i32>} : memref<512x32xf32, #tpu.memory_space<vmem>>, vector<16xf32>,
      %get3A_408 = arith.index_cast %add3A_405 : i32 to index
      %get3A_409 = arith.constant 16 : index
      %get3A_410 = tpu.vector_load %arg9[%get3A_408, %get3A_409] {strides = array<i32>} : memref<512x32xf32, #tpu.memory_space<vmem>>, vector<16xf32>,
      %mul3A_411 = arith.constant 5 : i32
      %mul3A_412 = arith.muli %add3A_405, %mul3A_411 : i32
      %add3A_413 = arith.constant 0 : i32
      %add3A_414 = arith.addi %mul3A_412, %add3A_413 : i32
      %get3A_415 = arith.index_cast %add3A_414 : i32 to index
      %get3A_416 = arith.constant 0 : index
      %get3A_417 = tpu.vector_load %arg10[%get3A_415, %get3A_416] {strides = array<i32>} : memref<2560x32xf32, #tpu.memory_space<vmem>>, vector<16xf32>,
      %mul3A_418 = arith.mulf %get3A_417, %get3A_407 : vector<16xf32>
      %get3A_419 = arith.index_cast %add3A_414 : i32 to index
      %get3A_420 = arith.constant 16 : index
      %get3A_421 = tpu.vector_load %arg10[%get3A_419, %get3A_420] {strides = array<i32>} : memref<2560x32xf32, #tpu.memory_space<vmem>>, vector<16xf32>,
      %mul3A_422 = arith.mulf %get3A_421, %get3A_410 : vector<16xf32>
      %add3A_423 = arith.addf %mul3A_418, %mul3A_422 : vector<16xf32>
      %reduce_sum3A = arith.constant true
      %reduce_sum3A_424 = vector.broadcast %reduce_sum3A : i1 to vector<16xi1>
      %reduce_sum3A_425 = tpu.scan <sum>, %add3A_423 masked %reduce_sum3A_424 : vector<16xf32>, vector<16xi1> -> vector<16xf32>
      %reduce_sum3A_426 = vector.extract %reduce_sum3A_425[15] : f32 from vector<16xf32>
      %eq3A = arith.constant 0 : i32
      %eq3A_427 = vector.broadcast %eq3A : i32 to vector<16xi32>
      %eq3A_428 = arith.cmpi eq, %iota3A, %eq3A_427 : vector<16xi32>
      %broadcast_in_dim3A_429 = vector.broadcast %reduce_sum3A_426 : f32 to vector<16xf32>
      %select_n3A = arith.select %eq3A_428, %broadcast_in_dim3A_429, %broadcast_in_dim3A_395 : vector<16xi1>, vector<16xf32>
      %mul3A_430 = arith.constant 5 : i32
      %mul3A_431 = arith.muli %add3A_405, %mul3A_430 : i32
      %add3A_432 = arith.constant 1 : i32
      %add3A_433 = arith.addi %mul3A_431, %add3A_432 : i32
      %get3A_434 = arith.index_cast %add3A_433 : i32 to index
      %get3A_435 = arith.constant 0 : index
      %get3A_436 = tpu.vector_load %arg10[%get3A_434, %get3A_435] {strides = array<i32>} : memref<2560x32xf32, #tpu.memory_space<vmem>>, vector<16xf32>,
      %mul3A_437 = arith.mulf %get3A_436, %get3A_407 : vector<16xf32>
      %get3A_438 = arith.index_cast %add3A_433 : i32 to index
      %get3A_439 = arith.constant 16 : index
      %get3A_440 = tpu.vector_load %arg10[%get3A_438, %get3A_439] {strides = array<i32>} : memref<2560x32xf32, #tpu.memory_space<vmem>>, vector<16xf32>,
      %mul3A_441 = arith.mulf %get3A_440, %get3A_410 : vector<16xf32>
      %add3A_442 = arith.addf %mul3A_437, %mul3A_441 : vector<16xf32>
      %reduce_sum3A_443 = arith.constant true
      %reduce_sum3A_444 = vector.broadcast %reduce_sum3A_443 : i1 to vector<16xi1>
      %reduce_sum3A_445 = tpu.scan <sum>, %add3A_442 masked %reduce_sum3A_444 : vector<16xf32>, vector<16xi1> -> vector<16xf32>
      %reduce_sum3A_446 = vector.extract %reduce_sum3A_445[15] : f32 from vector<16xf32>
      %eq3A_447 = arith.constant 1 : i32
      %eq3A_448 = vector.broadcast %eq3A_447 : i32 to vector<16xi32>
      %eq3A_449 = arith.cmpi eq, %iota3A, %eq3A_448 : vector<16xi32>
      %broadcast_in_dim3A_450 = vector.broadcast %reduce_sum3A_446 : f32 to vector<16xf32>
      %select_n3A_451 = arith.select %eq3A_449, %broadcast_in_dim3A_450, %select_n3A : vector<16xi1>, vector<16xf32>
      %mul3A_452 = arith.constant 5 : i32
      %mul3A_453 = arith.muli %add3A_405, %mul3A_452 : i32
      %add3A_454 = arith.constant 2 : i32
      %add3A_455 = arith.addi %mul3A_453, %add3A_454 : i32
      %get3A_456 = arith.index_cast %add3A_455 : i32 to index
      %get3A_457 = arith.constant 0 : index
      %get3A_458 = tpu.vector_load %arg10[%get3A_456, %get3A_457] {strides = array<i32>} : memref<2560x32xf32, #tpu.memory_space<vmem>>, vector<16xf32>,
      %mul3A_459 = arith.mulf %get3A_458, %get3A_407 : vector<16xf32>
      %get3A_460 = arith.index_cast %add3A_455 : i32 to index
      %get3A_461 = arith.constant 16 : index
      %get3A_462 = tpu.vector_load %arg10[%get3A_460, %get3A_461] {strides = array<i32>} : memref<2560x32xf32, #tpu.memory_space<vmem>>, vector<16xf32>,
      %mul3A_463 = arith.mulf %get3A_462, %get3A_410 : vector<16xf32>
      %add3A_464 = arith.addf %mul3A_459, %mul3A_463 : vector<16xf32>
      %reduce_sum3A_465 = arith.constant true
      %reduce_sum3A_466 = vector.broadcast %reduce_sum3A_465 : i1 to vector<16xi1>
      %reduce_sum3A_467 = tpu.scan <sum>, %add3A_464 masked %reduce_sum3A_466 : vector<16xf32>, vector<16xi1> -> vector<16xf32>
      %reduce_sum3A_468 = vector.extract %reduce_sum3A_467[15] : f32 from vector<16xf32>
      %eq3A_469 = arith.constant 2 : i32
      %eq3A_470 = vector.broadcast %eq3A_469 : i32 to vector<16xi32>
      %eq3A_471 = arith.cmpi eq, %iota3A, %eq3A_470 : vector<16xi32>
      %broadcast_in_dim3A_472 = vector.broadcast %reduce_sum3A_468 : f32 to vector<16xf32>
      %select_n3A_473 = arith.select %eq3A_471, %broadcast_in_dim3A_472, %select_n3A_451 : vector<16xi1>, vector<16xf32>
      %mul3A_474 = arith.constant 5 : i32
      %mul3A_475 = arith.muli %add3A_405, %mul3A_474 : i32
      %add3A_476 = arith.constant 3 : i32
      %add3A_477 = arith.addi %mul3A_475, %add3A_476 : i32
      %get3A_478 = arith.index_cast %add3A_477 : i32 to index
      %get3A_479 = arith.constant 0 : index
      %get3A_480 = tpu.vector_load %arg10[%get3A_478, %get3A_479] {strides = array<i32>} : memref<2560x32xf32, #tpu.memory_space<vmem>>, vector<16xf32>,
      %mul3A_481 = arith.mulf %get3A_480, %get3A_407 : vector<16xf32>
      %get3A_482 = arith.index_cast %add3A_477 : i32 to index
      %get3A_483 = arith.constant 16 : index
      %get3A_484 = tpu.vector_load %arg10[%get3A_482, %get3A_483] {strides = array<i32>} : memref<2560x32xf32, #tpu.memory_space<vmem>>, vector<16xf32>,
      %mul3A_485 = arith.mulf %get3A_484, %get3A_410 : vector<16xf32>
      %add3A_486 = arith.addf %mul3A_481, %mul3A_485 : vector<16xf32>
      %reduce_sum3A_487 = arith.constant true
      %reduce_sum3A_488 = vector.broadcast %reduce_sum3A_487 : i1 to vector<16xi1>
      %reduce_sum3A_489 = tpu.scan <sum>, %add3A_486 masked %reduce_sum3A_488 : vector<16xf32>, vector<16xi1> -> vector<16xf32>
      %reduce_sum3A_490 = vector.extract %reduce_sum3A_489[15] : f32 from vector<16xf32>
      %eq3A_491 = arith.constant 3 : i32
      %eq3A_492 = vector.broadcast %eq3A_491 : i32 to vector<16xi32>
      %eq3A_493 = arith.cmpi eq, %iota3A, %eq3A_492 : vector<16xi32>
      %broadcast_in_dim3A_494 = vector.broadcast %reduce_sum3A_490 : f32 to vector<16xf32>
      %select_n3A_495 = arith.select %eq3A_493, %broadcast_in_dim3A_494, %select_n3A_473 : vector<16xi1>, vector<16xf32>
      %mul3A_496 = arith.constant 5 : i32
      %mul3A_497 = arith.muli %add3A_405, %mul3A_496 : i32
      %add3A_498 = arith.constant 4 : i32
      %add3A_499 = arith.addi %mul3A_497, %add3A_498 : i32
      %get3A_500 = arith.index_cast %add3A_499 : i32 to index
      %get3A_501 = arith.constant 0 : index
      %get3A_502 = tpu.vector_load %arg10[%get3A_500, %get3A_501] {strides = array<i32>} : memref<2560x32xf32, #tpu.memory_space<vmem>>, vector<16xf32>,
      %mul3A_503 = arith.mulf %get3A_502, %get3A_407 : vector<16xf32>
      %get3A_504 = arith.index_cast %add3A_499 : i32 to index
      %get3A_505 = arith.constant 16 : index
      %get3A_506 = tpu.vector_load %arg10[%get3A_504, %get3A_505] {strides = array<i32>} : memref<2560x32xf32, #tpu.memory_space<vmem>>, vector<16xf32>,
      %mul3A_507 = arith.mulf %get3A_506, %get3A_410 : vector<16xf32>
      %add3A_508 = arith.addf %mul3A_503, %mul3A_507 : vector<16xf32>
      %reduce_sum3A_509 = arith.constant true
      %reduce_sum3A_510 = vector.broadcast %reduce_sum3A_509 : i1 to vector<16xi1>
      %reduce_sum3A_511 = tpu.scan <sum>, %add3A_508 masked %reduce_sum3A_510 : vector<16xf32>, vector<16xi1> -> vector<16xf32>
      %reduce_sum3A_512 = vector.extract %reduce_sum3A_511[15] : f32 from vector<16xf32>
      %eq3A_513 = arith.constant 4 : i32
      %eq3A_514 = vector.broadcast %eq3A_513 : i32 to vector<16xi32>
      %eq3A_515 = arith.cmpi eq, %iota3A, %eq3A_514 : vector<16xi32>
      %broadcast_in_dim3A_516 = vector.broadcast %reduce_sum3A_512 : f32 to vector<16xf32>
      %select_n3A_517 = arith.select %eq3A_515, %broadcast_in_dim3A_516, %select_n3A_495 : vector<16xi1>, vector<16xf32>
      %add3A_518 = arith.constant 1 : i32
      %add3A_519 = arith.addi %mul3A_394, %add3A_518 : i32
      %get3A_520 = arith.index_cast %add3A_519 : i32 to index
      %get3A_521 = arith.constant 0 : index
      %get3A_522 = tpu.vector_load %arg9[%get3A_520, %get3A_521] {strides = array<i32>} : memref<512x32xf32, #tpu.memory_space<vmem>>, vector<16xf32>,
      %get3A_523 = arith.index_cast %add3A_519 : i32 to index
      %get3A_524 = arith.constant 16 : index
      %get3A_525 = tpu.vector_load %arg9[%get3A_523, %get3A_524] {strides = array<i32>} : memref<512x32xf32, #tpu.memory_space<vmem>>, vector<16xf32>,
      %mul3A_526 = arith.constant 5 : i32
      %mul3A_527 = arith.muli %add3A_519, %mul3A_526 : i32
      %add3A_528 = arith.constant 0 : i32
      %add3A_529 = arith.addi %mul3A_527, %add3A_528 : i32
      %get3A_530 = arith.index_cast %add3A_529 : i32 to index
      %get3A_531 = arith.constant 0 : index
      %get3A_532 = tpu.vector_load %arg10[%get3A_530, %get3A_531] {strides = array<i32>} : memref<2560x32xf32, #tpu.memory_space<vmem>>, vector<16xf32>,
      %mul3A_533 = arith.mulf %get3A_532, %get3A_522 : vector<16xf32>
      %get3A_534 = arith.index_cast %add3A_529 : i32 to index
      %get3A_535 = arith.constant 16 : index
      %get3A_536 = tpu.vector_load %arg10[%get3A_534, %get3A_535] {strides = array<i32>} : memref<2560x32xf32, #tpu.memory_space<vmem>>, vector<16xf32>,
      %mul3A_537 = arith.mulf %get3A_536, %get3A_525 : vector<16xf32>
      %add3A_538 = arith.addf %mul3A_533, %mul3A_537 : vector<16xf32>
      %reduce_sum3A_539 = arith.constant true
      %reduce_sum3A_540 = vector.broadcast %reduce_sum3A_539 : i1 to vector<16xi1>
      %reduce_sum3A_541 = tpu.scan <sum>, %add3A_538 masked %reduce_sum3A_540 : vector<16xf32>, vector<16xi1> -> vector<16xf32>
      %reduce_sum3A_542 = vector.extract %reduce_sum3A_541[15] : f32 from vector<16xf32>
      %eq3A_543 = arith.constant 5 : i32
      %eq3A_544 = vector.broadcast %eq3A_543 : i32 to vector<16xi32>
      %eq3A_545 = arith.cmpi eq, %iota3A, %eq3A_544 : vector<16xi32>
      %broadcast_in_dim3A_546 = vector.broadcast %reduce_sum3A_542 : f32 to vector<16xf32>
      %select_n3A_547 = arith.select %eq3A_545, %broadcast_in_dim3A_546, %select_n3A_517 : vector<16xi1>, vector<16xf32>
      %mul3A_548 = arith.constant 5 : i32
      %mul3A_549 = arith.muli %add3A_519, %mul3A_548 : i32
      %add3A_550 = arith.constant 1 : i32
      %add3A_551 = arith.addi %mul3A_549, %add3A_550 : i32
      %get3A_552 = arith.index_cast %add3A_551 : i32 to index
      %get3A_553 = arith.constant 0 : index
      %get3A_554 = tpu.vector_load %arg10[%get3A_552, %get3A_553] {strides = array<i32>} : memref<2560x32xf32, #tpu.memory_space<vmem>>, vector<16xf32>,
      %mul3A_555 = arith.mulf %get3A_554, %get3A_522 : vector<16xf32>
      %get3A_556 = arith.index_cast %add3A_551 : i32 to index
      %get3A_557 = arith.constant 16 : index
      %get3A_558 = tpu.vector_load %arg10[%get3A_556, %get3A_557] {strides = array<i32>} : memref<2560x32xf32, #tpu.memory_space<vmem>>, vector<16xf32>,
      %mul3A_559 = arith.mulf %get3A_558, %get3A_525 : vector<16xf32>
      %add3A_560 = arith.addf %mul3A_555, %mul3A_559 : vector<16xf32>
      %reduce_sum3A_561 = arith.constant true
      %reduce_sum3A_562 = vector.broadcast %reduce_sum3A_561 : i1 to vector<16xi1>
      %reduce_sum3A_563 = tpu.scan <sum>, %add3A_560 masked %reduce_sum3A_562 : vector<16xf32>, vector<16xi1> -> vector<16xf32>
      %reduce_sum3A_564 = vector.extract %reduce_sum3A_563[15] : f32 from vector<16xf32>
      %eq3A_565 = arith.constant 6 : i32
      %eq3A_566 = vector.broadcast %eq3A_565 : i32 to vector<16xi32>
      %eq3A_567 = arith.cmpi eq, %iota3A, %eq3A_566 : vector<16xi32>
      %broadcast_in_dim3A_568 = vector.broadcast %reduce_sum3A_564 : f32 to vector<16xf32>
      %select_n3A_569 = arith.select %eq3A_567, %broadcast_in_dim3A_568, %select_n3A_547 : vector<16xi1>, vector<16xf32>
      %mul3A_570 = arith.constant 5 : i32
      %mul3A_571 = arith.muli %add3A_519, %mul3A_570 : i32
      %add3A_572 = arith.constant 2 : i32
      %add3A_573 = arith.addi %mul3A_571, %add3A_572 : i32
      %get3A_574 = arith.index_cast %add3A_573 : i32 to index
      %get3A_575 = arith.constant 0 : index
      %get3A_576 = tpu.vector_load %arg10[%get3A_574, %get3A_575] {strides = array<i32>} : memref<2560x32xf32, #tpu.memory_space<vmem>>, vector<16xf32>,
      %mul3A_577 = arith.mulf %get3A_576, %get3A_522 : vector<16xf32>
      %get3A_578 = arith.index_cast %add3A_573 : i32 to index
      %get3A_579 = arith.constant 16 : index
      %get3A_580 = tpu.vector_load %arg10[%get3A_578, %get3A_579] {strides = array<i32>} : memref<2560x32xf32, #tpu.memory_space<vmem>>, vector<16xf32>,
      %mul3A_581 = arith.mulf %get3A_580, %get3A_525 : vector<16xf32>
      %add3A_582 = arith.addf %mul3A_577, %mul3A_581 : vector<16xf32>
      %reduce_sum3A_583 = arith.constant true
      %reduce_sum3A_584 = vector.broadcast %reduce_sum3A_583 : i1 to vector<16xi1>
      %reduce_sum3A_585 = tpu.scan <sum>, %add3A_582 masked %reduce_sum3A_584 : vector<16xf32>, vector<16xi1> -> vector<16xf32>
      %reduce_sum3A_586 = vector.extract %reduce_sum3A_585[15] : f32 from vector<16xf32>
      %eq3A_587 = arith.constant 7 : i32
      %eq3A_588 = vector.broadcast %eq3A_587 : i32 to vector<16xi32>
      %eq3A_589 = arith.cmpi eq, %iota3A, %eq3A_588 : vector<16xi32>
      %broadcast_in_dim3A_590 = vector.broadcast %reduce_sum3A_586 : f32 to vector<16xf32>
      %select_n3A_591 = arith.select %eq3A_589, %broadcast_in_dim3A_590, %select_n3A_569 : vector<16xi1>, vector<16xf32>
      %mul3A_592 = arith.constant 5 : i32
      %mul3A_593 = arith.muli %add3A_519, %mul3A_592 : i32
      %add3A_594 = arith.constant 3 : i32
      %add3A_595 = arith.addi %mul3A_593, %add3A_594 : i32
      %get3A_596 = arith.index_cast %add3A_595 : i32 to index
      %get3A_597 = arith.constant 0 : index
      %get3A_598 = tpu.vector_load %arg10[%get3A_596, %get3A_597] {strides = array<i32>} : memref<2560x32xf32, #tpu.memory_space<vmem>>, vector<16xf32>,
      %mul3A_599 = arith.mulf %get3A_598, %get3A_522 : vector<16xf32>
      %get3A_600 = arith.index_cast %add3A_595 : i32 to index
      %get3A_601 = arith.constant 16 : index
      %get3A_602 = tpu.vector_load %arg10[%get3A_600, %get3A_601] {strides = array<i32>} : memref<2560x32xf32, #tpu.memory_space<vmem>>, vector<16xf32>,
      %mul3A_603 = arith.mulf %get3A_602, %get3A_525 : vector<16xf32>
      %add3A_604 = arith.addf %mul3A_599, %mul3A_603 : vector<16xf32>
      %reduce_sum3A_605 = arith.constant true
      %reduce_sum3A_606 = vector.broadcast %reduce_sum3A_605 : i1 to vector<16xi1>
      %reduce_sum3A_607 = tpu.scan <sum>, %add3A_604 masked %reduce_sum3A_606 : vector<16xf32>, vector<16xi1> -> vector<16xf32>
      %reduce_sum3A_608 = vector.extract %reduce_sum3A_607[15] : f32 from vector<16xf32>
      %eq3A_609 = arith.constant 8 : i32
      %eq3A_610 = vector.broadcast %eq3A_609 : i32 to vector<16xi32>
      %eq3A_611 = arith.cmpi eq, %iota3A, %eq3A_610 : vector<16xi32>
      %broadcast_in_dim3A_612 = vector.broadcast %reduce_sum3A_608 : f32 to vector<16xf32>
      %select_n3A_613 = arith.select %eq3A_611, %broadcast_in_dim3A_612, %select_n3A_591 : vector<16xi1>, vector<16xf32>
      %mul3A_614 = arith.constant 5 : i32
      %mul3A_615 = arith.muli %add3A_519, %mul3A_614 : i32
      %add3A_616 = arith.constant 4 : i32
      %add3A_617 = arith.addi %mul3A_615, %add3A_616 : i32
      %get3A_618 = arith.index_cast %add3A_617 : i32 to index
      %get3A_619 = arith.constant 0 : index
      %get3A_620 = tpu.vector_load %arg10[%get3A_618, %get3A_619] {strides = array<i32>} : memref<2560x32xf32, #tpu.memory_space<vmem>>, vector<16xf32>,
      %mul3A_621 = arith.mulf %get3A_620, %get3A_522 : vector<16xf32>
      %get3A_622 = arith.index_cast %add3A_617 : i32 to index
      %get3A_623 = arith.constant 16 : index
      %get3A_624 = tpu.vector_load %arg10[%get3A_622, %get3A_623] {strides = array<i32>} : memref<2560x32xf32, #tpu.memory_space<vmem>>, vector<16xf32>,
      %mul3A_625 = arith.mulf %get3A_624, %get3A_525 : vector<16xf32>
      %add3A_626 = arith.addf %mul3A_621, %mul3A_625 : vector<16xf32>
      %reduce_sum3A_627 = arith.constant true
      %reduce_sum3A_628 = vector.broadcast %reduce_sum3A_627 : i1 to vector<16xi1>
      %reduce_sum3A_629 = tpu.scan <sum>, %add3A_626 masked %reduce_sum3A_628 : vector<16xf32>, vector<16xi1> -> vector<16xf32>
      %reduce_sum3A_630 = vector.extract %reduce_sum3A_629[15] : f32 from vector<16xf32>
      %eq3A_631 = arith.constant 9 : i32
      %eq3A_632 = vector.broadcast %eq3A_631 : i32 to vector<16xi32>
      %eq3A_633 = arith.cmpi eq, %iota3A, %eq3A_632 : vector<16xi32>
      %broadcast_in_dim3A_634 = vector.broadcast %reduce_sum3A_630 : f32 to vector<16xf32>
      %select_n3A_635 = arith.select %eq3A_633, %broadcast_in_dim3A_634, %select_n3A_613 : vector<16xi1>, vector<16xf32>
      %add3A_636 = arith.constant 2 : i32
      %add3A_637 = arith.addi %mul3A_394, %add3A_636 : i32
      %get3A_638 = arith.index_cast %add3A_637 : i32 to index
      %get3A_639 = arith.constant 0 : index
      %get3A_640 = tpu.vector_load %arg9[%get3A_638, %get3A_639] {strides = array<i32>} : memref<512x32xf32, #tpu.memory_space<vmem>>, vector<16xf32>,
      %get3A_641 = arith.index_cast %add3A_637 : i32 to index
      %get3A_642 = arith.constant 16 : index
      %get3A_643 = tpu.vector_load %arg9[%get3A_641, %get3A_642] {strides = array<i32>} : memref<512x32xf32, #tpu.memory_space<vmem>>, vector<16xf32>,
      %mul3A_644 = arith.constant 5 : i32
      %mul3A_645 = arith.muli %add3A_637, %mul3A_644 : i32
      %add3A_646 = arith.constant 0 : i32
      %add3A_647 = arith.addi %mul3A_645, %add3A_646 : i32
      %get3A_648 = arith.index_cast %add3A_647 : i32 to index
      %get3A_649 = arith.constant 0 : index
      %get3A_650 = tpu.vector_load %arg10[%get3A_648, %get3A_649] {strides = array<i32>} : memref<2560x32xf32, #tpu.memory_space<vmem>>, vector<16xf32>,
      %mul3A_651 = arith.mulf %get3A_650, %get3A_640 : vector<16xf32>
      %get3A_652 = arith.index_cast %add3A_647 : i32 to index
      %get3A_653 = arith.constant 16 : index
      %get3A_654 = tpu.vector_load %arg10[%get3A_652, %get3A_653] {strides = array<i32>} : memref<2560x32xf32, #tpu.memory_space<vmem>>, vector<16xf32>,
      %mul3A_655 = arith.mulf %get3A_654, %get3A_643 : vector<16xf32>
      %add3A_656 = arith.addf %mul3A_651, %mul3A_655 : vector<16xf32>
      %reduce_sum3A_657 = arith.constant true
      %reduce_sum3A_658 = vector.broadcast %reduce_sum3A_657 : i1 to vector<16xi1>
      %reduce_sum3A_659 = tpu.scan <sum>, %add3A_656 masked %reduce_sum3A_658 : vector<16xf32>, vector<16xi1> -> vector<16xf32>
      %reduce_sum3A_660 = vector.extract %reduce_sum3A_659[15] : f32 from vector<16xf32>
      %eq3A_661 = arith.constant 10 : i32
      %eq3A_662 = vector.broadcast %eq3A_661 : i32 to vector<16xi32>
      %eq3A_663 = arith.cmpi eq, %iota3A, %eq3A_662 : vector<16xi32>
      %broadcast_in_dim3A_664 = vector.broadcast %reduce_sum3A_660 : f32 to vector<16xf32>
      %select_n3A_665 = arith.select %eq3A_663, %broadcast_in_dim3A_664, %select_n3A_635 : vector<16xi1>, vector<16xf32>
      %mul3A_666 = arith.constant 5 : i32
      %mul3A_667 = arith.muli %add3A_637, %mul3A_666 : i32
      %add3A_668 = arith.constant 1 : i32
      %add3A_669 = arith.addi %mul3A_667, %add3A_668 : i32
      %get3A_670 = arith.index_cast %add3A_669 : i32 to index
      %get3A_671 = arith.constant 0 : index
      %get3A_672 = tpu.vector_load %arg10[%get3A_670, %get3A_671] {strides = array<i32>} : memref<2560x32xf32, #tpu.memory_space<vmem>>, vector<16xf32>,
      %mul3A_673 = arith.mulf %get3A_672, %get3A_640 : vector<16xf32>
      %get3A_674 = arith.index_cast %add3A_669 : i32 to index
      %get3A_675 = arith.constant 16 : index
      %get3A_676 = tpu.vector_load %arg10[%get3A_674, %get3A_675] {strides = array<i32>} : memref<2560x32xf32, #tpu.memory_space<vmem>>, vector<16xf32>,
      %mul3A_677 = arith.mulf %get3A_676, %get3A_643 : vector<16xf32>
      %add3A_678 = arith.addf %mul3A_673, %mul3A_677 : vector<16xf32>
      %reduce_sum3A_679 = arith.constant true
      %reduce_sum3A_680 = vector.broadcast %reduce_sum3A_679 : i1 to vector<16xi1>
      %reduce_sum3A_681 = tpu.scan <sum>, %add3A_678 masked %reduce_sum3A_680 : vector<16xf32>, vector<16xi1> -> vector<16xf32>
      %reduce_sum3A_682 = vector.extract %reduce_sum3A_681[15] : f32 from vector<16xf32>
      %eq3A_683 = arith.constant 11 : i32
      %eq3A_684 = vector.broadcast %eq3A_683 : i32 to vector<16xi32>
      %eq3A_685 = arith.cmpi eq, %iota3A, %eq3A_684 : vector<16xi32>
      %broadcast_in_dim3A_686 = vector.broadcast %reduce_sum3A_682 : f32 to vector<16xf32>
      %select_n3A_687 = arith.select %eq3A_685, %broadcast_in_dim3A_686, %select_n3A_665 : vector<16xi1>, vector<16xf32>
      %mul3A_688 = arith.constant 5 : i32
      %mul3A_689 = arith.muli %add3A_637, %mul3A_688 : i32
      %add3A_690 = arith.constant 2 : i32
      %add3A_691 = arith.addi %mul3A_689, %add3A_690 : i32
      %get3A_692 = arith.index_cast %add3A_691 : i32 to index
      %get3A_693 = arith.constant 0 : index
      %get3A_694 = tpu.vector_load %arg10[%get3A_692, %get3A_693] {strides = array<i32>} : memref<2560x32xf32, #tpu.memory_space<vmem>>, vector<16xf32>,
      %mul3A_695 = arith.mulf %get3A_694, %get3A_640 : vector<16xf32>
      %get3A_696 = arith.index_cast %add3A_691 : i32 to index
      %get3A_697 = arith.constant 16 : index
      %get3A_698 = tpu.vector_load %arg10[%get3A_696, %get3A_697] {strides = array<i32>} : memref<2560x32xf32, #tpu.memory_space<vmem>>, vector<16xf32>,
      %mul3A_699 = arith.mulf %get3A_698, %get3A_643 : vector<16xf32>
      %add3A_700 = arith.addf %mul3A_695, %mul3A_699 : vector<16xf32>
      %reduce_sum3A_701 = arith.constant true
      %reduce_sum3A_702 = vector.broadcast %reduce_sum3A_701 : i1 to vector<16xi1>
      %reduce_sum3A_703 = tpu.scan <sum>, %add3A_700 masked %reduce_sum3A_702 : vector<16xf32>, vector<16xi1> -> vector<16xf32>
      %reduce_sum3A_704 = vector.extract %reduce_sum3A_703[15] : f32 from vector<16xf32>
      %eq3A_705 = arith.constant 12 : i32
      %eq3A_706 = vector.broadcast %eq3A_705 : i32 to vector<16xi32>
      %eq3A_707 = arith.cmpi eq, %iota3A, %eq3A_706 : vector<16xi32>
      %broadcast_in_dim3A_708 = vector.broadcast %reduce_sum3A_704 : f32 to vector<16xf32>
      %select_n3A_709 = arith.select %eq3A_707, %broadcast_in_dim3A_708, %select_n3A_687 : vector<16xi1>, vector<16xf32>
      %mul3A_710 = arith.constant 5 : i32
      %mul3A_711 = arith.muli %add3A_637, %mul3A_710 : i32
      %add3A_712 = arith.constant 3 : i32
      %add3A_713 = arith.addi %mul3A_711, %add3A_712 : i32
      %get3A_714 = arith.index_cast %add3A_713 : i32 to index
      %get3A_715 = arith.constant 0 : index
      %get3A_716 = tpu.vector_load %arg10[%get3A_714, %get3A_715] {strides = array<i32>} : memref<2560x32xf32, #tpu.memory_space<vmem>>, vector<16xf32>,
      %mul3A_717 = arith.mulf %get3A_716, %get3A_640 : vector<16xf32>
      %get3A_718 = arith.index_cast %add3A_713 : i32 to index
      %get3A_719 = arith.constant 16 : index
      %get3A_720 = tpu.vector_load %arg10[%get3A_718, %get3A_719] {strides = array<i32>} : memref<2560x32xf32, #tpu.memory_space<vmem>>, vector<16xf32>,
      %mul3A_721 = arith.mulf %get3A_720, %get3A_643 : vector<16xf32>
      %add3A_722 = arith.addf %mul3A_717, %mul3A_721 : vector<16xf32>
      %reduce_sum3A_723 = arith.constant true
      %reduce_sum3A_724 = vector.broadcast %reduce_sum3A_723 : i1 to vector<16xi1>
      %reduce_sum3A_725 = tpu.scan <sum>, %add3A_722 masked %reduce_sum3A_724 : vector<16xf32>, vector<16xi1> -> vector<16xf32>
      %reduce_sum3A_726 = vector.extract %reduce_sum3A_725[15] : f32 from vector<16xf32>
      %eq3A_727 = arith.constant 13 : i32
      %eq3A_728 = vector.broadcast %eq3A_727 : i32 to vector<16xi32>
      %eq3A_729 = arith.cmpi eq, %iota3A, %eq3A_728 : vector<16xi32>
      %broadcast_in_dim3A_730 = vector.broadcast %reduce_sum3A_726 : f32 to vector<16xf32>
      %select_n3A_731 = arith.select %eq3A_729, %broadcast_in_dim3A_730, %select_n3A_709 : vector<16xi1>, vector<16xf32>
      %mul3A_732 = arith.constant 5 : i32
      %mul3A_733 = arith.muli %add3A_637, %mul3A_732 : i32
      %add3A_734 = arith.constant 4 : i32
      %add3A_735 = arith.addi %mul3A_733, %add3A_734 : i32
      %get3A_736 = arith.index_cast %add3A_735 : i32 to index
      %get3A_737 = arith.constant 0 : index
      %get3A_738 = tpu.vector_load %arg10[%get3A_736, %get3A_737] {strides = array<i32>} : memref<2560x32xf32, #tpu.memory_space<vmem>>, vector<16xf32>,
      %mul3A_739 = arith.mulf %get3A_738, %get3A_640 : vector<16xf32>
      %get3A_740 = arith.index_cast %add3A_735 : i32 to index
      %get3A_741 = arith.constant 16 : index
      %get3A_742 = tpu.vector_load %arg10[%get3A_740, %get3A_741] {strides = array<i32>} : memref<2560x32xf32, #tpu.memory_space<vmem>>, vector<16xf32>,
      %mul3A_743 = arith.mulf %get3A_742, %get3A_643 : vector<16xf32>
      %add3A_744 = arith.addf %mul3A_739, %mul3A_743 : vector<16xf32>
      %reduce_sum3A_745 = arith.constant true
      %reduce_sum3A_746 = vector.broadcast %reduce_sum3A_745 : i1 to vector<16xi1>
      %reduce_sum3A_747 = tpu.scan <sum>, %add3A_744 masked %reduce_sum3A_746 : vector<16xf32>, vector<16xi1> -> vector<16xf32>
      %reduce_sum3A_748 = vector.extract %reduce_sum3A_747[15] : f32 from vector<16xf32>
      %eq3A_749 = arith.constant 14 : i32
      %eq3A_750 = vector.broadcast %eq3A_749 : i32 to vector<16xi32>
      %eq3A_751 = arith.cmpi eq, %iota3A, %eq3A_750 : vector<16xi32>
      %broadcast_in_dim3A_752 = vector.broadcast %reduce_sum3A_748 : f32 to vector<16xf32>
      %select_n3A_753 = arith.select %eq3A_751, %broadcast_in_dim3A_752, %select_n3A_731 : vector<16xi1>, vector<16xf32>
      %add3A_754 = arith.constant 3 : i32
      %add3A_755 = arith.addi %mul3A_394, %add3A_754 : i32
      %get3A_756 = arith.index_cast %add3A_755 : i32 to index
      %get3A_757 = arith.constant 0 : index
      %get3A_758 = tpu.vector_load %arg9[%get3A_756, %get3A_757] {strides = array<i32>} : memref<512x32xf32, #tpu.memory_space<vmem>>, vector<16xf32>,
      %get3A_759 = arith.index_cast %add3A_755 : i32 to index
      %get3A_760 = arith.constant 16 : index
      %get3A_761 = tpu.vector_load %arg9[%get3A_759, %get3A_760] {strides = array<i32>} : memref<512x32xf32, #tpu.memory_space<vmem>>, vector<16xf32>,
      %mul3A_762 = arith.constant 5 : i32
      %mul3A_763 = arith.muli %add3A_755, %mul3A_762 : i32
      %add3A_764 = arith.constant 0 : i32
      %add3A_765 = arith.addi %mul3A_763, %add3A_764 : i32
      %get3A_766 = arith.index_cast %add3A_765 : i32 to index
      %get3A_767 = arith.constant 0 : index
      %get3A_768 = tpu.vector_load %arg10[%get3A_766, %get3A_767] {strides = array<i32>} : memref<2560x32xf32, #tpu.memory_space<vmem>>, vector<16xf32>,
      %mul3A_769 = arith.mulf %get3A_768, %get3A_758 : vector<16xf32>
      %get3A_770 = arith.index_cast %add3A_765 : i32 to index
      %get3A_771 = arith.constant 16 : index
      %get3A_772 = tpu.vector_load %arg10[%get3A_770, %get3A_771] {strides = array<i32>} : memref<2560x32xf32, #tpu.memory_space<vmem>>, vector<16xf32>,
      %mul3A_773 = arith.mulf %get3A_772, %get3A_761 : vector<16xf32>
      %add3A_774 = arith.addf %mul3A_769, %mul3A_773 : vector<16xf32>
      %reduce_sum3A_775 = arith.constant true
      %reduce_sum3A_776 = vector.broadcast %reduce_sum3A_775 : i1 to vector<16xi1>
      %reduce_sum3A_777 = tpu.scan <sum>, %add3A_774 masked %reduce_sum3A_776 : vector<16xf32>, vector<16xi1> -> vector<16xf32>
      %reduce_sum3A_778 = vector.extract %reduce_sum3A_777[15] : f32 from vector<16xf32>
      %eq3A_779 = arith.constant 15 : i32
      %eq3A_780 = vector.broadcast %eq3A_779 : i32 to vector<16xi32>
      %eq3A_781 = arith.cmpi eq, %iota3A, %eq3A_780 : vector<16xi32>
      %broadcast_in_dim3A_782 = vector.broadcast %reduce_sum3A_778 : f32 to vector<16xf32>
      %select_n3A_783 = arith.select %eq3A_781, %broadcast_in_dim3A_782, %select_n3A_753 : vector<16xi1>, vector<16xf32>
      %mul3A_784 = arith.constant 5 : i32
      %mul3A_785 = arith.muli %add3A_755, %mul3A_784 : i32
      %add3A_786 = arith.constant 1 : i32
      %add3A_787 = arith.addi %mul3A_785, %add3A_786 : i32
      %get3A_788 = arith.index_cast %add3A_787 : i32 to index
      %get3A_789 = arith.constant 0 : index
      %get3A_790 = tpu.vector_load %arg10[%get3A_788, %get3A_789] {strides = array<i32>} : memref<2560x32xf32, #tpu.memory_space<vmem>>, vector<16xf32>,
      %mul3A_791 = arith.mulf %get3A_790, %get3A_758 : vector<16xf32>
      %get3A_792 = arith.index_cast %add3A_787 : i32 to index
      %get3A_793 = arith.constant 16 : index
      %get3A_794 = tpu.vector_load %arg10[%get3A_792, %get3A_793] {strides = array<i32>} : memref<2560x32xf32, #tpu.memory_space<vmem>>, vector<16xf32>,
      %mul3A_795 = arith.mulf %get3A_794, %get3A_761 : vector<16xf32>
      %add3A_796 = arith.addf %mul3A_791, %mul3A_795 : vector<16xf32>
      %reduce_sum3A_797 = arith.constant true
      %reduce_sum3A_798 = vector.broadcast %reduce_sum3A_797 : i1 to vector<16xi1>
      %reduce_sum3A_799 = tpu.scan <sum>, %add3A_796 masked %reduce_sum3A_798 : vector<16xf32>, vector<16xi1> -> vector<16xf32>
      %reduce_sum3A_800 = vector.extract %reduce_sum3A_799[15] : f32 from vector<16xf32>
      %eq3A_801 = arith.constant 0 : i32
      %eq3A_802 = vector.broadcast %eq3A_801 : i32 to vector<16xi32>
      %eq3A_803 = arith.cmpi eq, %iota3A, %eq3A_802 : vector<16xi32>
      %broadcast_in_dim3A_804 = vector.broadcast %reduce_sum3A_800 : f32 to vector<16xf32>
      %select_n3A_805 = arith.select %eq3A_803, %broadcast_in_dim3A_804, %broadcast_in_dim3A_397 : vector<16xi1>, vector<16xf32>
      %mul3A_806 = arith.constant 5 : i32
      %mul3A_807 = arith.muli %add3A_755, %mul3A_806 : i32
      %add3A_808 = arith.constant 2 : i32
      %add3A_809 = arith.addi %mul3A_807, %add3A_808 : i32
      %get3A_810 = arith.index_cast %add3A_809 : i32 to index
      %get3A_811 = arith.constant 0 : index
      %get3A_812 = tpu.vector_load %arg10[%get3A_810, %get3A_811] {strides = array<i32>} : memref<2560x32xf32, #tpu.memory_space<vmem>>, vector<16xf32>,
      %mul3A_813 = arith.mulf %get3A_812, %get3A_758 : vector<16xf32>
      %get3A_814 = arith.index_cast %add3A_809 : i32 to index
      %get3A_815 = arith.constant 16 : index
      %get3A_816 = tpu.vector_load %arg10[%get3A_814, %get3A_815] {strides = array<i32>} : memref<2560x32xf32, #tpu.memory_space<vmem>>, vector<16xf32>,
      %mul3A_817 = arith.mulf %get3A_816, %get3A_761 : vector<16xf32>
      %add3A_818 = arith.addf %mul3A_813, %mul3A_817 : vector<16xf32>
      %reduce_sum3A_819 = arith.constant true
      %reduce_sum3A_820 = vector.broadcast %reduce_sum3A_819 : i1 to vector<16xi1>
      %reduce_sum3A_821 = tpu.scan <sum>, %add3A_818 masked %reduce_sum3A_820 : vector<16xf32>, vector<16xi1> -> vector<16xf32>
      %reduce_sum3A_822 = vector.extract %reduce_sum3A_821[15] : f32 from vector<16xf32>
      %eq3A_823 = arith.constant 1 : i32
      %eq3A_824 = vector.broadcast %eq3A_823 : i32 to vector<16xi32>
      %eq3A_825 = arith.cmpi eq, %iota3A, %eq3A_824 : vector<16xi32>
      %broadcast_in_dim3A_826 = vector.broadcast %reduce_sum3A_822 : f32 to vector<16xf32>
      %select_n3A_827 = arith.select %eq3A_825, %broadcast_in_dim3A_826, %select_n3A_805 : vector<16xi1>, vector<16xf32>
      %mul3A_828 = arith.constant 5 : i32
      %mul3A_829 = arith.muli %add3A_755, %mul3A_828 : i32
      %add3A_830 = arith.constant 3 : i32
      %add3A_831 = arith.addi %mul3A_829, %add3A_830 : i32
      %get3A_832 = arith.index_cast %add3A_831 : i32 to index
      %get3A_833 = arith.constant 0 : index
      %get3A_834 = tpu.vector_load %arg10[%get3A_832, %get3A_833] {strides = array<i32>} : memref<2560x32xf32, #tpu.memory_space<vmem>>, vector<16xf32>,
      %mul3A_835 = arith.mulf %get3A_834, %get3A_758 : vector<16xf32>
      %get3A_836 = arith.index_cast %add3A_831 : i32 to index
      %get3A_837 = arith.constant 16 : index
      %get3A_838 = tpu.vector_load %arg10[%get3A_836, %get3A_837] {strides = array<i32>} : memref<2560x32xf32, #tpu.memory_space<vmem>>, vector<16xf32>,
      %mul3A_839 = arith.mulf %get3A_838, %get3A_761 : vector<16xf32>
      %add3A_840 = arith.addf %mul3A_835, %mul3A_839 : vector<16xf32>
      %reduce_sum3A_841 = arith.constant true
      %reduce_sum3A_842 = vector.broadcast %reduce_sum3A_841 : i1 to vector<16xi1>
      %reduce_sum3A_843 = tpu.scan <sum>, %add3A_840 masked %reduce_sum3A_842 : vector<16xf32>, vector<16xi1> -> vector<16xf32>
      %reduce_sum3A_844 = vector.extract %reduce_sum3A_843[15] : f32 from vector<16xf32>
      %eq3A_845 = arith.constant 2 : i32
      %eq3A_846 = vector.broadcast %eq3A_845 : i32 to vector<16xi32>
      %eq3A_847 = arith.cmpi eq, %iota3A, %eq3A_846 : vector<16xi32>
      %broadcast_in_dim3A_848 = vector.broadcast %reduce_sum3A_844 : f32 to vector<16xf32>
      %select_n3A_849 = arith.select %eq3A_847, %broadcast_in_dim3A_848, %select_n3A_827 : vector<16xi1>, vector<16xf32>
      %mul3A_850 = arith.constant 5 : i32
      %mul3A_851 = arith.muli %add3A_755, %mul3A_850 : i32
      %add3A_852 = arith.constant 4 : i32
      %add3A_853 = arith.addi %mul3A_851, %add3A_852 : i32
      %get3A_854 = arith.index_cast %add3A_853 : i32 to index
      %get3A_855 = arith.constant 0 : index
      %get3A_856 = tpu.vector_load %arg10[%get3A_854, %get3A_855] {strides = array<i32>} : memref<2560x32xf32, #tpu.memory_space<vmem>>, vector<16xf32>,
      %mul3A_857 = arith.mulf %get3A_856, %get3A_758 : vector<16xf32>
      %get3A_858 = arith.index_cast %add3A_853 : i32 to index
      %get3A_859 = arith.constant 16 : index
      %get3A_860 = tpu.vector_load %arg10[%get3A_858, %get3A_859] {strides = array<i32>} : memref<2560x32xf32, #tpu.memory_space<vmem>>, vector<16xf32>,
      %mul3A_861 = arith.mulf %get3A_860, %get3A_761 : vector<16xf32>
      %add3A_862 = arith.addf %mul3A_857, %mul3A_861 : vector<16xf32>
      %reduce_sum3A_863 = arith.constant true
      %reduce_sum3A_864 = vector.broadcast %reduce_sum3A_863 : i1 to vector<16xi1>
      %reduce_sum3A_865 = tpu.scan <sum>, %add3A_862 masked %reduce_sum3A_864 : vector<16xf32>, vector<16xi1> -> vector<16xf32>
      %reduce_sum3A_866 = vector.extract %reduce_sum3A_865[15] : f32 from vector<16xf32>
      %eq3A_867 = arith.constant 3 : i32
      %eq3A_868 = vector.broadcast %eq3A_867 : i32 to vector<16xi32>
      %eq3A_869 = arith.cmpi eq, %iota3A, %eq3A_868 : vector<16xi32>
      %broadcast_in_dim3A_870 = vector.broadcast %reduce_sum3A_866 : f32 to vector<16xf32>
      %select_n3A_871 = arith.select %eq3A_869, %broadcast_in_dim3A_870, %select_n3A_849 : vector<16xi1>, vector<16xf32>
      %add3A_872 = arith.constant 4 : i32
      %add3A_873 = arith.addi %mul3A_394, %add3A_872 : i32
      %get3A_874 = arith.index_cast %add3A_873 : i32 to index
      %get3A_875 = arith.constant 0 : index
      %get3A_876 = tpu.vector_load %arg9[%get3A_874, %get3A_875] {strides = array<i32>} : memref<512x32xf32, #tpu.memory_space<vmem>>, vector<16xf32>,
      %get3A_877 = arith.index_cast %add3A_873 : i32 to index
      %get3A_878 = arith.constant 16 : index
      %get3A_879 = tpu.vector_load %arg9[%get3A_877, %get3A_878] {strides = array<i32>} : memref<512x32xf32, #tpu.memory_space<vmem>>, vector<16xf32>,
      %mul3A_880 = arith.constant 5 : i32
      %mul3A_881 = arith.muli %add3A_873, %mul3A_880 : i32
      %add3A_882 = arith.constant 0 : i32
      %add3A_883 = arith.addi %mul3A_881, %add3A_882 : i32
      %get3A_884 = arith.index_cast %add3A_883 : i32 to index
      %get3A_885 = arith.constant 0 : index
      %get3A_886 = tpu.vector_load %arg10[%get3A_884, %get3A_885] {strides = array<i32>} : memref<2560x32xf32, #tpu.memory_space<vmem>>, vector<16xf32>,
      %mul3A_887 = arith.mulf %get3A_886, %get3A_876 : vector<16xf32>
      %get3A_888 = arith.index_cast %add3A_883 : i32 to index
      %get3A_889 = arith.constant 16 : index
      %get3A_890 = tpu.vector_load %arg10[%get3A_888, %get3A_889] {strides = array<i32>} : memref<2560x32xf32, #tpu.memory_space<vmem>>, vector<16xf32>,
      %mul3A_891 = arith.mulf %get3A_890, %get3A_879 : vector<16xf32>
      %add3A_892 = arith.addf %mul3A_887, %mul3A_891 : vector<16xf32>
      %reduce_sum3A_893 = arith.constant true
      %reduce_sum3A_894 = vector.broadcast %reduce_sum3A_893 : i1 to vector<16xi1>
      %reduce_sum3A_895 = tpu.scan <sum>, %add3A_892 masked %reduce_sum3A_894 : vector<16xf32>, vector<16xi1> -> vector<16xf32>
      %reduce_sum3A_896 = vector.extract %reduce_sum3A_895[15] : f32 from vector<16xf32>
      %eq3A_897 = arith.constant 4 : i32
      %eq3A_898 = vector.broadcast %eq3A_897 : i32 to vector<16xi32>
      %eq3A_899 = arith.cmpi eq, %iota3A, %eq3A_898 : vector<16xi32>
      %broadcast_in_dim3A_900 = vector.broadcast %reduce_sum3A_896 : f32 to vector<16xf32>
      %select_n3A_901 = arith.select %eq3A_899, %broadcast_in_dim3A_900, %select_n3A_871 : vector<16xi1>, vector<16xf32>
      %mul3A_902 = arith.constant 5 : i32
      %mul3A_903 = arith.muli %add3A_873, %mul3A_902 : i32
      %add3A_904 = arith.constant 1 : i32
      %add3A_905 = arith.addi %mul3A_903, %add3A_904 : i32
      %get3A_906 = arith.index_cast %add3A_905 : i32 to index
      %get3A_907 = arith.constant 0 : index
      %get3A_908 = tpu.vector_load %arg10[%get3A_906, %get3A_907] {strides = array<i32>} : memref<2560x32xf32, #tpu.memory_space<vmem>>, vector<16xf32>,
      %mul3A_909 = arith.mulf %get3A_908, %get3A_876 : vector<16xf32>
      %get3A_910 = arith.index_cast %add3A_905 : i32 to index
      %get3A_911 = arith.constant 16 : index
      %get3A_912 = tpu.vector_load %arg10[%get3A_910, %get3A_911] {strides = array<i32>} : memref<2560x32xf32, #tpu.memory_space<vmem>>, vector<16xf32>,
      %mul3A_913 = arith.mulf %get3A_912, %get3A_879 : vector<16xf32>
      %add3A_914 = arith.addf %mul3A_909, %mul3A_913 : vector<16xf32>
      %reduce_sum3A_915 = arith.constant true
      %reduce_sum3A_916 = vector.broadcast %reduce_sum3A_915 : i1 to vector<16xi1>
      %reduce_sum3A_917 = tpu.scan <sum>, %add3A_914 masked %reduce_sum3A_916 : vector<16xf32>, vector<16xi1> -> vector<16xf32>
      %reduce_sum3A_918 = vector.extract %reduce_sum3A_917[15] : f32 from vector<16xf32>
      %eq3A_919 = arith.constant 5 : i32
      %eq3A_920 = vector.broadcast %eq3A_919 : i32 to vector<16xi32>
      %eq3A_921 = arith.cmpi eq, %iota3A, %eq3A_920 : vector<16xi32>
      %broadcast_in_dim3A_922 = vector.broadcast %reduce_sum3A_918 : f32 to vector<16xf32>
      %select_n3A_923 = arith.select %eq3A_921, %broadcast_in_dim3A_922, %select_n3A_901 : vector<16xi1>, vector<16xf32>
      %mul3A_924 = arith.constant 5 : i32
      %mul3A_925 = arith.muli %add3A_873, %mul3A_924 : i32
      %add3A_926 = arith.constant 2 : i32
      %add3A_927 = arith.addi %mul3A_925, %add3A_926 : i32
      %get3A_928 = arith.index_cast %add3A_927 : i32 to index
      %get3A_929 = arith.constant 0 : index
      %get3A_930 = tpu.vector_load %arg10[%get3A_928, %get3A_929] {strides = array<i32>} : memref<2560x32xf32, #tpu.memory_space<vmem>>, vector<16xf32>,
      %mul3A_931 = arith.mulf %get3A_930, %get3A_876 : vector<16xf32>
      %get3A_932 = arith.index_cast %add3A_927 : i32 to index
      %get3A_933 = arith.constant 16 : index
      %get3A_934 = tpu.vector_load %arg10[%get3A_932, %get3A_933] {strides = array<i32>} : memref<2560x32xf32, #tpu.memory_space<vmem>>, vector<16xf32>,
      %mul3A_935 = arith.mulf %get3A_934, %get3A_879 : vector<16xf32>
      %add3A_936 = arith.addf %mul3A_931, %mul3A_935 : vector<16xf32>
      %reduce_sum3A_937 = arith.constant true
      %reduce_sum3A_938 = vector.broadcast %reduce_sum3A_937 : i1 to vector<16xi1>
      %reduce_sum3A_939 = tpu.scan <sum>, %add3A_936 masked %reduce_sum3A_938 : vector<16xf32>, vector<16xi1> -> vector<16xf32>
      %reduce_sum3A_940 = vector.extract %reduce_sum3A_939[15] : f32 from vector<16xf32>
      %eq3A_941 = arith.constant 6 : i32
      %eq3A_942 = vector.broadcast %eq3A_941 : i32 to vector<16xi32>
      %eq3A_943 = arith.cmpi eq, %iota3A, %eq3A_942 : vector<16xi32>
      %broadcast_in_dim3A_944 = vector.broadcast %reduce_sum3A_940 : f32 to vector<16xf32>
      %select_n3A_945 = arith.select %eq3A_943, %broadcast_in_dim3A_944, %select_n3A_923 : vector<16xi1>, vector<16xf32>
      %mul3A_946 = arith.constant 5 : i32
      %mul3A_947 = arith.muli %add3A_873, %mul3A_946 : i32
      %add3A_948 = arith.constant 3 : i32
      %add3A_949 = arith.addi %mul3A_947, %add3A_948 : i32
      %get3A_950 = arith.index_cast %add3A_949 : i32 to index
      %get3A_951 = arith.constant 0 : index
      %get3A_952 = tpu.vector_load %arg10[%get3A_950, %get3A_951] {strides = array<i32>} : memref<2560x32xf32, #tpu.memory_space<vmem>>, vector<16xf32>,
      %mul3A_953 = arith.mulf %get3A_952, %get3A_876 : vector<16xf32>
      %get3A_954 = arith.index_cast %add3A_949 : i32 to index
      %get3A_955 = arith.constant 16 : index
      %get3A_956 = tpu.vector_load %arg10[%get3A_954, %get3A_955] {strides = array<i32>} : memref<2560x32xf32, #tpu.memory_space<vmem>>, vector<16xf32>,
      %mul3A_957 = arith.mulf %get3A_956, %get3A_879 : vector<16xf32>
      %add3A_958 = arith.addf %mul3A_953, %mul3A_957 : vector<16xf32>
      %reduce_sum3A_959 = arith.constant true
      %reduce_sum3A_960 = vector.broadcast %reduce_sum3A_959 : i1 to vector<16xi1>
      %reduce_sum3A_961 = tpu.scan <sum>, %add3A_958 masked %reduce_sum3A_960 : vector<16xf32>, vector<16xi1> -> vector<16xf32>
      %reduce_sum3A_962 = vector.extract %reduce_sum3A_961[15] : f32 from vector<16xf32>
      %eq3A_963 = arith.constant 7 : i32
      %eq3A_964 = vector.broadcast %eq3A_963 : i32 to vector<16xi32>
      %eq3A_965 = arith.cmpi eq, %iota3A, %eq3A_964 : vector<16xi32>
      %broadcast_in_dim3A_966 = vector.broadcast %reduce_sum3A_962 : f32 to vector<16xf32>
      %select_n3A_967 = arith.select %eq3A_965, %broadcast_in_dim3A_966, %select_n3A_945 : vector<16xi1>, vector<16xf32>
      %mul3A_968 = arith.constant 5 : i32
      %mul3A_969 = arith.muli %add3A_873, %mul3A_968 : i32
      %add3A_970 = arith.constant 4 : i32
      %add3A_971 = arith.addi %mul3A_969, %add3A_970 : i32
      %get3A_972 = arith.index_cast %add3A_971 : i32 to index
      %get3A_973 = arith.constant 0 : index
      %get3A_974 = tpu.vector_load %arg10[%get3A_972, %get3A_973] {strides = array<i32>} : memref<2560x32xf32, #tpu.memory_space<vmem>>, vector<16xf32>,
      %mul3A_975 = arith.mulf %get3A_974, %get3A_876 : vector<16xf32>
      %get3A_976 = arith.index_cast %add3A_971 : i32 to index
      %get3A_977 = arith.constant 16 : index
      %get3A_978 = tpu.vector_load %arg10[%get3A_976, %get3A_977] {strides = array<i32>} : memref<2560x32xf32, #tpu.memory_space<vmem>>, vector<16xf32>,
      %mul3A_979 = arith.mulf %get3A_978, %get3A_879 : vector<16xf32>
      %add3A_980 = arith.addf %mul3A_975, %mul3A_979 : vector<16xf32>
      %reduce_sum3A_981 = arith.constant true
      %reduce_sum3A_982 = vector.broadcast %reduce_sum3A_981 : i1 to vector<16xi1>
      %reduce_sum3A_983 = tpu.scan <sum>, %add3A_980 masked %reduce_sum3A_982 : vector<16xf32>, vector<16xi1> -> vector<16xf32>
      %reduce_sum3A_984 = vector.extract %reduce_sum3A_983[15] : f32 from vector<16xf32>
      %eq3A_985 = arith.constant 8 : i32
      %eq3A_986 = vector.broadcast %eq3A_985 : i32 to vector<16xi32>
      %eq3A_987 = arith.cmpi eq, %iota3A, %eq3A_986 : vector<16xi32>
      %broadcast_in_dim3A_988 = vector.broadcast %reduce_sum3A_984 : f32 to vector<16xf32>
      %select_n3A_989 = arith.select %eq3A_987, %broadcast_in_dim3A_988, %select_n3A_967 : vector<16xi1>, vector<16xf32>
      %add3A_990 = arith.constant 5 : i32
      %add3A_991 = arith.addi %mul3A_394, %add3A_990 : i32
      %get3A_992 = arith.index_cast %add3A_991 : i32 to index
      %get3A_993 = arith.constant 0 : index
      %get3A_994 = tpu.vector_load %arg9[%get3A_992, %get3A_993] {strides = array<i32>} : memref<512x32xf32, #tpu.memory_space<vmem>>, vector<16xf32>,
      %get3A_995 = arith.index_cast %add3A_991 : i32 to index
      %get3A_996 = arith.constant 16 : index
      %get3A_997 = tpu.vector_load %arg9[%get3A_995, %get3A_996] {strides = array<i32>} : memref<512x32xf32, #tpu.memory_space<vmem>>, vector<16xf32>,
      %mul3A_998 = arith.constant 5 : i32
      %mul3A_999 = arith.muli %add3A_991, %mul3A_998 : i32
      %add3A_1000 = arith.constant 0 : i32
      %add3A_1001 = arith.addi %mul3A_999, %add3A_1000 : i32
      %get3A_1002 = arith.index_cast %add3A_1001 : i32 to index
      %get3A_1003 = arith.constant 0 : index
      %get3A_1004 = tpu.vector_load %arg10[%get3A_1002, %get3A_1003] {strides = array<i32>} : memref<2560x32xf32, #tpu.memory_space<vmem>>, vector<16xf32>,
      %mul3A_1005 = arith.mulf %get3A_1004, %get3A_994 : vector<16xf32>
      %get3A_1006 = arith.index_cast %add3A_1001 : i32 to index
      %get3A_1007 = arith.constant 16 : index
      %get3A_1008 = tpu.vector_load %arg10[%get3A_1006, %get3A_1007] {strides = array<i32>} : memref<2560x32xf32, #tpu.memory_space<vmem>>, vector<16xf32>,
      %mul3A_1009 = arith.mulf %get3A_1008, %get3A_997 : vector<16xf32>
      %add3A_1010 = arith.addf %mul3A_1005, %mul3A_1009 : vector<16xf32>
      %reduce_sum3A_1011 = arith.constant true
      %reduce_sum3A_1012 = vector.broadcast %reduce_sum3A_1011 : i1 to vector<16xi1>
      %reduce_sum3A_1013 = tpu.scan <sum>, %add3A_1010 masked %reduce_sum3A_1012 : vector<16xf32>, vector<16xi1> -> vector<16xf32>
      %reduce_sum3A_1014 = vector.extract %reduce_sum3A_1013[15] : f32 from vector<16xf32>
      %eq3A_1015 = arith.constant 9 : i32
      %eq3A_1016 = vector.broadcast %eq3A_1015 : i32 to vector<16xi32>
      %eq3A_1017 = arith.cmpi eq, %iota3A, %eq3A_1016 : vector<16xi32>
      %broadcast_in_dim3A_1018 = vector.broadcast %reduce_sum3A_1014 : f32 to vector<16xf32>
      %select_n3A_1019 = arith.select %eq3A_1017, %broadcast_in_dim3A_1018, %select_n3A_989 : vector<16xi1>, vector<16xf32>
      %mul3A_1020 = arith.constant 5 : i32
      %mul3A_1021 = arith.muli %add3A_991, %mul3A_1020 : i32
      %add3A_1022 = arith.constant 1 : i32
      %add3A_1023 = arith.addi %mul3A_1021, %add3A_1022 : i32
      %get3A_1024 = arith.index_cast %add3A_1023 : i32 to index
      %get3A_1025 = arith.constant 0 : index
      %get3A_1026 = tpu.vector_load %arg10[%get3A_1024, %get3A_1025] {strides = array<i32>} : memref<2560x32xf32, #tpu.memory_space<vmem>>, vector<16xf32>,
      %mul3A_1027 = arith.mulf %get3A_1026, %get3A_994 : vector<16xf32>
      %get3A_1028 = arith.index_cast %add3A_1023 : i32 to index
      %get3A_1029 = arith.constant 16 : index
      %get3A_1030 = tpu.vector_load %arg10[%get3A_1028, %get3A_1029] {strides = array<i32>} : memref<2560x32xf32, #tpu.memory_space<vmem>>, vector<16xf32>,
      %mul3A_1031 = arith.mulf %get3A_1030, %get3A_997 : vector<16xf32>
      %add3A_1032 = arith.addf %mul3A_1027, %mul3A_1031 : vector<16xf32>
      %reduce_sum3A_1033 = arith.constant true
      %reduce_sum3A_1034 = vector.broadcast %reduce_sum3A_1033 : i1 to vector<16xi1>
      %reduce_sum3A_1035 = tpu.scan <sum>, %add3A_1032 masked %reduce_sum3A_1034 : vector<16xf32>, vector<16xi1> -> vector<16xf32>
      %reduce_sum3A_1036 = vector.extract %reduce_sum3A_1035[15] : f32 from vector<16xf32>
      %eq3A_1037 = arith.constant 10 : i32
      %eq3A_1038 = vector.broadcast %eq3A_1037 : i32 to vector<16xi32>
      %eq3A_1039 = arith.cmpi eq, %iota3A, %eq3A_1038 : vector<16xi32>
      %broadcast_in_dim3A_1040 = vector.broadcast %reduce_sum3A_1036 : f32 to vector<16xf32>
      %select_n3A_1041 = arith.select %eq3A_1039, %broadcast_in_dim3A_1040, %select_n3A_1019 : vector<16xi1>, vector<16xf32>
      %mul3A_1042 = arith.constant 5 : i32
      %mul3A_1043 = arith.muli %add3A_991, %mul3A_1042 : i32
      %add3A_1044 = arith.constant 2 : i32
      %add3A_1045 = arith.addi %mul3A_1043, %add3A_1044 : i32
      %get3A_1046 = arith.index_cast %add3A_1045 : i32 to index
      %get3A_1047 = arith.constant 0 : index
      %get3A_1048 = tpu.vector_load %arg10[%get3A_1046, %get3A_1047] {strides = array<i32>} : memref<2560x32xf32, #tpu.memory_space<vmem>>, vector<16xf32>,
      %mul3A_1049 = arith.mulf %get3A_1048, %get3A_994 : vector<16xf32>
      %get3A_1050 = arith.index_cast %add3A_1045 : i32 to index
      %get3A_1051 = arith.constant 16 : index
      %get3A_1052 = tpu.vector_load %arg10[%get3A_1050, %get3A_1051] {strides = array<i32>} : memref<2560x32xf32, #tpu.memory_space<vmem>>, vector<16xf32>,
      %mul3A_1053 = arith.mulf %get3A_1052, %get3A_997 : vector<16xf32>
      %add3A_1054 = arith.addf %mul3A_1049, %mul3A_1053 : vector<16xf32>
      %reduce_sum3A_1055 = arith.constant true
      %reduce_sum3A_1056 = vector.broadcast %reduce_sum3A_1055 : i1 to vector<16xi1>
      %reduce_sum3A_1057 = tpu.scan <sum>, %add3A_1054 masked %reduce_sum3A_1056 : vector<16xf32>, vector<16xi1> -> vector<16xf32>
      %reduce_sum3A_1058 = vector.extract %reduce_sum3A_1057[15] : f32 from vector<16xf32>
      %eq3A_1059 = arith.constant 11 : i32
      %eq3A_1060 = vector.broadcast %eq3A_1059 : i32 to vector<16xi32>
      %eq3A_1061 = arith.cmpi eq, %iota3A, %eq3A_1060 : vector<16xi32>
      %broadcast_in_dim3A_1062 = vector.broadcast %reduce_sum3A_1058 : f32 to vector<16xf32>
      %select_n3A_1063 = arith.select %eq3A_1061, %broadcast_in_dim3A_1062, %select_n3A_1041 : vector<16xi1>, vector<16xf32>
      %mul3A_1064 = arith.constant 5 : i32
      %mul3A_1065 = arith.muli %add3A_991, %mul3A_1064 : i32
      %add3A_1066 = arith.constant 3 : i32
      %add3A_1067 = arith.addi %mul3A_1065, %add3A_1066 : i32
      %get3A_1068 = arith.index_cast %add3A_1067 : i32 to index
      %get3A_1069 = arith.constant 0 : index
      %get3A_1070 = tpu.vector_load %arg10[%get3A_1068, %get3A_1069] {strides = array<i32>} : memref<2560x32xf32, #tpu.memory_space<vmem>>, vector<16xf32>,
      %mul3A_1071 = arith.mulf %get3A_1070, %get3A_994 : vector<16xf32>
      %get3A_1072 = arith.index_cast %add3A_1067 : i32 to index
      %get3A_1073 = arith.constant 16 : index
      %get3A_1074 = tpu.vector_load %arg10[%get3A_1072, %get3A_1073] {strides = array<i32>} : memref<2560x32xf32, #tpu.memory_space<vmem>>, vector<16xf32>,
      %mul3A_1075 = arith.mulf %get3A_1074, %get3A_997 : vector<16xf32>
      %add3A_1076 = arith.addf %mul3A_1071, %mul3A_1075 : vector<16xf32>
      %reduce_sum3A_1077 = arith.constant true
      %reduce_sum3A_1078 = vector.broadcast %reduce_sum3A_1077 : i1 to vector<16xi1>
      %reduce_sum3A_1079 = tpu.scan <sum>, %add3A_1076 masked %reduce_sum3A_1078 : vector<16xf32>, vector<16xi1> -> vector<16xf32>
      %reduce_sum3A_1080 = vector.extract %reduce_sum3A_1079[15] : f32 from vector<16xf32>
      %eq3A_1081 = arith.constant 12 : i32
      %eq3A_1082 = vector.broadcast %eq3A_1081 : i32 to vector<16xi32>
      %eq3A_1083 = arith.cmpi eq, %iota3A, %eq3A_1082 : vector<16xi32>
      %broadcast_in_dim3A_1084 = vector.broadcast %reduce_sum3A_1080 : f32 to vector<16xf32>
      %select_n3A_1085 = arith.select %eq3A_1083, %broadcast_in_dim3A_1084, %select_n3A_1063 : vector<16xi1>, vector<16xf32>
      %mul3A_1086 = arith.constant 5 : i32
      %mul3A_1087 = arith.muli %add3A_991, %mul3A_1086 : i32
      %add3A_1088 = arith.constant 4 : i32
      %add3A_1089 = arith.addi %mul3A_1087, %add3A_1088 : i32
      %get3A_1090 = arith.index_cast %add3A_1089 : i32 to index
      %get3A_1091 = arith.constant 0 : index
      %get3A_1092 = tpu.vector_load %arg10[%get3A_1090, %get3A_1091] {strides = array<i32>} : memref<2560x32xf32, #tpu.memory_space<vmem>>, vector<16xf32>,
      %mul3A_1093 = arith.mulf %get3A_1092, %get3A_994 : vector<16xf32>
      %get3A_1094 = arith.index_cast %add3A_1089 : i32 to index
      %get3A_1095 = arith.constant 16 : index
      %get3A_1096 = tpu.vector_load %arg10[%get3A_1094, %get3A_1095] {strides = array<i32>} : memref<2560x32xf32, #tpu.memory_space<vmem>>, vector<16xf32>,
      %mul3A_1097 = arith.mulf %get3A_1096, %get3A_997 : vector<16xf32>
      %add3A_1098 = arith.addf %mul3A_1093, %mul3A_1097 : vector<16xf32>
      %reduce_sum3A_1099 = arith.constant true
      %reduce_sum3A_1100 = vector.broadcast %reduce_sum3A_1099 : i1 to vector<16xi1>
      %reduce_sum3A_1101 = tpu.scan <sum>, %add3A_1098 masked %reduce_sum3A_1100 : vector<16xf32>, vector<16xi1> -> vector<16xf32>
      %reduce_sum3A_1102 = vector.extract %reduce_sum3A_1101[15] : f32 from vector<16xf32>
      %eq3A_1103 = arith.constant 13 : i32
      %eq3A_1104 = vector.broadcast %eq3A_1103 : i32 to vector<16xi32>
      %eq3A_1105 = arith.cmpi eq, %iota3A, %eq3A_1104 : vector<16xi32>
      %broadcast_in_dim3A_1106 = vector.broadcast %reduce_sum3A_1102 : f32 to vector<16xf32>
      %select_n3A_1107 = arith.select %eq3A_1105, %broadcast_in_dim3A_1106, %select_n3A_1085 : vector<16xi1>, vector<16xf32>
      %add3A_1108 = arith.constant 6 : i32
      %add3A_1109 = arith.addi %mul3A_394, %add3A_1108 : i32
      %get3A_1110 = arith.index_cast %add3A_1109 : i32 to index
      %get3A_1111 = arith.constant 0 : index
      %get3A_1112 = tpu.vector_load %arg9[%get3A_1110, %get3A_1111] {strides = array<i32>} : memref<512x32xf32, #tpu.memory_space<vmem>>, vector<16xf32>,
      %get3A_1113 = arith.index_cast %add3A_1109 : i32 to index
      %get3A_1114 = arith.constant 16 : index
      %get3A_1115 = tpu.vector_load %arg9[%get3A_1113, %get3A_1114] {strides = array<i32>} : memref<512x32xf32, #tpu.memory_space<vmem>>, vector<16xf32>,
      %mul3A_1116 = arith.constant 5 : i32
      %mul3A_1117 = arith.muli %add3A_1109, %mul3A_1116 : i32
      %add3A_1118 = arith.constant 0 : i32
      %add3A_1119 = arith.addi %mul3A_1117, %add3A_1118 : i32
      %get3A_1120 = arith.index_cast %add3A_1119 : i32 to index
      %get3A_1121 = arith.constant 0 : index
      %get3A_1122 = tpu.vector_load %arg10[%get3A_1120, %get3A_1121] {strides = array<i32>} : memref<2560x32xf32, #tpu.memory_space<vmem>>, vector<16xf32>,
      %mul3A_1123 = arith.mulf %get3A_1122, %get3A_1112 : vector<16xf32>
      %get3A_1124 = arith.index_cast %add3A_1119 : i32 to index
      %get3A_1125 = arith.constant 16 : index
      %get3A_1126 = tpu.vector_load %arg10[%get3A_1124, %get3A_1125] {strides = array<i32>} : memref<2560x32xf32, #tpu.memory_space<vmem>>, vector<16xf32>,
      %mul3A_1127 = arith.mulf %get3A_1126, %get3A_1115 : vector<16xf32>
      %add3A_1128 = arith.addf %mul3A_1123, %mul3A_1127 : vector<16xf32>
      %reduce_sum3A_1129 = arith.constant true
      %reduce_sum3A_1130 = vector.broadcast %reduce_sum3A_1129 : i1 to vector<16xi1>
      %reduce_sum3A_1131 = tpu.scan <sum>, %add3A_1128 masked %reduce_sum3A_1130 : vector<16xf32>, vector<16xi1> -> vector<16xf32>
      %reduce_sum3A_1132 = vector.extract %reduce_sum3A_1131[15] : f32 from vector<16xf32>
      %eq3A_1133 = arith.constant 14 : i32
      %eq3A_1134 = vector.broadcast %eq3A_1133 : i32 to vector<16xi32>
      %eq3A_1135 = arith.cmpi eq, %iota3A, %eq3A_1134 : vector<16xi32>
      %broadcast_in_dim3A_1136 = vector.broadcast %reduce_sum3A_1132 : f32 to vector<16xf32>
      %select_n3A_1137 = arith.select %eq3A_1135, %broadcast_in_dim3A_1136, %select_n3A_1107 : vector<16xi1>, vector<16xf32>
      %mul3A_1138 = arith.constant 5 : i32
      %mul3A_1139 = arith.muli %add3A_1109, %mul3A_1138 : i32
      %add3A_1140 = arith.constant 1 : i32
      %add3A_1141 = arith.addi %mul3A_1139, %add3A_1140 : i32
      %get3A_1142 = arith.index_cast %add3A_1141 : i32 to index
      %get3A_1143 = arith.constant 0 : index
      %get3A_1144 = tpu.vector_load %arg10[%get3A_1142, %get3A_1143] {strides = array<i32>} : memref<2560x32xf32, #tpu.memory_space<vmem>>, vector<16xf32>,
      %mul3A_1145 = arith.mulf %get3A_1144, %get3A_1112 : vector<16xf32>
      %get3A_1146 = arith.index_cast %add3A_1141 : i32 to index
      %get3A_1147 = arith.constant 16 : index
      %get3A_1148 = tpu.vector_load %arg10[%get3A_1146, %get3A_1147] {strides = array<i32>} : memref<2560x32xf32, #tpu.memory_space<vmem>>, vector<16xf32>,
      %mul3A_1149 = arith.mulf %get3A_1148, %get3A_1115 : vector<16xf32>
      %add3A_1150 = arith.addf %mul3A_1145, %mul3A_1149 : vector<16xf32>
      %reduce_sum3A_1151 = arith.constant true
      %reduce_sum3A_1152 = vector.broadcast %reduce_sum3A_1151 : i1 to vector<16xi1>
      %reduce_sum3A_1153 = tpu.scan <sum>, %add3A_1150 masked %reduce_sum3A_1152 : vector<16xf32>, vector<16xi1> -> vector<16xf32>
      %reduce_sum3A_1154 = vector.extract %reduce_sum3A_1153[15] : f32 from vector<16xf32>
      %eq3A_1155 = arith.constant 15 : i32
      %eq3A_1156 = vector.broadcast %eq3A_1155 : i32 to vector<16xi32>
      %eq3A_1157 = arith.cmpi eq, %iota3A, %eq3A_1156 : vector<16xi32>
      %broadcast_in_dim3A_1158 = vector.broadcast %reduce_sum3A_1154 : f32 to vector<16xf32>
      %select_n3A_1159 = arith.select %eq3A_1157, %broadcast_in_dim3A_1158, %select_n3A_1137 : vector<16xi1>, vector<16xf32>
      %mul3A_1160 = arith.constant 5 : i32
      %mul3A_1161 = arith.muli %add3A_1109, %mul3A_1160 : i32
      %add3A_1162 = arith.constant 2 : i32
      %add3A_1163 = arith.addi %mul3A_1161, %add3A_1162 : i32
      %get3A_1164 = arith.index_cast %add3A_1163 : i32 to index
      %get3A_1165 = arith.constant 0 : index
      %get3A_1166 = tpu.vector_load %arg10[%get3A_1164, %get3A_1165] {strides = array<i32>} : memref<2560x32xf32, #tpu.memory_space<vmem>>, vector<16xf32>,
      %mul3A_1167 = arith.mulf %get3A_1166, %get3A_1112 : vector<16xf32>
      %get3A_1168 = arith.index_cast %add3A_1163 : i32 to index
      %get3A_1169 = arith.constant 16 : index
      %get3A_1170 = tpu.vector_load %arg10[%get3A_1168, %get3A_1169] {strides = array<i32>} : memref<2560x32xf32, #tpu.memory_space<vmem>>, vector<16xf32>,
      %mul3A_1171 = arith.mulf %get3A_1170, %get3A_1115 : vector<16xf32>
      %add3A_1172 = arith.addf %mul3A_1167, %mul3A_1171 : vector<16xf32>
      %reduce_sum3A_1173 = arith.constant true
      %reduce_sum3A_1174 = vector.broadcast %reduce_sum3A_1173 : i1 to vector<16xi1>
      %reduce_sum3A_1175 = tpu.scan <sum>, %add3A_1172 masked %reduce_sum3A_1174 : vector<16xf32>, vector<16xi1> -> vector<16xf32>
      %reduce_sum3A_1176 = vector.extract %reduce_sum3A_1175[15] : f32 from vector<16xf32>
      %eq3A_1177 = arith.constant 0 : i32
      %eq3A_1178 = vector.broadcast %eq3A_1177 : i32 to vector<16xi32>
      %eq3A_1179 = arith.cmpi eq, %iota3A, %eq3A_1178 : vector<16xi32>
      %broadcast_in_dim3A_1180 = vector.broadcast %reduce_sum3A_1176 : f32 to vector<16xf32>
      %select_n3A_1181 = arith.select %eq3A_1179, %broadcast_in_dim3A_1180, %broadcast_in_dim3A_399 : vector<16xi1>, vector<16xf32>
      %mul3A_1182 = arith.constant 5 : i32
      %mul3A_1183 = arith.muli %add3A_1109, %mul3A_1182 : i32
      %add3A_1184 = arith.constant 3 : i32
      %add3A_1185 = arith.addi %mul3A_1183, %add3A_1184 : i32
      %get3A_1186 = arith.index_cast %add3A_1185 : i32 to index
      %get3A_1187 = arith.constant 0 : index
      %get3A_1188 = tpu.vector_load %arg10[%get3A_1186, %get3A_1187] {strides = array<i32>} : memref<2560x32xf32, #tpu.memory_space<vmem>>, vector<16xf32>,
      %mul3A_1189 = arith.mulf %get3A_1188, %get3A_1112 : vector<16xf32>
      %get3A_1190 = arith.index_cast %add3A_1185 : i32 to index
      %get3A_1191 = arith.constant 16 : index
      %get3A_1192 = tpu.vector_load %arg10[%get3A_1190, %get3A_1191] {strides = array<i32>} : memref<2560x32xf32, #tpu.memory_space<vmem>>, vector<16xf32>,
      %mul3A_1193 = arith.mulf %get3A_1192, %get3A_1115 : vector<16xf32>
      %add3A_1194 = arith.addf %mul3A_1189, %mul3A_1193 : vector<16xf32>
      %reduce_sum3A_1195 = arith.constant true
      %reduce_sum3A_1196 = vector.broadcast %reduce_sum3A_1195 : i1 to vector<16xi1>
      %reduce_sum3A_1197 = tpu.scan <sum>, %add3A_1194 masked %reduce_sum3A_1196 : vector<16xf32>, vector<16xi1> -> vector<16xf32>
      %reduce_sum3A_1198 = vector.extract %reduce_sum3A_1197[15] : f32 from vector<16xf32>
      %eq3A_1199 = arith.constant 1 : i32
      %eq3A_1200 = vector.broadcast %eq3A_1199 : i32 to vector<16xi32>
      %eq3A_1201 = arith.cmpi eq, %iota3A, %eq3A_1200 : vector<16xi32>
      %broadcast_in_dim3A_1202 = vector.broadcast %reduce_sum3A_1198 : f32 to vector<16xf32>
      %select_n3A_1203 = arith.select %eq3A_1201, %broadcast_in_dim3A_1202, %select_n3A_1181 : vector<16xi1>, vector<16xf32>
      %mul3A_1204 = arith.constant 5 : i32
      %mul3A_1205 = arith.muli %add3A_1109, %mul3A_1204 : i32
      %add3A_1206 = arith.constant 4 : i32
      %add3A_1207 = arith.addi %mul3A_1205, %add3A_1206 : i32
      %get3A_1208 = arith.index_cast %add3A_1207 : i32 to index
      %get3A_1209 = arith.constant 0 : index
      %get3A_1210 = tpu.vector_load %arg10[%get3A_1208, %get3A_1209] {strides = array<i32>} : memref<2560x32xf32, #tpu.memory_space<vmem>>, vector<16xf32>,
      %mul3A_1211 = arith.mulf %get3A_1210, %get3A_1112 : vector<16xf32>
      %get3A_1212 = arith.index_cast %add3A_1207 : i32 to index
      %get3A_1213 = arith.constant 16 : index
      %get3A_1214 = tpu.vector_load %arg10[%get3A_1212, %get3A_1213] {strides = array<i32>} : memref<2560x32xf32, #tpu.memory_space<vmem>>, vector<16xf32>,
      %mul3A_1215 = arith.mulf %get3A_1214, %get3A_1115 : vector<16xf32>
      %add3A_1216 = arith.addf %mul3A_1211, %mul3A_1215 : vector<16xf32>
      %reduce_sum3A_1217 = arith.constant true
      %reduce_sum3A_1218 = vector.broadcast %reduce_sum3A_1217 : i1 to vector<16xi1>
      %reduce_sum3A_1219 = tpu.scan <sum>, %add3A_1216 masked %reduce_sum3A_1218 : vector<16xf32>, vector<16xi1> -> vector<16xf32>
      %reduce_sum3A_1220 = vector.extract %reduce_sum3A_1219[15] : f32 from vector<16xf32>
      %eq3A_1221 = arith.constant 2 : i32
      %eq3A_1222 = vector.broadcast %eq3A_1221 : i32 to vector<16xi32>
      %eq3A_1223 = arith.cmpi eq, %iota3A, %eq3A_1222 : vector<16xi32>
      %broadcast_in_dim3A_1224 = vector.broadcast %reduce_sum3A_1220 : f32 to vector<16xf32>
      %select_n3A_1225 = arith.select %eq3A_1223, %broadcast_in_dim3A_1224, %select_n3A_1203 : vector<16xi1>, vector<16xf32>
      %add3A_1226 = arith.constant 7 : i32
      %add3A_1227 = arith.addi %mul3A_394, %add3A_1226 : i32
      %get3A_1228 = arith.index_cast %add3A_1227 : i32 to index
      %get3A_1229 = arith.constant 0 : index
      %get3A_1230 = tpu.vector_load %arg9[%get3A_1228, %get3A_1229] {strides = array<i32>} : memref<512x32xf32, #tpu.memory_space<vmem>>, vector<16xf32>,
      %get3A_1231 = arith.index_cast %add3A_1227 : i32 to index
      %get3A_1232 = arith.constant 16 : index
      %get3A_1233 = tpu.vector_load %arg9[%get3A_1231, %get3A_1232] {strides = array<i32>} : memref<512x32xf32, #tpu.memory_space<vmem>>, vector<16xf32>,
      %mul3A_1234 = arith.constant 5 : i32
      %mul3A_1235 = arith.muli %add3A_1227, %mul3A_1234 : i32
      %add3A_1236 = arith.constant 0 : i32
      %add3A_1237 = arith.addi %mul3A_1235, %add3A_1236 : i32
      %get3A_1238 = arith.index_cast %add3A_1237 : i32 to index
      %get3A_1239 = arith.constant 0 : index
      %get3A_1240 = tpu.vector_load %arg10[%get3A_1238, %get3A_1239] {strides = array<i32>} : memref<2560x32xf32, #tpu.memory_space<vmem>>, vector<16xf32>,
      %mul3A_1241 = arith.mulf %get3A_1240, %get3A_1230 : vector<16xf32>
      %get3A_1242 = arith.index_cast %add3A_1237 : i32 to index
      %get3A_1243 = arith.constant 16 : index
      %get3A_1244 = tpu.vector_load %arg10[%get3A_1242, %get3A_1243] {strides = array<i32>} : memref<2560x32xf32, #tpu.memory_space<vmem>>, vector<16xf32>,
      %mul3A_1245 = arith.mulf %get3A_1244, %get3A_1233 : vector<16xf32>
      %add3A_1246 = arith.addf %mul3A_1241, %mul3A_1245 : vector<16xf32>
      %reduce_sum3A_1247 = arith.constant true
      %reduce_sum3A_1248 = vector.broadcast %reduce_sum3A_1247 : i1 to vector<16xi1>
      %reduce_sum3A_1249 = tpu.scan <sum>, %add3A_1246 masked %reduce_sum3A_1248 : vector<16xf32>, vector<16xi1> -> vector<16xf32>
      %reduce_sum3A_1250 = vector.extract %reduce_sum3A_1249[15] : f32 from vector<16xf32>
      %eq3A_1251 = arith.constant 3 : i32
      %eq3A_1252 = vector.broadcast %eq3A_1251 : i32 to vector<16xi32>
      %eq3A_1253 = arith.cmpi eq, %iota3A, %eq3A_1252 : vector<16xi32>
      %broadcast_in_dim3A_1254 = vector.broadcast %reduce_sum3A_1250 : f32 to vector<16xf32>
      %select_n3A_1255 = arith.select %eq3A_1253, %broadcast_in_dim3A_1254, %select_n3A_1225 : vector<16xi1>, vector<16xf32>
      %mul3A_1256 = arith.constant 5 : i32
      %mul3A_1257 = arith.muli %add3A_1227, %mul3A_1256 : i32
      %add3A_1258 = arith.constant 1 : i32
      %add3A_1259 = arith.addi %mul3A_1257, %add3A_1258 : i32
      %get3A_1260 = arith.index_cast %add3A_1259 : i32 to index
      %get3A_1261 = arith.constant 0 : index
      %get3A_1262 = tpu.vector_load %arg10[%get3A_1260, %get3A_1261] {strides = array<i32>} : memref<2560x32xf32, #tpu.memory_space<vmem>>, vector<16xf32>,
      %mul3A_1263 = arith.mulf %get3A_1262, %get3A_1230 : vector<16xf32>
      %get3A_1264 = arith.index_cast %add3A_1259 : i32 to index
      %get3A_1265 = arith.constant 16 : index
      %get3A_1266 = tpu.vector_load %arg10[%get3A_1264, %get3A_1265] {strides = array<i32>} : memref<2560x32xf32, #tpu.memory_space<vmem>>, vector<16xf32>,
      %mul3A_1267 = arith.mulf %get3A_1266, %get3A_1233 : vector<16xf32>
      %add3A_1268 = arith.addf %mul3A_1263, %mul3A_1267 : vector<16xf32>
      %reduce_sum3A_1269 = arith.constant true
      %reduce_sum3A_1270 = vector.broadcast %reduce_sum3A_1269 : i1 to vector<16xi1>
      %reduce_sum3A_1271 = tpu.scan <sum>, %add3A_1268 masked %reduce_sum3A_1270 : vector<16xf32>, vector<16xi1> -> vector<16xf32>
      %reduce_sum3A_1272 = vector.extract %reduce_sum3A_1271[15] : f32 from vector<16xf32>
      %eq3A_1273 = arith.constant 4 : i32
      %eq3A_1274 = vector.broadcast %eq3A_1273 : i32 to vector<16xi32>
      %eq3A_1275 = arith.cmpi eq, %iota3A, %eq3A_1274 : vector<16xi32>
      %broadcast_in_dim3A_1276 = vector.broadcast %reduce_sum3A_1272 : f32 to vector<16xf32>
      %select_n3A_1277 = arith.select %eq3A_1275, %broadcast_in_dim3A_1276, %select_n3A_1255 : vector<16xi1>, vector<16xf32>
      %mul3A_1278 = arith.constant 5 : i32
      %mul3A_1279 = arith.muli %add3A_1227, %mul3A_1278 : i32
      %add3A_1280 = arith.constant 2 : i32
      %add3A_1281 = arith.addi %mul3A_1279, %add3A_1280 : i32
      %get3A_1282 = arith.index_cast %add3A_1281 : i32 to index
      %get3A_1283 = arith.constant 0 : index
      %get3A_1284 = tpu.vector_load %arg10[%get3A_1282, %get3A_1283] {strides = array<i32>} : memref<2560x32xf32, #tpu.memory_space<vmem>>, vector<16xf32>,
      %mul3A_1285 = arith.mulf %get3A_1284, %get3A_1230 : vector<16xf32>
      %get3A_1286 = arith.index_cast %add3A_1281 : i32 to index
      %get3A_1287 = arith.constant 16 : index
      %get3A_1288 = tpu.vector_load %arg10[%get3A_1286, %get3A_1287] {strides = array<i32>} : memref<2560x32xf32, #tpu.memory_space<vmem>>, vector<16xf32>,
      %mul3A_1289 = arith.mulf %get3A_1288, %get3A_1233 : vector<16xf32>
      %add3A_1290 = arith.addf %mul3A_1285, %mul3A_1289 : vector<16xf32>
      %reduce_sum3A_1291 = arith.constant true
      %reduce_sum3A_1292 = vector.broadcast %reduce_sum3A_1291 : i1 to vector<16xi1>
      %reduce_sum3A_1293 = tpu.scan <sum>, %add3A_1290 masked %reduce_sum3A_1292 : vector<16xf32>, vector<16xi1> -> vector<16xf32>
      %reduce_sum3A_1294 = vector.extract %reduce_sum3A_1293[15] : f32 from vector<16xf32>
      %eq3A_1295 = arith.constant 5 : i32
      %eq3A_1296 = vector.broadcast %eq3A_1295 : i32 to vector<16xi32>
      %eq3A_1297 = arith.cmpi eq, %iota3A, %eq3A_1296 : vector<16xi32>
      %broadcast_in_dim3A_1298 = vector.broadcast %reduce_sum3A_1294 : f32 to vector<16xf32>
      %select_n3A_1299 = arith.select %eq3A_1297, %broadcast_in_dim3A_1298, %select_n3A_1277 : vector<16xi1>, vector<16xf32>
      %mul3A_1300 = arith.constant 5 : i32
      %mul3A_1301 = arith.muli %add3A_1227, %mul3A_1300 : i32
      %add3A_1302 = arith.constant 3 : i32
      %add3A_1303 = arith.addi %mul3A_1301, %add3A_1302 : i32
      %get3A_1304 = arith.index_cast %add3A_1303 : i32 to index
      %get3A_1305 = arith.constant 0 : index
      %get3A_1306 = tpu.vector_load %arg10[%get3A_1304, %get3A_1305] {strides = array<i32>} : memref<2560x32xf32, #tpu.memory_space<vmem>>, vector<16xf32>,
      %mul3A_1307 = arith.mulf %get3A_1306, %get3A_1230 : vector<16xf32>
      %get3A_1308 = arith.index_cast %add3A_1303 : i32 to index
      %get3A_1309 = arith.constant 16 : index
      %get3A_1310 = tpu.vector_load %arg10[%get3A_1308, %get3A_1309] {strides = array<i32>} : memref<2560x32xf32, #tpu.memory_space<vmem>>, vector<16xf32>,
      %mul3A_1311 = arith.mulf %get3A_1310, %get3A_1233 : vector<16xf32>
      %add3A_1312 = arith.addf %mul3A_1307, %mul3A_1311 : vector<16xf32>
      %reduce_sum3A_1313 = arith.constant true
      %reduce_sum3A_1314 = vector.broadcast %reduce_sum3A_1313 : i1 to vector<16xi1>
      %reduce_sum3A_1315 = tpu.scan <sum>, %add3A_1312 masked %reduce_sum3A_1314 : vector<16xf32>, vector<16xi1> -> vector<16xf32>
      %reduce_sum3A_1316 = vector.extract %reduce_sum3A_1315[15] : f32 from vector<16xf32>
      %eq3A_1317 = arith.constant 6 : i32
      %eq3A_1318 = vector.broadcast %eq3A_1317 : i32 to vector<16xi32>
      %eq3A_1319 = arith.cmpi eq, %iota3A, %eq3A_1318 : vector<16xi32>
      %broadcast_in_dim3A_1320 = vector.broadcast %reduce_sum3A_1316 : f32 to vector<16xf32>
      %select_n3A_1321 = arith.select %eq3A_1319, %broadcast_in_dim3A_1320, %select_n3A_1299 : vector<16xi1>, vector<16xf32>
      %mul3A_1322 = arith.constant 5 : i32
      %mul3A_1323 = arith.muli %add3A_1227, %mul3A_1322 : i32
      %add3A_1324 = arith.constant 4 : i32
      %add3A_1325 = arith.addi %mul3A_1323, %add3A_1324 : i32
      %get3A_1326 = arith.index_cast %add3A_1325 : i32 to index
      %get3A_1327 = arith.constant 0 : index
      %get3A_1328 = tpu.vector_load %arg10[%get3A_1326, %get3A_1327] {strides = array<i32>} : memref<2560x32xf32, #tpu.memory_space<vmem>>, vector<16xf32>,
      %mul3A_1329 = arith.mulf %get3A_1328, %get3A_1230 : vector<16xf32>
      %get3A_1330 = arith.index_cast %add3A_1325 : i32 to index
      %get3A_1331 = arith.constant 16 : index
      %get3A_1332 = tpu.vector_load %arg10[%get3A_1330, %get3A_1331] {strides = array<i32>} : memref<2560x32xf32, #tpu.memory_space<vmem>>, vector<16xf32>,
      %mul3A_1333 = arith.mulf %get3A_1332, %get3A_1233 : vector<16xf32>
      %add3A_1334 = arith.addf %mul3A_1329, %mul3A_1333 : vector<16xf32>
      %reduce_sum3A_1335 = arith.constant true
      %reduce_sum3A_1336 = vector.broadcast %reduce_sum3A_1335 : i1 to vector<16xi1>
      %reduce_sum3A_1337 = tpu.scan <sum>, %add3A_1334 masked %reduce_sum3A_1336 : vector<16xf32>, vector<16xi1> -> vector<16xf32>
      %reduce_sum3A_1338 = vector.extract %reduce_sum3A_1337[15] : f32 from vector<16xf32>
      %eq3A_1339 = arith.constant 7 : i32
      %eq3A_1340 = vector.broadcast %eq3A_1339 : i32 to vector<16xi32>
      %eq3A_1341 = arith.cmpi eq, %iota3A, %eq3A_1340 : vector<16xi32>
      %broadcast_in_dim3A_1342 = vector.broadcast %reduce_sum3A_1338 : f32 to vector<16xf32>
      %select_n3A_1343 = arith.select %eq3A_1341, %broadcast_in_dim3A_1342, %select_n3A_1321 : vector<16xi1>, vector<16xf32>
      %add3A_1344 = arith.constant 8 : i32
      %add3A_1345 = arith.addi %mul3A_394, %add3A_1344 : i32
      %get3A_1346 = arith.index_cast %add3A_1345 : i32 to index
      %get3A_1347 = arith.constant 0 : index
      %get3A_1348 = tpu.vector_load %arg9[%get3A_1346, %get3A_1347] {strides = array<i32>} : memref<512x32xf32, #tpu.memory_space<vmem>>, vector<16xf32>,
      %get3A_1349 = arith.index_cast %add3A_1345 : i32 to index
      %get3A_1350 = arith.constant 16 : index
      %get3A_1351 = tpu.vector_load %arg9[%get3A_1349, %get3A_1350] {strides = array<i32>} : memref<512x32xf32, #tpu.memory_space<vmem>>, vector<16xf32>,
      %mul3A_1352 = arith.constant 5 : i32
      %mul3A_1353 = arith.muli %add3A_1345, %mul3A_1352 : i32
      %add3A_1354 = arith.constant 0 : i32
      %add3A_1355 = arith.addi %mul3A_1353, %add3A_1354 : i32
      %get3A_1356 = arith.index_cast %add3A_1355 : i32 to index
      %get3A_1357 = arith.constant 0 : index
      %get3A_1358 = tpu.vector_load %arg10[%get3A_1356, %get3A_1357] {strides = array<i32>} : memref<2560x32xf32, #tpu.memory_space<vmem>>, vector<16xf32>,
      %mul3A_1359 = arith.mulf %get3A_1358, %get3A_1348 : vector<16xf32>
      %get3A_1360 = arith.index_cast %add3A_1355 : i32 to index
      %get3A_1361 = arith.constant 16 : index
      %get3A_1362 = tpu.vector_load %arg10[%get3A_1360, %get3A_1361] {strides = array<i32>} : memref<2560x32xf32, #tpu.memory_space<vmem>>, vector<16xf32>,
      %mul3A_1363 = arith.mulf %get3A_1362, %get3A_1351 : vector<16xf32>
      %add3A_1364 = arith.addf %mul3A_1359, %mul3A_1363 : vector<16xf32>
      %reduce_sum3A_1365 = arith.constant true
      %reduce_sum3A_1366 = vector.broadcast %reduce_sum3A_1365 : i1 to vector<16xi1>
      %reduce_sum3A_1367 = tpu.scan <sum>, %add3A_1364 masked %reduce_sum3A_1366 : vector<16xf32>, vector<16xi1> -> vector<16xf32>
      %reduce_sum3A_1368 = vector.extract %reduce_sum3A_1367[15] : f32 from vector<16xf32>
      %eq3A_1369 = arith.constant 8 : i32
      %eq3A_1370 = vector.broadcast %eq3A_1369 : i32 to vector<16xi32>
      %eq3A_1371 = arith.cmpi eq, %iota3A, %eq3A_1370 : vector<16xi32>
      %broadcast_in_dim3A_1372 = vector.broadcast %reduce_sum3A_1368 : f32 to vector<16xf32>
      %select_n3A_1373 = arith.select %eq3A_1371, %broadcast_in_dim3A_1372, %select_n3A_1343 : vector<16xi1>, vector<16xf32>
      %mul3A_1374 = arith.constant 5 : i32
      %mul3A_1375 = arith.muli %add3A_1345, %mul3A_1374 : i32
      %add3A_1376 = arith.constant 1 : i32
      %add3A_1377 = arith.addi %mul3A_1375, %add3A_1376 : i32
      %get3A_1378 = arith.index_cast %add3A_1377 : i32 to index
      %get3A_1379 = arith.constant 0 : index
      %get3A_1380 = tpu.vector_load %arg10[%get3A_1378, %get3A_1379] {strides = array<i32>} : memref<2560x32xf32, #tpu.memory_space<vmem>>, vector<16xf32>,
      %mul3A_1381 = arith.mulf %get3A_1380, %get3A_1348 : vector<16xf32>
      %get3A_1382 = arith.index_cast %add3A_1377 : i32 to index
      %get3A_1383 = arith.constant 16 : index
      %get3A_1384 = tpu.vector_load %arg10[%get3A_1382, %get3A_1383] {strides = array<i32>} : memref<2560x32xf32, #tpu.memory_space<vmem>>, vector<16xf32>,
      %mul3A_1385 = arith.mulf %get3A_1384, %get3A_1351 : vector<16xf32>
      %add3A_1386 = arith.addf %mul3A_1381, %mul3A_1385 : vector<16xf32>
      %reduce_sum3A_1387 = arith.constant true
      %reduce_sum3A_1388 = vector.broadcast %reduce_sum3A_1387 : i1 to vector<16xi1>
      %reduce_sum3A_1389 = tpu.scan <sum>, %add3A_1386 masked %reduce_sum3A_1388 : vector<16xf32>, vector<16xi1> -> vector<16xf32>
      %reduce_sum3A_1390 = vector.extract %reduce_sum3A_1389[15] : f32 from vector<16xf32>
      %eq3A_1391 = arith.constant 9 : i32
      %eq3A_1392 = vector.broadcast %eq3A_1391 : i32 to vector<16xi32>
      %eq3A_1393 = arith.cmpi eq, %iota3A, %eq3A_1392 : vector<16xi32>
      %broadcast_in_dim3A_1394 = vector.broadcast %reduce_sum3A_1390 : f32 to vector<16xf32>
      %select_n3A_1395 = arith.select %eq3A_1393, %broadcast_in_dim3A_1394, %select_n3A_1373 : vector<16xi1>, vector<16xf32>
      %mul3A_1396 = arith.constant 5 : i32
      %mul3A_1397 = arith.muli %add3A_1345, %mul3A_1396 : i32
      %add3A_1398 = arith.constant 2 : i32
      %add3A_1399 = arith.addi %mul3A_1397, %add3A_1398 : i32
      %get3A_1400 = arith.index_cast %add3A_1399 : i32 to index
      %get3A_1401 = arith.constant 0 : index
      %get3A_1402 = tpu.vector_load %arg10[%get3A_1400, %get3A_1401] {strides = array<i32>} : memref<2560x32xf32, #tpu.memory_space<vmem>>, vector<16xf32>,
      %mul3A_1403 = arith.mulf %get3A_1402, %get3A_1348 : vector<16xf32>
      %get3A_1404 = arith.index_cast %add3A_1399 : i32 to index
      %get3A_1405 = arith.constant 16 : index
      %get3A_1406 = tpu.vector_load %arg10[%get3A_1404, %get3A_1405] {strides = array<i32>} : memref<2560x32xf32, #tpu.memory_space<vmem>>, vector<16xf32>,
      %mul3A_1407 = arith.mulf %get3A_1406, %get3A_1351 : vector<16xf32>
      %add3A_1408 = arith.addf %mul3A_1403, %mul3A_1407 : vector<16xf32>
      %reduce_sum3A_1409 = arith.constant true
      %reduce_sum3A_1410 = vector.broadcast %reduce_sum3A_1409 : i1 to vector<16xi1>
      %reduce_sum3A_1411 = tpu.scan <sum>, %add3A_1408 masked %reduce_sum3A_1410 : vector<16xf32>, vector<16xi1> -> vector<16xf32>
      %reduce_sum3A_1412 = vector.extract %reduce_sum3A_1411[15] : f32 from vector<16xf32>
      %eq3A_1413 = arith.constant 10 : i32
      %eq3A_1414 = vector.broadcast %eq3A_1413 : i32 to vector<16xi32>
      %eq3A_1415 = arith.cmpi eq, %iota3A, %eq3A_1414 : vector<16xi32>
      %broadcast_in_dim3A_1416 = vector.broadcast %reduce_sum3A_1412 : f32 to vector<16xf32>
      %select_n3A_1417 = arith.select %eq3A_1415, %broadcast_in_dim3A_1416, %select_n3A_1395 : vector<16xi1>, vector<16xf32>
      %mul3A_1418 = arith.constant 5 : i32
      %mul3A_1419 = arith.muli %add3A_1345, %mul3A_1418 : i32
      %add3A_1420 = arith.constant 3 : i32
      %add3A_1421 = arith.addi %mul3A_1419, %add3A_1420 : i32
      %get3A_1422 = arith.index_cast %add3A_1421 : i32 to index
      %get3A_1423 = arith.constant 0 : index
      %get3A_1424 = tpu.vector_load %arg10[%get3A_1422, %get3A_1423] {strides = array<i32>} : memref<2560x32xf32, #tpu.memory_space<vmem>>, vector<16xf32>,
      %mul3A_1425 = arith.mulf %get3A_1424, %get3A_1348 : vector<16xf32>
      %get3A_1426 = arith.index_cast %add3A_1421 : i32 to index
      %get3A_1427 = arith.constant 16 : index
      %get3A_1428 = tpu.vector_load %arg10[%get3A_1426, %get3A_1427] {strides = array<i32>} : memref<2560x32xf32, #tpu.memory_space<vmem>>, vector<16xf32>,
      %mul3A_1429 = arith.mulf %get3A_1428, %get3A_1351 : vector<16xf32>
      %add3A_1430 = arith.addf %mul3A_1425, %mul3A_1429 : vector<16xf32>
      %reduce_sum3A_1431 = arith.constant true
      %reduce_sum3A_1432 = vector.broadcast %reduce_sum3A_1431 : i1 to vector<16xi1>
      %reduce_sum3A_1433 = tpu.scan <sum>, %add3A_1430 masked %reduce_sum3A_1432 : vector<16xf32>, vector<16xi1> -> vector<16xf32>
      %reduce_sum3A_1434 = vector.extract %reduce_sum3A_1433[15] : f32 from vector<16xf32>
      %eq3A_1435 = arith.constant 11 : i32
      %eq3A_1436 = vector.broadcast %eq3A_1435 : i32 to vector<16xi32>
      %eq3A_1437 = arith.cmpi eq, %iota3A, %eq3A_1436 : vector<16xi32>
      %broadcast_in_dim3A_1438 = vector.broadcast %reduce_sum3A_1434 : f32 to vector<16xf32>
      %select_n3A_1439 = arith.select %eq3A_1437, %broadcast_in_dim3A_1438, %select_n3A_1417 : vector<16xi1>, vector<16xf32>
      %mul3A_1440 = arith.constant 5 : i32
      %mul3A_1441 = arith.muli %add3A_1345, %mul3A_1440 : i32
      %add3A_1442 = arith.constant 4 : i32
      %add3A_1443 = arith.addi %mul3A_1441, %add3A_1442 : i32
      %get3A_1444 = arith.index_cast %add3A_1443 : i32 to index
      %get3A_1445 = arith.constant 0 : index
      %get3A_1446 = tpu.vector_load %arg10[%get3A_1444, %get3A_1445] {strides = array<i32>} : memref<2560x32xf32, #tpu.memory_space<vmem>>, vector<16xf32>,
      %mul3A_1447 = arith.mulf %get3A_1446, %get3A_1348 : vector<16xf32>
      %get3A_1448 = arith.index_cast %add3A_1443 : i32 to index
      %get3A_1449 = arith.constant 16 : index
      %get3A_1450 = tpu.vector_load %arg10[%get3A_1448, %get3A_1449] {strides = array<i32>} : memref<2560x32xf32, #tpu.memory_space<vmem>>, vector<16xf32>,
      %mul3A_1451 = arith.mulf %get3A_1450, %get3A_1351 : vector<16xf32>
      %add3A_1452 = arith.addf %mul3A_1447, %mul3A_1451 : vector<16xf32>
      %reduce_sum3A_1453 = arith.constant true
      %reduce_sum3A_1454 = vector.broadcast %reduce_sum3A_1453 : i1 to vector<16xi1>
      %reduce_sum3A_1455 = tpu.scan <sum>, %add3A_1452 masked %reduce_sum3A_1454 : vector<16xf32>, vector<16xi1> -> vector<16xf32>
      %reduce_sum3A_1456 = vector.extract %reduce_sum3A_1455[15] : f32 from vector<16xf32>
      %eq3A_1457 = arith.constant 12 : i32
      %eq3A_1458 = vector.broadcast %eq3A_1457 : i32 to vector<16xi32>
      %eq3A_1459 = arith.cmpi eq, %iota3A, %eq3A_1458 : vector<16xi32>
      %broadcast_in_dim3A_1460 = vector.broadcast %reduce_sum3A_1456 : f32 to vector<16xf32>
      %select_n3A_1461 = arith.select %eq3A_1459, %broadcast_in_dim3A_1460, %select_n3A_1439 : vector<16xi1>, vector<16xf32>
      %add3A_1462 = arith.constant 9 : i32
      %add3A_1463 = arith.addi %mul3A_394, %add3A_1462 : i32
      %get3A_1464 = arith.index_cast %add3A_1463 : i32 to index
      %get3A_1465 = arith.constant 0 : index
      %get3A_1466 = tpu.vector_load %arg9[%get3A_1464, %get3A_1465] {strides = array<i32>} : memref<512x32xf32, #tpu.memory_space<vmem>>, vector<16xf32>,
      %get3A_1467 = arith.index_cast %add3A_1463 : i32 to index
      %get3A_1468 = arith.constant 16 : index
      %get3A_1469 = tpu.vector_load %arg9[%get3A_1467, %get3A_1468] {strides = array<i32>} : memref<512x32xf32, #tpu.memory_space<vmem>>, vector<16xf32>,
      %mul3A_1470 = arith.constant 5 : i32
      %mul3A_1471 = arith.muli %add3A_1463, %mul3A_1470 : i32
      %add3A_1472 = arith.constant 0 : i32
      %add3A_1473 = arith.addi %mul3A_1471, %add3A_1472 : i32
      %get3A_1474 = arith.index_cast %add3A_1473 : i32 to index
      %get3A_1475 = arith.constant 0 : index
      %get3A_1476 = tpu.vector_load %arg10[%get3A_1474, %get3A_1475] {strides = array<i32>} : memref<2560x32xf32, #tpu.memory_space<vmem>>, vector<16xf32>,
      %mul3A_1477 = arith.mulf %get3A_1476, %get3A_1466 : vector<16xf32>
      %get3A_1478 = arith.index_cast %add3A_1473 : i32 to index
      %get3A_1479 = arith.constant 16 : index
      %get3A_1480 = tpu.vector_load %arg10[%get3A_1478, %get3A_1479] {strides = array<i32>} : memref<2560x32xf32, #tpu.memory_space<vmem>>, vector<16xf32>,
      %mul3A_1481 = arith.mulf %get3A_1480, %get3A_1469 : vector<16xf32>
      %add3A_1482 = arith.addf %mul3A_1477, %mul3A_1481 : vector<16xf32>
      %reduce_sum3A_1483 = arith.constant true
      %reduce_sum3A_1484 = vector.broadcast %reduce_sum3A_1483 : i1 to vector<16xi1>
      %reduce_sum3A_1485 = tpu.scan <sum>, %add3A_1482 masked %reduce_sum3A_1484 : vector<16xf32>, vector<16xi1> -> vector<16xf32>
      %reduce_sum3A_1486 = vector.extract %reduce_sum3A_1485[15] : f32 from vector<16xf32>
      %eq3A_1487 = arith.constant 13 : i32
      %eq3A_1488 = vector.broadcast %eq3A_1487 : i32 to vector<16xi32>
      %eq3A_1489 = arith.cmpi eq, %iota3A, %eq3A_1488 : vector<16xi32>
      %broadcast_in_dim3A_1490 = vector.broadcast %reduce_sum3A_1486 : f32 to vector<16xf32>
      %select_n3A_1491 = arith.select %eq3A_1489, %broadcast_in_dim3A_1490, %select_n3A_1461 : vector<16xi1>, vector<16xf32>
      %mul3A_1492 = arith.constant 5 : i32
      %mul3A_1493 = arith.muli %add3A_1463, %mul3A_1492 : i32
      %add3A_1494 = arith.constant 1 : i32
      %add3A_1495 = arith.addi %mul3A_1493, %add3A_1494 : i32
      %get3A_1496 = arith.index_cast %add3A_1495 : i32 to index
      %get3A_1497 = arith.constant 0 : index
      %get3A_1498 = tpu.vector_load %arg10[%get3A_1496, %get3A_1497] {strides = array<i32>} : memref<2560x32xf32, #tpu.memory_space<vmem>>, vector<16xf32>,
      %mul3A_1499 = arith.mulf %get3A_1498, %get3A_1466 : vector<16xf32>
      %get3A_1500 = arith.index_cast %add3A_1495 : i32 to index
      %get3A_1501 = arith.constant 16 : index
      %get3A_1502 = tpu.vector_load %arg10[%get3A_1500, %get3A_1501] {strides = array<i32>} : memref<2560x32xf32, #tpu.memory_space<vmem>>, vector<16xf32>,
      %mul3A_1503 = arith.mulf %get3A_1502, %get3A_1469 : vector<16xf32>
      %add3A_1504 = arith.addf %mul3A_1499, %mul3A_1503 : vector<16xf32>
      %reduce_sum3A_1505 = arith.constant true
      %reduce_sum3A_1506 = vector.broadcast %reduce_sum3A_1505 : i1 to vector<16xi1>
      %reduce_sum3A_1507 = tpu.scan <sum>, %add3A_1504 masked %reduce_sum3A_1506 : vector<16xf32>, vector<16xi1> -> vector<16xf32>
      %reduce_sum3A_1508 = vector.extract %reduce_sum3A_1507[15] : f32 from vector<16xf32>
      %eq3A_1509 = arith.constant 14 : i32
      %eq3A_1510 = vector.broadcast %eq3A_1509 : i32 to vector<16xi32>
      %eq3A_1511 = arith.cmpi eq, %iota3A, %eq3A_1510 : vector<16xi32>
      %broadcast_in_dim3A_1512 = vector.broadcast %reduce_sum3A_1508 : f32 to vector<16xf32>
      %select_n3A_1513 = arith.select %eq3A_1511, %broadcast_in_dim3A_1512, %select_n3A_1491 : vector<16xi1>, vector<16xf32>
      %mul3A_1514 = arith.constant 5 : i32
      %mul3A_1515 = arith.muli %add3A_1463, %mul3A_1514 : i32
      %add3A_1516 = arith.constant 2 : i32
      %add3A_1517 = arith.addi %mul3A_1515, %add3A_1516 : i32
      %get3A_1518 = arith.index_cast %add3A_1517 : i32 to index
      %get3A_1519 = arith.constant 0 : index
      %get3A_1520 = tpu.vector_load %arg10[%get3A_1518, %get3A_1519] {strides = array<i32>} : memref<2560x32xf32, #tpu.memory_space<vmem>>, vector<16xf32>,
      %mul3A_1521 = arith.mulf %get3A_1520, %get3A_1466 : vector<16xf32>
      %get3A_1522 = arith.index_cast %add3A_1517 : i32 to index
      %get3A_1523 = arith.constant 16 : index
      %get3A_1524 = tpu.vector_load %arg10[%get3A_1522, %get3A_1523] {strides = array<i32>} : memref<2560x32xf32, #tpu.memory_space<vmem>>, vector<16xf32>,
      %mul3A_1525 = arith.mulf %get3A_1524, %get3A_1469 : vector<16xf32>
      %add3A_1526 = arith.addf %mul3A_1521, %mul3A_1525 : vector<16xf32>
      %reduce_sum3A_1527 = arith.constant true
      %reduce_sum3A_1528 = vector.broadcast %reduce_sum3A_1527 : i1 to vector<16xi1>
      %reduce_sum3A_1529 = tpu.scan <sum>, %add3A_1526 masked %reduce_sum3A_1528 : vector<16xf32>, vector<16xi1> -> vector<16xf32>
      %reduce_sum3A_1530 = vector.extract %reduce_sum3A_1529[15] : f32 from vector<16xf32>
      %eq3A_1531 = arith.constant 15 : i32
      %eq3A_1532 = vector.broadcast %eq3A_1531 : i32 to vector<16xi32>
      %eq3A_1533 = arith.cmpi eq, %iota3A, %eq3A_1532 : vector<16xi32>
      %broadcast_in_dim3A_1534 = vector.broadcast %reduce_sum3A_1530 : f32 to vector<16xf32>
      %select_n3A_1535 = arith.select %eq3A_1533, %broadcast_in_dim3A_1534, %select_n3A_1513 : vector<16xi1>, vector<16xf32>
      %mul3A_1536 = arith.constant 5 : i32
      %mul3A_1537 = arith.muli %add3A_1463, %mul3A_1536 : i32
      %add3A_1538 = arith.constant 3 : i32
      %add3A_1539 = arith.addi %mul3A_1537, %add3A_1538 : i32
      %get3A_1540 = arith.index_cast %add3A_1539 : i32 to index
      %get3A_1541 = arith.constant 0 : index
      %get3A_1542 = tpu.vector_load %arg10[%get3A_1540, %get3A_1541] {strides = array<i32>} : memref<2560x32xf32, #tpu.memory_space<vmem>>, vector<16xf32>,
      %mul3A_1543 = arith.mulf %get3A_1542, %get3A_1466 : vector<16xf32>
      %get3A_1544 = arith.index_cast %add3A_1539 : i32 to index
      %get3A_1545 = arith.constant 16 : index
      %get3A_1546 = tpu.vector_load %arg10[%get3A_1544, %get3A_1545] {strides = array<i32>} : memref<2560x32xf32, #tpu.memory_space<vmem>>, vector<16xf32>,
      %mul3A_1547 = arith.mulf %get3A_1546, %get3A_1469 : vector<16xf32>
      %add3A_1548 = arith.addf %mul3A_1543, %mul3A_1547 : vector<16xf32>
      %reduce_sum3A_1549 = arith.constant true
      %reduce_sum3A_1550 = vector.broadcast %reduce_sum3A_1549 : i1 to vector<16xi1>
      %reduce_sum3A_1551 = tpu.scan <sum>, %add3A_1548 masked %reduce_sum3A_1550 : vector<16xf32>, vector<16xi1> -> vector<16xf32>
      %reduce_sum3A_1552 = vector.extract %reduce_sum3A_1551[15] : f32 from vector<16xf32>
      %eq3A_1553 = arith.constant 0 : i32
      %eq3A_1554 = vector.broadcast %eq3A_1553 : i32 to vector<16xi32>
      %eq3A_1555 = arith.cmpi eq, %iota3A, %eq3A_1554 : vector<16xi32>
      %broadcast_in_dim3A_1556 = vector.broadcast %reduce_sum3A_1552 : f32 to vector<16xf32>
      %select_n3A_1557 = arith.select %eq3A_1555, %broadcast_in_dim3A_1556, %broadcast_in_dim3A_401 : vector<16xi1>, vector<16xf32>
      %mul3A_1558 = arith.constant 5 : i32
      %mul3A_1559 = arith.muli %add3A_1463, %mul3A_1558 : i32
      %add3A_1560 = arith.constant 4 : i32
      %add3A_1561 = arith.addi %mul3A_1559, %add3A_1560 : i32
      %get3A_1562 = arith.index_cast %add3A_1561 : i32 to index
      %get3A_1563 = arith.constant 0 : index
      %get3A_1564 = tpu.vector_load %arg10[%get3A_1562, %get3A_1563] {strides = array<i32>} : memref<2560x32xf32, #tpu.memory_space<vmem>>, vector<16xf32>,
      %mul3A_1565 = arith.mulf %get3A_1564, %get3A_1466 : vector<16xf32>
      %get3A_1566 = arith.index_cast %add3A_1561 : i32 to index
      %get3A_1567 = arith.constant 16 : index
      %get3A_1568 = tpu.vector_load %arg10[%get3A_1566, %get3A_1567] {strides = array<i32>} : memref<2560x32xf32, #tpu.memory_space<vmem>>, vector<16xf32>,
      %mul3A_1569 = arith.mulf %get3A_1568, %get3A_1469 : vector<16xf32>
      %add3A_1570 = arith.addf %mul3A_1565, %mul3A_1569 : vector<16xf32>
      %reduce_sum3A_1571 = arith.constant true
      %reduce_sum3A_1572 = vector.broadcast %reduce_sum3A_1571 : i1 to vector<16xi1>
      %reduce_sum3A_1573 = tpu.scan <sum>, %add3A_1570 masked %reduce_sum3A_1572 : vector<16xf32>, vector<16xi1> -> vector<16xf32>
      %reduce_sum3A_1574 = vector.extract %reduce_sum3A_1573[15] : f32 from vector<16xf32>
      %eq3A_1575 = arith.constant 1 : i32
      %eq3A_1576 = vector.broadcast %eq3A_1575 : i32 to vector<16xi32>
      %eq3A_1577 = arith.cmpi eq, %iota3A, %eq3A_1576 : vector<16xi32>
      %broadcast_in_dim3A_1578 = vector.broadcast %reduce_sum3A_1574 : f32 to vector<16xf32>
      %select_n3A_1579 = arith.select %eq3A_1577, %broadcast_in_dim3A_1578, %select_n3A_1557 : vector<16xi1>, vector<16xf32>
      %add3A_1580 = arith.constant 10 : i32
      %add3A_1581 = arith.addi %mul3A_394, %add3A_1580 : i32
      %get3A_1582 = arith.index_cast %add3A_1581 : i32 to index
      %get3A_1583 = arith.constant 0 : index
      %get3A_1584 = tpu.vector_load %arg9[%get3A_1582, %get3A_1583] {strides = array<i32>} : memref<512x32xf32, #tpu.memory_space<vmem>>, vector<16xf32>,
      %get3A_1585 = arith.index_cast %add3A_1581 : i32 to index
      %get3A_1586 = arith.constant 16 : index
      %get3A_1587 = tpu.vector_load %arg9[%get3A_1585, %get3A_1586] {strides = array<i32>} : memref<512x32xf32, #tpu.memory_space<vmem>>, vector<16xf32>,
      %mul3A_1588 = arith.constant 5 : i32
      %mul3A_1589 = arith.muli %add3A_1581, %mul3A_1588 : i32
      %add3A_1590 = arith.constant 0 : i32
      %add3A_1591 = arith.addi %mul3A_1589, %add3A_1590 : i32
      %get3A_1592 = arith.index_cast %add3A_1591 : i32 to index
      %get3A_1593 = arith.constant 0 : index
      %get3A_1594 = tpu.vector_load %arg10[%get3A_1592, %get3A_1593] {strides = array<i32>} : memref<2560x32xf32, #tpu.memory_space<vmem>>, vector<16xf32>,
      %mul3A_1595 = arith.mulf %get3A_1594, %get3A_1584 : vector<16xf32>
      %get3A_1596 = arith.index_cast %add3A_1591 : i32 to index
      %get3A_1597 = arith.constant 16 : index
      %get3A_1598 = tpu.vector_load %arg10[%get3A_1596, %get3A_1597] {strides = array<i32>} : memref<2560x32xf32, #tpu.memory_space<vmem>>, vector<16xf32>,
      %mul3A_1599 = arith.mulf %get3A_1598, %get3A_1587 : vector<16xf32>
      %add3A_1600 = arith.addf %mul3A_1595, %mul3A_1599 : vector<16xf32>
      %reduce_sum3A_1601 = arith.constant true
      %reduce_sum3A_1602 = vector.broadcast %reduce_sum3A_1601 : i1 to vector<16xi1>
      %reduce_sum3A_1603 = tpu.scan <sum>, %add3A_1600 masked %reduce_sum3A_1602 : vector<16xf32>, vector<16xi1> -> vector<16xf32>
      %reduce_sum3A_1604 = vector.extract %reduce_sum3A_1603[15] : f32 from vector<16xf32>
      %eq3A_1605 = arith.constant 2 : i32
      %eq3A_1606 = vector.broadcast %eq3A_1605 : i32 to vector<16xi32>
      %eq3A_1607 = arith.cmpi eq, %iota3A, %eq3A_1606 : vector<16xi32>
      %broadcast_in_dim3A_1608 = vector.broadcast %reduce_sum3A_1604 : f32 to vector<16xf32>
      %select_n3A_1609 = arith.select %eq3A_1607, %broadcast_in_dim3A_1608, %select_n3A_1579 : vector<16xi1>, vector<16xf32>
      %mul3A_1610 = arith.constant 5 : i32
      %mul3A_1611 = arith.muli %add3A_1581, %mul3A_1610 : i32
      %add3A_1612 = arith.constant 1 : i32
      %add3A_1613 = arith.addi %mul3A_1611, %add3A_1612 : i32
      %get3A_1614 = arith.index_cast %add3A_1613 : i32 to index
      %get3A_1615 = arith.constant 0 : index
      %get3A_1616 = tpu.vector_load %arg10[%get3A_1614, %get3A_1615] {strides = array<i32>} : memref<2560x32xf32, #tpu.memory_space<vmem>>, vector<16xf32>,
      %mul3A_1617 = arith.mulf %get3A_1616, %get3A_1584 : vector<16xf32>
      %get3A_1618 = arith.index_cast %add3A_1613 : i32 to index
      %get3A_1619 = arith.constant 16 : index
      %get3A_1620 = tpu.vector_load %arg10[%get3A_1618, %get3A_1619] {strides = array<i32>} : memref<2560x32xf32, #tpu.memory_space<vmem>>, vector<16xf32>,
      %mul3A_1621 = arith.mulf %get3A_1620, %get3A_1587 : vector<16xf32>
      %add3A_1622 = arith.addf %mul3A_1617, %mul3A_1621 : vector<16xf32>
      %reduce_sum3A_1623 = arith.constant true
      %reduce_sum3A_1624 = vector.broadcast %reduce_sum3A_1623 : i1 to vector<16xi1>
      %reduce_sum3A_1625 = tpu.scan <sum>, %add3A_1622 masked %reduce_sum3A_1624 : vector<16xf32>, vector<16xi1> -> vector<16xf32>
      %reduce_sum3A_1626 = vector.extract %reduce_sum3A_1625[15] : f32 from vector<16xf32>
      %eq3A_1627 = arith.constant 3 : i32
      %eq3A_1628 = vector.broadcast %eq3A_1627 : i32 to vector<16xi32>
      %eq3A_1629 = arith.cmpi eq, %iota3A, %eq3A_1628 : vector<16xi32>
      %broadcast_in_dim3A_1630 = vector.broadcast %reduce_sum3A_1626 : f32 to vector<16xf32>
      %select_n3A_1631 = arith.select %eq3A_1629, %broadcast_in_dim3A_1630, %select_n3A_1609 : vector<16xi1>, vector<16xf32>
      %mul3A_1632 = arith.constant 5 : i32
      %mul3A_1633 = arith.muli %add3A_1581, %mul3A_1632 : i32
      %add3A_1634 = arith.constant 2 : i32
      %add3A_1635 = arith.addi %mul3A_1633, %add3A_1634 : i32
      %get3A_1636 = arith.index_cast %add3A_1635 : i32 to index
      %get3A_1637 = arith.constant 0 : index
      %get3A_1638 = tpu.vector_load %arg10[%get3A_1636, %get3A_1637] {strides = array<i32>} : memref<2560x32xf32, #tpu.memory_space<vmem>>, vector<16xf32>,
      %mul3A_1639 = arith.mulf %get3A_1638, %get3A_1584 : vector<16xf32>
      %get3A_1640 = arith.index_cast %add3A_1635 : i32 to index
      %get3A_1641 = arith.constant 16 : index
      %get3A_1642 = tpu.vector_load %arg10[%get3A_1640, %get3A_1641] {strides = array<i32>} : memref<2560x32xf32, #tpu.memory_space<vmem>>, vector<16xf32>,
      %mul3A_1643 = arith.mulf %get3A_1642, %get3A_1587 : vector<16xf32>
      %add3A_1644 = arith.addf %mul3A_1639, %mul3A_1643 : vector<16xf32>
      %reduce_sum3A_1645 = arith.constant true
      %reduce_sum3A_1646 = vector.broadcast %reduce_sum3A_1645 : i1 to vector<16xi1>
      %reduce_sum3A_1647 = tpu.scan <sum>, %add3A_1644 masked %reduce_sum3A_1646 : vector<16xf32>, vector<16xi1> -> vector<16xf32>
      %reduce_sum3A_1648 = vector.extract %reduce_sum3A_1647[15] : f32 from vector<16xf32>
      %eq3A_1649 = arith.constant 4 : i32
      %eq3A_1650 = vector.broadcast %eq3A_1649 : i32 to vector<16xi32>
      %eq3A_1651 = arith.cmpi eq, %iota3A, %eq3A_1650 : vector<16xi32>
      %broadcast_in_dim3A_1652 = vector.broadcast %reduce_sum3A_1648 : f32 to vector<16xf32>
      %select_n3A_1653 = arith.select %eq3A_1651, %broadcast_in_dim3A_1652, %select_n3A_1631 : vector<16xi1>, vector<16xf32>
      %mul3A_1654 = arith.constant 5 : i32
      %mul3A_1655 = arith.muli %add3A_1581, %mul3A_1654 : i32
      %add3A_1656 = arith.constant 3 : i32
      %add3A_1657 = arith.addi %mul3A_1655, %add3A_1656 : i32
      %get3A_1658 = arith.index_cast %add3A_1657 : i32 to index
      %get3A_1659 = arith.constant 0 : index
      %get3A_1660 = tpu.vector_load %arg10[%get3A_1658, %get3A_1659] {strides = array<i32>} : memref<2560x32xf32, #tpu.memory_space<vmem>>, vector<16xf32>,
      %mul3A_1661 = arith.mulf %get3A_1660, %get3A_1584 : vector<16xf32>
      %get3A_1662 = arith.index_cast %add3A_1657 : i32 to index
      %get3A_1663 = arith.constant 16 : index
      %get3A_1664 = tpu.vector_load %arg10[%get3A_1662, %get3A_1663] {strides = array<i32>} : memref<2560x32xf32, #tpu.memory_space<vmem>>, vector<16xf32>,
      %mul3A_1665 = arith.mulf %get3A_1664, %get3A_1587 : vector<16xf32>
      %add3A_1666 = arith.addf %mul3A_1661, %mul3A_1665 : vector<16xf32>
      %reduce_sum3A_1667 = arith.constant true
      %reduce_sum3A_1668 = vector.broadcast %reduce_sum3A_1667 : i1 to vector<16xi1>
      %reduce_sum3A_1669 = tpu.scan <sum>, %add3A_1666 masked %reduce_sum3A_1668 : vector<16xf32>, vector<16xi1> -> vector<16xf32>
      %reduce_sum3A_1670 = vector.extract %reduce_sum3A_1669[15] : f32 from vector<16xf32>
      %eq3A_1671 = arith.constant 5 : i32
      %eq3A_1672 = vector.broadcast %eq3A_1671 : i32 to vector<16xi32>
      %eq3A_1673 = arith.cmpi eq, %iota3A, %eq3A_1672 : vector<16xi32>
      %broadcast_in_dim3A_1674 = vector.broadcast %reduce_sum3A_1670 : f32 to vector<16xf32>
      %select_n3A_1675 = arith.select %eq3A_1673, %broadcast_in_dim3A_1674, %select_n3A_1653 : vector<16xi1>, vector<16xf32>
      %mul3A_1676 = arith.constant 5 : i32
      %mul3A_1677 = arith.muli %add3A_1581, %mul3A_1676 : i32
      %add3A_1678 = arith.constant 4 : i32
      %add3A_1679 = arith.addi %mul3A_1677, %add3A_1678 : i32
      %get3A_1680 = arith.index_cast %add3A_1679 : i32 to index
      %get3A_1681 = arith.constant 0 : index
      %get3A_1682 = tpu.vector_load %arg10[%get3A_1680, %get3A_1681] {strides = array<i32>} : memref<2560x32xf32, #tpu.memory_space<vmem>>, vector<16xf32>,
      %mul3A_1683 = arith.mulf %get3A_1682, %get3A_1584 : vector<16xf32>
      %get3A_1684 = arith.index_cast %add3A_1679 : i32 to index
      %get3A_1685 = arith.constant 16 : index
      %get3A_1686 = tpu.vector_load %arg10[%get3A_1684, %get3A_1685] {strides = array<i32>} : memref<2560x32xf32, #tpu.memory_space<vmem>>, vector<16xf32>,
      %mul3A_1687 = arith.mulf %get3A_1686, %get3A_1587 : vector<16xf32>
      %add3A_1688 = arith.addf %mul3A_1683, %mul3A_1687 : vector<16xf32>
      %reduce_sum3A_1689 = arith.constant true
      %reduce_sum3A_1690 = vector.broadcast %reduce_sum3A_1689 : i1 to vector<16xi1>
      %reduce_sum3A_1691 = tpu.scan <sum>, %add3A_1688 masked %reduce_sum3A_1690 : vector<16xf32>, vector<16xi1> -> vector<16xf32>
      %reduce_sum3A_1692 = vector.extract %reduce_sum3A_1691[15] : f32 from vector<16xf32>
      %eq3A_1693 = arith.constant 6 : i32
      %eq3A_1694 = vector.broadcast %eq3A_1693 : i32 to vector<16xi32>
      %eq3A_1695 = arith.cmpi eq, %iota3A, %eq3A_1694 : vector<16xi32>
      %broadcast_in_dim3A_1696 = vector.broadcast %reduce_sum3A_1692 : f32 to vector<16xf32>
      %select_n3A_1697 = arith.select %eq3A_1695, %broadcast_in_dim3A_1696, %select_n3A_1675 : vector<16xi1>, vector<16xf32>
      %add3A_1698 = arith.constant 11 : i32
      %add3A_1699 = arith.addi %mul3A_394, %add3A_1698 : i32
      %get3A_1700 = arith.index_cast %add3A_1699 : i32 to index
      %get3A_1701 = arith.constant 0 : index
      %get3A_1702 = tpu.vector_load %arg9[%get3A_1700, %get3A_1701] {strides = array<i32>} : memref<512x32xf32, #tpu.memory_space<vmem>>, vector<16xf32>,
      %get3A_1703 = arith.index_cast %add3A_1699 : i32 to index
      %get3A_1704 = arith.constant 16 : index
      %get3A_1705 = tpu.vector_load %arg9[%get3A_1703, %get3A_1704] {strides = array<i32>} : memref<512x32xf32, #tpu.memory_space<vmem>>, vector<16xf32>,
      %mul3A_1706 = arith.constant 5 : i32
      %mul3A_1707 = arith.muli %add3A_1699, %mul3A_1706 : i32
      %add3A_1708 = arith.constant 0 : i32
      %add3A_1709 = arith.addi %mul3A_1707, %add3A_1708 : i32
      %get3A_1710 = arith.index_cast %add3A_1709 : i32 to index
      %get3A_1711 = arith.constant 0 : index
      %get3A_1712 = tpu.vector_load %arg10[%get3A_1710, %get3A_1711] {strides = array<i32>} : memref<2560x32xf32, #tpu.memory_space<vmem>>, vector<16xf32>,
      %mul3A_1713 = arith.mulf %get3A_1712, %get3A_1702 : vector<16xf32>
      %get3A_1714 = arith.index_cast %add3A_1709 : i32 to index
      %get3A_1715 = arith.constant 16 : index
      %get3A_1716 = tpu.vector_load %arg10[%get3A_1714, %get3A_1715] {strides = array<i32>} : memref<2560x32xf32, #tpu.memory_space<vmem>>, vector<16xf32>,
      %mul3A_1717 = arith.mulf %get3A_1716, %get3A_1705 : vector<16xf32>
      %add3A_1718 = arith.addf %mul3A_1713, %mul3A_1717 : vector<16xf32>
      %reduce_sum3A_1719 = arith.constant true
      %reduce_sum3A_1720 = vector.broadcast %reduce_sum3A_1719 : i1 to vector<16xi1>
      %reduce_sum3A_1721 = tpu.scan <sum>, %add3A_1718 masked %reduce_sum3A_1720 : vector<16xf32>, vector<16xi1> -> vector<16xf32>
      %reduce_sum3A_1722 = vector.extract %reduce_sum3A_1721[15] : f32 from vector<16xf32>
      %eq3A_1723 = arith.constant 7 : i32
      %eq3A_1724 = vector.broadcast %eq3A_1723 : i32 to vector<16xi32>
      %eq3A_1725 = arith.cmpi eq, %iota3A, %eq3A_1724 : vector<16xi32>
      %broadcast_in_dim3A_1726 = vector.broadcast %reduce_sum3A_1722 : f32 to vector<16xf32>
      %select_n3A_1727 = arith.select %eq3A_1725, %broadcast_in_dim3A_1726, %select_n3A_1697 : vector<16xi1>, vector<16xf32>
      %mul3A_1728 = arith.constant 5 : i32
      %mul3A_1729 = arith.muli %add3A_1699, %mul3A_1728 : i32
      %add3A_1730 = arith.constant 1 : i32
      %add3A_1731 = arith.addi %mul3A_1729, %add3A_1730 : i32
      %get3A_1732 = arith.index_cast %add3A_1731 : i32 to index
      %get3A_1733 = arith.constant 0 : index
      %get3A_1734 = tpu.vector_load %arg10[%get3A_1732, %get3A_1733] {strides = array<i32>} : memref<2560x32xf32, #tpu.memory_space<vmem>>, vector<16xf32>,
      %mul3A_1735 = arith.mulf %get3A_1734, %get3A_1702 : vector<16xf32>
      %get3A_1736 = arith.index_cast %add3A_1731 : i32 to index
      %get3A_1737 = arith.constant 16 : index
      %get3A_1738 = tpu.vector_load %arg10[%get3A_1736, %get3A_1737] {strides = array<i32>} : memref<2560x32xf32, #tpu.memory_space<vmem>>, vector<16xf32>,
      %mul3A_1739 = arith.mulf %get3A_1738, %get3A_1705 : vector<16xf32>
      %add3A_1740 = arith.addf %mul3A_1735, %mul3A_1739 : vector<16xf32>
      %reduce_sum3A_1741 = arith.constant true
      %reduce_sum3A_1742 = vector.broadcast %reduce_sum3A_1741 : i1 to vector<16xi1>
      %reduce_sum3A_1743 = tpu.scan <sum>, %add3A_1740 masked %reduce_sum3A_1742 : vector<16xf32>, vector<16xi1> -> vector<16xf32>
      %reduce_sum3A_1744 = vector.extract %reduce_sum3A_1743[15] : f32 from vector<16xf32>
      %eq3A_1745 = arith.constant 8 : i32
      %eq3A_1746 = vector.broadcast %eq3A_1745 : i32 to vector<16xi32>
      %eq3A_1747 = arith.cmpi eq, %iota3A, %eq3A_1746 : vector<16xi32>
      %broadcast_in_dim3A_1748 = vector.broadcast %reduce_sum3A_1744 : f32 to vector<16xf32>
      %select_n3A_1749 = arith.select %eq3A_1747, %broadcast_in_dim3A_1748, %select_n3A_1727 : vector<16xi1>, vector<16xf32>
      %mul3A_1750 = arith.constant 5 : i32
      %mul3A_1751 = arith.muli %add3A_1699, %mul3A_1750 : i32
      %add3A_1752 = arith.constant 2 : i32
      %add3A_1753 = arith.addi %mul3A_1751, %add3A_1752 : i32
      %get3A_1754 = arith.index_cast %add3A_1753 : i32 to index
      %get3A_1755 = arith.constant 0 : index
      %get3A_1756 = tpu.vector_load %arg10[%get3A_1754, %get3A_1755] {strides = array<i32>} : memref<2560x32xf32, #tpu.memory_space<vmem>>, vector<16xf32>,
      %mul3A_1757 = arith.mulf %get3A_1756, %get3A_1702 : vector<16xf32>
      %get3A_1758 = arith.index_cast %add3A_1753 : i32 to index
      %get3A_1759 = arith.constant 16 : index
      %get3A_1760 = tpu.vector_load %arg10[%get3A_1758, %get3A_1759] {strides = array<i32>} : memref<2560x32xf32, #tpu.memory_space<vmem>>, vector<16xf32>,
      %mul3A_1761 = arith.mulf %get3A_1760, %get3A_1705 : vector<16xf32>
      %add3A_1762 = arith.addf %mul3A_1757, %mul3A_1761 : vector<16xf32>
      %reduce_sum3A_1763 = arith.constant true
      %reduce_sum3A_1764 = vector.broadcast %reduce_sum3A_1763 : i1 to vector<16xi1>
      %reduce_sum3A_1765 = tpu.scan <sum>, %add3A_1762 masked %reduce_sum3A_1764 : vector<16xf32>, vector<16xi1> -> vector<16xf32>
      %reduce_sum3A_1766 = vector.extract %reduce_sum3A_1765[15] : f32 from vector<16xf32>
      %eq3A_1767 = arith.constant 9 : i32
      %eq3A_1768 = vector.broadcast %eq3A_1767 : i32 to vector<16xi32>
      %eq3A_1769 = arith.cmpi eq, %iota3A, %eq3A_1768 : vector<16xi32>
      %broadcast_in_dim3A_1770 = vector.broadcast %reduce_sum3A_1766 : f32 to vector<16xf32>
      %select_n3A_1771 = arith.select %eq3A_1769, %broadcast_in_dim3A_1770, %select_n3A_1749 : vector<16xi1>, vector<16xf32>
      %mul3A_1772 = arith.constant 5 : i32
      %mul3A_1773 = arith.muli %add3A_1699, %mul3A_1772 : i32
      %add3A_1774 = arith.constant 3 : i32
      %add3A_1775 = arith.addi %mul3A_1773, %add3A_1774 : i32
      %get3A_1776 = arith.index_cast %add3A_1775 : i32 to index
      %get3A_1777 = arith.constant 0 : index
      %get3A_1778 = tpu.vector_load %arg10[%get3A_1776, %get3A_1777] {strides = array<i32>} : memref<2560x32xf32, #tpu.memory_space<vmem>>, vector<16xf32>,
      %mul3A_1779 = arith.mulf %get3A_1778, %get3A_1702 : vector<16xf32>
      %get3A_1780 = arith.index_cast %add3A_1775 : i32 to index
      %get3A_1781 = arith.constant 16 : index
      %get3A_1782 = tpu.vector_load %arg10[%get3A_1780, %get3A_1781] {strides = array<i32>} : memref<2560x32xf32, #tpu.memory_space<vmem>>, vector<16xf32>,
      %mul3A_1783 = arith.mulf %get3A_1782, %get3A_1705 : vector<16xf32>
      %add3A_1784 = arith.addf %mul3A_1779, %mul3A_1783 : vector<16xf32>
      %reduce_sum3A_1785 = arith.constant true
      %reduce_sum3A_1786 = vector.broadcast %reduce_sum3A_1785 : i1 to vector<16xi1>
      %reduce_sum3A_1787 = tpu.scan <sum>, %add3A_1784 masked %reduce_sum3A_1786 : vector<16xf32>, vector<16xi1> -> vector<16xf32>
      %reduce_sum3A_1788 = vector.extract %reduce_sum3A_1787[15] : f32 from vector<16xf32>
      %eq3A_1789 = arith.constant 10 : i32
      %eq3A_1790 = vector.broadcast %eq3A_1789 : i32 to vector<16xi32>
      %eq3A_1791 = arith.cmpi eq, %iota3A, %eq3A_1790 : vector<16xi32>
      %broadcast_in_dim3A_1792 = vector.broadcast %reduce_sum3A_1788 : f32 to vector<16xf32>
      %select_n3A_1793 = arith.select %eq3A_1791, %broadcast_in_dim3A_1792, %select_n3A_1771 : vector<16xi1>, vector<16xf32>
      %mul3A_1794 = arith.constant 5 : i32
      %mul3A_1795 = arith.muli %add3A_1699, %mul3A_1794 : i32
      %add3A_1796 = arith.constant 4 : i32
      %add3A_1797 = arith.addi %mul3A_1795, %add3A_1796 : i32
      %get3A_1798 = arith.index_cast %add3A_1797 : i32 to index
      %get3A_1799 = arith.constant 0 : index
      %get3A_1800 = tpu.vector_load %arg10[%get3A_1798, %get3A_1799] {strides = array<i32>} : memref<2560x32xf32, #tpu.memory_space<vmem>>, vector<16xf32>,
      %mul3A_1801 = arith.mulf %get3A_1800, %get3A_1702 : vector<16xf32>
      %get3A_1802 = arith.index_cast %add3A_1797 : i32 to index
      %get3A_1803 = arith.constant 16 : index
      %get3A_1804 = tpu.vector_load %arg10[%get3A_1802, %get3A_1803] {strides = array<i32>} : memref<2560x32xf32, #tpu.memory_space<vmem>>, vector<16xf32>,
      %mul3A_1805 = arith.mulf %get3A_1804, %get3A_1705 : vector<16xf32>
      %add3A_1806 = arith.addf %mul3A_1801, %mul3A_1805 : vector<16xf32>
      %reduce_sum3A_1807 = arith.constant true
      %reduce_sum3A_1808 = vector.broadcast %reduce_sum3A_1807 : i1 to vector<16xi1>
      %reduce_sum3A_1809 = tpu.scan <sum>, %add3A_1806 masked %reduce_sum3A_1808 : vector<16xf32>, vector<16xi1> -> vector<16xf32>
      %reduce_sum3A_1810 = vector.extract %reduce_sum3A_1809[15] : f32 from vector<16xf32>
      %eq3A_1811 = arith.constant 11 : i32
      %eq3A_1812 = vector.broadcast %eq3A_1811 : i32 to vector<16xi32>
      %eq3A_1813 = arith.cmpi eq, %iota3A, %eq3A_1812 : vector<16xi32>
      %broadcast_in_dim3A_1814 = vector.broadcast %reduce_sum3A_1810 : f32 to vector<16xf32>
      %select_n3A_1815 = arith.select %eq3A_1813, %broadcast_in_dim3A_1814, %select_n3A_1793 : vector<16xi1>, vector<16xf32>
      %add3A_1816 = arith.constant 12 : i32
      %add3A_1817 = arith.addi %mul3A_394, %add3A_1816 : i32
      %get3A_1818 = arith.index_cast %add3A_1817 : i32 to index
      %get3A_1819 = arith.constant 0 : index
      %get3A_1820 = tpu.vector_load %arg9[%get3A_1818, %get3A_1819] {strides = array<i32>} : memref<512x32xf32, #tpu.memory_space<vmem>>, vector<16xf32>,
      %get3A_1821 = arith.index_cast %add3A_1817 : i32 to index
      %get3A_1822 = arith.constant 16 : index
      %get3A_1823 = tpu.vector_load %arg9[%get3A_1821, %get3A_1822] {strides = array<i32>} : memref<512x32xf32, #tpu.memory_space<vmem>>, vector<16xf32>,
      %mul3A_1824 = arith.constant 5 : i32
      %mul3A_1825 = arith.muli %add3A_1817, %mul3A_1824 : i32
      %add3A_1826 = arith.constant 0 : i32
      %add3A_1827 = arith.addi %mul3A_1825, %add3A_1826 : i32
      %get3A_1828 = arith.index_cast %add3A_1827 : i32 to index
      %get3A_1829 = arith.constant 0 : index
      %get3A_1830 = tpu.vector_load %arg10[%get3A_1828, %get3A_1829] {strides = array<i32>} : memref<2560x32xf32, #tpu.memory_space<vmem>>, vector<16xf32>,
      %mul3A_1831 = arith.mulf %get3A_1830, %get3A_1820 : vector<16xf32>
      %get3A_1832 = arith.index_cast %add3A_1827 : i32 to index
      %get3A_1833 = arith.constant 16 : index
      %get3A_1834 = tpu.vector_load %arg10[%get3A_1832, %get3A_1833] {strides = array<i32>} : memref<2560x32xf32, #tpu.memory_space<vmem>>, vector<16xf32>,
      %mul3A_1835 = arith.mulf %get3A_1834, %get3A_1823 : vector<16xf32>
      %add3A_1836 = arith.addf %mul3A_1831, %mul3A_1835 : vector<16xf32>
      %reduce_sum3A_1837 = arith.constant true
      %reduce_sum3A_1838 = vector.broadcast %reduce_sum3A_1837 : i1 to vector<16xi1>
      %reduce_sum3A_1839 = tpu.scan <sum>, %add3A_1836 masked %reduce_sum3A_1838 : vector<16xf32>, vector<16xi1> -> vector<16xf32>
      %reduce_sum3A_1840 = vector.extract %reduce_sum3A_1839[15] : f32 from vector<16xf32>
      %eq3A_1841 = arith.constant 12 : i32
      %eq3A_1842 = vector.broadcast %eq3A_1841 : i32 to vector<16xi32>
      %eq3A_1843 = arith.cmpi eq, %iota3A, %eq3A_1842 : vector<16xi32>
      %broadcast_in_dim3A_1844 = vector.broadcast %reduce_sum3A_1840 : f32 to vector<16xf32>
      %select_n3A_1845 = arith.select %eq3A_1843, %broadcast_in_dim3A_1844, %select_n3A_1815 : vector<16xi1>, vector<16xf32>
      %mul3A_1846 = arith.constant 5 : i32
      %mul3A_1847 = arith.muli %add3A_1817, %mul3A_1846 : i32
      %add3A_1848 = arith.constant 1 : i32
      %add3A_1849 = arith.addi %mul3A_1847, %add3A_1848 : i32
      %get3A_1850 = arith.index_cast %add3A_1849 : i32 to index
      %get3A_1851 = arith.constant 0 : index
      %get3A_1852 = tpu.vector_load %arg10[%get3A_1850, %get3A_1851] {strides = array<i32>} : memref<2560x32xf32, #tpu.memory_space<vmem>>, vector<16xf32>,
      %mul3A_1853 = arith.mulf %get3A_1852, %get3A_1820 : vector<16xf32>
      %get3A_1854 = arith.index_cast %add3A_1849 : i32 to index
      %get3A_1855 = arith.constant 16 : index
      %get3A_1856 = tpu.vector_load %arg10[%get3A_1854, %get3A_1855] {strides = array<i32>} : memref<2560x32xf32, #tpu.memory_space<vmem>>, vector<16xf32>,
      %mul3A_1857 = arith.mulf %get3A_1856, %get3A_1823 : vector<16xf32>
      %add3A_1858 = arith.addf %mul3A_1853, %mul3A_1857 : vector<16xf32>
      %reduce_sum3A_1859 = arith.constant true
      %reduce_sum3A_1860 = vector.broadcast %reduce_sum3A_1859 : i1 to vector<16xi1>
      %reduce_sum3A_1861 = tpu.scan <sum>, %add3A_1858 masked %reduce_sum3A_1860 : vector<16xf32>, vector<16xi1> -> vector<16xf32>
      %reduce_sum3A_1862 = vector.extract %reduce_sum3A_1861[15] : f32 from vector<16xf32>
      %eq3A_1863 = arith.constant 13 : i32
      %eq3A_1864 = vector.broadcast %eq3A_1863 : i32 to vector<16xi32>
      %eq3A_1865 = arith.cmpi eq, %iota3A, %eq3A_1864 : vector<16xi32>
      %broadcast_in_dim3A_1866 = vector.broadcast %reduce_sum3A_1862 : f32 to vector<16xf32>
      %select_n3A_1867 = arith.select %eq3A_1865, %broadcast_in_dim3A_1866, %select_n3A_1845 : vector<16xi1>, vector<16xf32>
      %mul3A_1868 = arith.constant 5 : i32
      %mul3A_1869 = arith.muli %add3A_1817, %mul3A_1868 : i32
      %add3A_1870 = arith.constant 2 : i32
      %add3A_1871 = arith.addi %mul3A_1869, %add3A_1870 : i32
      %get3A_1872 = arith.index_cast %add3A_1871 : i32 to index
      %get3A_1873 = arith.constant 0 : index
      %get3A_1874 = tpu.vector_load %arg10[%get3A_1872, %get3A_1873] {strides = array<i32>} : memref<2560x32xf32, #tpu.memory_space<vmem>>, vector<16xf32>,
      %mul3A_1875 = arith.mulf %get3A_1874, %get3A_1820 : vector<16xf32>
      %get3A_1876 = arith.index_cast %add3A_1871 : i32 to index
      %get3A_1877 = arith.constant 16 : index
      %get3A_1878 = tpu.vector_load %arg10[%get3A_1876, %get3A_1877] {strides = array<i32>} : memref<2560x32xf32, #tpu.memory_space<vmem>>, vector<16xf32>,
      %mul3A_1879 = arith.mulf %get3A_1878, %get3A_1823 : vector<16xf32>
      %add3A_1880 = arith.addf %mul3A_1875, %mul3A_1879 : vector<16xf32>
      %reduce_sum3A_1881 = arith.constant true
      %reduce_sum3A_1882 = vector.broadcast %reduce_sum3A_1881 : i1 to vector<16xi1>
      %reduce_sum3A_1883 = tpu.scan <sum>, %add3A_1880 masked %reduce_sum3A_1882 : vector<16xf32>, vector<16xi1> -> vector<16xf32>
      %reduce_sum3A_1884 = vector.extract %reduce_sum3A_1883[15] : f32 from vector<16xf32>
      %eq3A_1885 = arith.constant 14 : i32
      %eq3A_1886 = vector.broadcast %eq3A_1885 : i32 to vector<16xi32>
      %eq3A_1887 = arith.cmpi eq, %iota3A, %eq3A_1886 : vector<16xi32>
      %broadcast_in_dim3A_1888 = vector.broadcast %reduce_sum3A_1884 : f32 to vector<16xf32>
      %select_n3A_1889 = arith.select %eq3A_1887, %broadcast_in_dim3A_1888, %select_n3A_1867 : vector<16xi1>, vector<16xf32>
      %mul3A_1890 = arith.constant 5 : i32
      %mul3A_1891 = arith.muli %add3A_1817, %mul3A_1890 : i32
      %add3A_1892 = arith.constant 3 : i32
      %add3A_1893 = arith.addi %mul3A_1891, %add3A_1892 : i32
      %get3A_1894 = arith.index_cast %add3A_1893 : i32 to index
      %get3A_1895 = arith.constant 0 : index
      %get3A_1896 = tpu.vector_load %arg10[%get3A_1894, %get3A_1895] {strides = array<i32>} : memref<2560x32xf32, #tpu.memory_space<vmem>>, vector<16xf32>,
      %mul3A_1897 = arith.mulf %get3A_1896, %get3A_1820 : vector<16xf32>
      %get3A_1898 = arith.index_cast %add3A_1893 : i32 to index
      %get3A_1899 = arith.constant 16 : index
      %get3A_1900 = tpu.vector_load %arg10[%get3A_1898, %get3A_1899] {strides = array<i32>} : memref<2560x32xf32, #tpu.memory_space<vmem>>, vector<16xf32>,
      %mul3A_1901 = arith.mulf %get3A_1900, %get3A_1823 : vector<16xf32>
      %add3A_1902 = arith.addf %mul3A_1897, %mul3A_1901 : vector<16xf32>
      %reduce_sum3A_1903 = arith.constant true
      %reduce_sum3A_1904 = vector.broadcast %reduce_sum3A_1903 : i1 to vector<16xi1>
      %reduce_sum3A_1905 = tpu.scan <sum>, %add3A_1902 masked %reduce_sum3A_1904 : vector<16xf32>, vector<16xi1> -> vector<16xf32>
      %reduce_sum3A_1906 = vector.extract %reduce_sum3A_1905[15] : f32 from vector<16xf32>
      %eq3A_1907 = arith.constant 15 : i32
      %eq3A_1908 = vector.broadcast %eq3A_1907 : i32 to vector<16xi32>
      %eq3A_1909 = arith.cmpi eq, %iota3A, %eq3A_1908 : vector<16xi32>
      %broadcast_in_dim3A_1910 = vector.broadcast %reduce_sum3A_1906 : f32 to vector<16xf32>
      %select_n3A_1911 = arith.select %eq3A_1909, %broadcast_in_dim3A_1910, %select_n3A_1889 : vector<16xi1>, vector<16xf32>
      %mul3A_1912 = arith.constant 5 : i32
      %mul3A_1913 = arith.muli %add3A_1817, %mul3A_1912 : i32
      %add3A_1914 = arith.constant 4 : i32
      %add3A_1915 = arith.addi %mul3A_1913, %add3A_1914 : i32
      %get3A_1916 = arith.index_cast %add3A_1915 : i32 to index
      %get3A_1917 = arith.constant 0 : index
      %get3A_1918 = tpu.vector_load %arg10[%get3A_1916, %get3A_1917] {strides = array<i32>} : memref<2560x32xf32, #tpu.memory_space<vmem>>, vector<16xf32>,
      %mul3A_1919 = arith.mulf %get3A_1918, %get3A_1820 : vector<16xf32>
      %get3A_1920 = arith.index_cast %add3A_1915 : i32 to index
      %get3A_1921 = arith.constant 16 : index
      %get3A_1922 = tpu.vector_load %arg10[%get3A_1920, %get3A_1921] {strides = array<i32>} : memref<2560x32xf32, #tpu.memory_space<vmem>>, vector<16xf32>,
      %mul3A_1923 = arith.mulf %get3A_1922, %get3A_1823 : vector<16xf32>
      %add3A_1924 = arith.addf %mul3A_1919, %mul3A_1923 : vector<16xf32>
      %reduce_sum3A_1925 = arith.constant true
      %reduce_sum3A_1926 = vector.broadcast %reduce_sum3A_1925 : i1 to vector<16xi1>
      %reduce_sum3A_1927 = tpu.scan <sum>, %add3A_1924 masked %reduce_sum3A_1926 : vector<16xf32>, vector<16xi1> -> vector<16xf32>
      %reduce_sum3A_1928 = vector.extract %reduce_sum3A_1927[15] : f32 from vector<16xf32>
      %eq3A_1929 = arith.constant 0 : i32
      %eq3A_1930 = vector.broadcast %eq3A_1929 : i32 to vector<16xi32>
      %eq3A_1931 = arith.cmpi eq, %iota3A, %eq3A_1930 : vector<16xi32>
      %broadcast_in_dim3A_1932 = vector.broadcast %reduce_sum3A_1928 : f32 to vector<16xf32>
      %select_n3A_1933 = arith.select %eq3A_1931, %broadcast_in_dim3A_1932, %broadcast_in_dim3A_403 : vector<16xi1>, vector<16xf32>
      %add3A_1934 = arith.constant 13 : i32
      %add3A_1935 = arith.addi %mul3A_394, %add3A_1934 : i32
      %get3A_1936 = arith.index_cast %add3A_1935 : i32 to index
      %get3A_1937 = arith.constant 0 : index
      %get3A_1938 = tpu.vector_load %arg9[%get3A_1936, %get3A_1937] {strides = array<i32>} : memref<512x32xf32, #tpu.memory_space<vmem>>, vector<16xf32>,
      %get3A_1939 = arith.index_cast %add3A_1935 : i32 to index
      %get3A_1940 = arith.constant 16 : index
      %get3A_1941 = tpu.vector_load %arg9[%get3A_1939, %get3A_1940] {strides = array<i32>} : memref<512x32xf32, #tpu.memory_space<vmem>>, vector<16xf32>,
      %mul3A_1942 = arith.constant 5 : i32
      %mul3A_1943 = arith.muli %add3A_1935, %mul3A_1942 : i32
      %add3A_1944 = arith.constant 0 : i32
      %add3A_1945 = arith.addi %mul3A_1943, %add3A_1944 : i32
      %get3A_1946 = arith.index_cast %add3A_1945 : i32 to index
      %get3A_1947 = arith.constant 0 : index
      %get3A_1948 = tpu.vector_load %arg10[%get3A_1946, %get3A_1947] {strides = array<i32>} : memref<2560x32xf32, #tpu.memory_space<vmem>>, vector<16xf32>,
      %mul3A_1949 = arith.mulf %get3A_1948, %get3A_1938 : vector<16xf32>
      %get3A_1950 = arith.index_cast %add3A_1945 : i32 to index
      %get3A_1951 = arith.constant 16 : index
      %get3A_1952 = tpu.vector_load %arg10[%get3A_1950, %get3A_1951] {strides = array<i32>} : memref<2560x32xf32, #tpu.memory_space<vmem>>, vector<16xf32>,
      %mul3A_1953 = arith.mulf %get3A_1952, %get3A_1941 : vector<16xf32>
      %add3A_1954 = arith.addf %mul3A_1949, %mul3A_1953 : vector<16xf32>
      %reduce_sum3A_1955 = arith.constant true
      %reduce_sum3A_1956 = vector.broadcast %reduce_sum3A_1955 : i1 to vector<16xi1>
      %reduce_sum3A_1957 = tpu.scan <sum>, %add3A_1954 masked %reduce_sum3A_1956 : vector<16xf32>, vector<16xi1> -> vector<16xf32>
      %reduce_sum3A_1958 = vector.extract %reduce_sum3A_1957[15] : f32 from vector<16xf32>
      %eq3A_1959 = arith.constant 1 : i32
      %eq3A_1960 = vector.broadcast %eq3A_1959 : i32 to vector<16xi32>
      %eq3A_1961 = arith.cmpi eq, %iota3A, %eq3A_1960 : vector<16xi32>
      %broadcast_in_dim3A_1962 = vector.broadcast %reduce_sum3A_1958 : f32 to vector<16xf32>
      %select_n3A_1963 = arith.select %eq3A_1961, %broadcast_in_dim3A_1962, %select_n3A_1933 : vector<16xi1>, vector<16xf32>
      %mul3A_1964 = arith.constant 5 : i32
      %mul3A_1965 = arith.muli %add3A_1935, %mul3A_1964 : i32
      %add3A_1966 = arith.constant 1 : i32
      %add3A_1967 = arith.addi %mul3A_1965, %add3A_1966 : i32
      %get3A_1968 = arith.index_cast %add3A_1967 : i32 to index
      %get3A_1969 = arith.constant 0 : index
      %get3A_1970 = tpu.vector_load %arg10[%get3A_1968, %get3A_1969] {strides = array<i32>} : memref<2560x32xf32, #tpu.memory_space<vmem>>, vector<16xf32>,
      %mul3A_1971 = arith.mulf %get3A_1970, %get3A_1938 : vector<16xf32>
      %get3A_1972 = arith.index_cast %add3A_1967 : i32 to index
      %get3A_1973 = arith.constant 16 : index
      %get3A_1974 = tpu.vector_load %arg10[%get3A_1972, %get3A_1973] {strides = array<i32>} : memref<2560x32xf32, #tpu.memory_space<vmem>>, vector<16xf32>,
      %mul3A_1975 = arith.mulf %get3A_1974, %get3A_1941 : vector<16xf32>
      %add3A_1976 = arith.addf %mul3A_1971, %mul3A_1975 : vector<16xf32>
      %reduce_sum3A_1977 = arith.constant true
      %reduce_sum3A_1978 = vector.broadcast %reduce_sum3A_1977 : i1 to vector<16xi1>
      %reduce_sum3A_1979 = tpu.scan <sum>, %add3A_1976 masked %reduce_sum3A_1978 : vector<16xf32>, vector<16xi1> -> vector<16xf32>
      %reduce_sum3A_1980 = vector.extract %reduce_sum3A_1979[15] : f32 from vector<16xf32>
      %eq3A_1981 = arith.constant 2 : i32
      %eq3A_1982 = vector.broadcast %eq3A_1981 : i32 to vector<16xi32>
      %eq3A_1983 = arith.cmpi eq, %iota3A, %eq3A_1982 : vector<16xi32>
      %broadcast_in_dim3A_1984 = vector.broadcast %reduce_sum3A_1980 : f32 to vector<16xf32>
      %select_n3A_1985 = arith.select %eq3A_1983, %broadcast_in_dim3A_1984, %select_n3A_1963 : vector<16xi1>, vector<16xf32>
      %mul3A_1986 = arith.constant 5 : i32
      %mul3A_1987 = arith.muli %add3A_1935, %mul3A_1986 : i32
      %add3A_1988 = arith.constant 2 : i32
      %add3A_1989 = arith.addi %mul3A_1987, %add3A_1988 : i32
      %get3A_1990 = arith.index_cast %add3A_1989 : i32 to index
      %get3A_1991 = arith.constant 0 : index
      %get3A_1992 = tpu.vector_load %arg10[%get3A_1990, %get3A_1991] {strides = array<i32>} : memref<2560x32xf32, #tpu.memory_space<vmem>>, vector<16xf32>,
      %mul3A_1993 = arith.mulf %get3A_1992, %get3A_1938 : vector<16xf32>
      %get3A_1994 = arith.index_cast %add3A_1989 : i32 to index
      %get3A_1995 = arith.constant 16 : index
      %get3A_1996 = tpu.vector_load %arg10[%get3A_1994, %get3A_1995] {strides = array<i32>} : memref<2560x32xf32, #tpu.memory_space<vmem>>, vector<16xf32>,
      %mul3A_1997 = arith.mulf %get3A_1996, %get3A_1941 : vector<16xf32>
      %add3A_1998 = arith.addf %mul3A_1993, %mul3A_1997 : vector<16xf32>
      %reduce_sum3A_1999 = arith.constant true
      %reduce_sum3A_2000 = vector.broadcast %reduce_sum3A_1999 : i1 to vector<16xi1>
      %reduce_sum3A_2001 = tpu.scan <sum>, %add3A_1998 masked %reduce_sum3A_2000 : vector<16xf32>, vector<16xi1> -> vector<16xf32>
      %reduce_sum3A_2002 = vector.extract %reduce_sum3A_2001[15] : f32 from vector<16xf32>
      %eq3A_2003 = arith.constant 3 : i32
      %eq3A_2004 = vector.broadcast %eq3A_2003 : i32 to vector<16xi32>
      %eq3A_2005 = arith.cmpi eq, %iota3A, %eq3A_2004 : vector<16xi32>
      %broadcast_in_dim3A_2006 = vector.broadcast %reduce_sum3A_2002 : f32 to vector<16xf32>
      %select_n3A_2007 = arith.select %eq3A_2005, %broadcast_in_dim3A_2006, %select_n3A_1985 : vector<16xi1>, vector<16xf32>
      %mul3A_2008 = arith.constant 5 : i32
      %mul3A_2009 = arith.muli %add3A_1935, %mul3A_2008 : i32
      %add3A_2010 = arith.constant 3 : i32
      %add3A_2011 = arith.addi %mul3A_2009, %add3A_2010 : i32
      %get3A_2012 = arith.index_cast %add3A_2011 : i32 to index
      %get3A_2013 = arith.constant 0 : index
      %get3A_2014 = tpu.vector_load %arg10[%get3A_2012, %get3A_2013] {strides = array<i32>} : memref<2560x32xf32, #tpu.memory_space<vmem>>, vector<16xf32>,
      %mul3A_2015 = arith.mulf %get3A_2014, %get3A_1938 : vector<16xf32>
      %get3A_2016 = arith.index_cast %add3A_2011 : i32 to index
      %get3A_2017 = arith.constant 16 : index
      %get3A_2018 = tpu.vector_load %arg10[%get3A_2016, %get3A_2017] {strides = array<i32>} : memref<2560x32xf32, #tpu.memory_space<vmem>>, vector<16xf32>,
      %mul3A_2019 = arith.mulf %get3A_2018, %get3A_1941 : vector<16xf32>
      %add3A_2020 = arith.addf %mul3A_2015, %mul3A_2019 : vector<16xf32>
      %reduce_sum3A_2021 = arith.constant true
      %reduce_sum3A_2022 = vector.broadcast %reduce_sum3A_2021 : i1 to vector<16xi1>
      %reduce_sum3A_2023 = tpu.scan <sum>, %add3A_2020 masked %reduce_sum3A_2022 : vector<16xf32>, vector<16xi1> -> vector<16xf32>
      %reduce_sum3A_2024 = vector.extract %reduce_sum3A_2023[15] : f32 from vector<16xf32>
      %eq3A_2025 = arith.constant 4 : i32
      %eq3A_2026 = vector.broadcast %eq3A_2025 : i32 to vector<16xi32>
      %eq3A_2027 = arith.cmpi eq, %iota3A, %eq3A_2026 : vector<16xi32>
      %broadcast_in_dim3A_2028 = vector.broadcast %reduce_sum3A_2024 : f32 to vector<16xf32>
      %select_n3A_2029 = arith.select %eq3A_2027, %broadcast_in_dim3A_2028, %select_n3A_2007 : vector<16xi1>, vector<16xf32>
      %mul3A_2030 = arith.constant 5 : i32
      %mul3A_2031 = arith.muli %add3A_1935, %mul3A_2030 : i32
      %add3A_2032 = arith.constant 4 : i32
      %add3A_2033 = arith.addi %mul3A_2031, %add3A_2032 : i32
      %get3A_2034 = arith.index_cast %add3A_2033 : i32 to index
      %get3A_2035 = arith.constant 0 : index
      %get3A_2036 = tpu.vector_load %arg10[%get3A_2034, %get3A_2035] {strides = array<i32>} : memref<2560x32xf32, #tpu.memory_space<vmem>>, vector<16xf32>,
      %mul3A_2037 = arith.mulf %get3A_2036, %get3A_1938 : vector<16xf32>
      %get3A_2038 = arith.index_cast %add3A_2033 : i32 to index
      %get3A_2039 = arith.constant 16 : index
      %get3A_2040 = tpu.vector_load %arg10[%get3A_2038, %get3A_2039] {strides = array<i32>} : memref<2560x32xf32, #tpu.memory_space<vmem>>, vector<16xf32>,
      %mul3A_2041 = arith.mulf %get3A_2040, %get3A_1941 : vector<16xf32>
      %add3A_2042 = arith.addf %mul3A_2037, %mul3A_2041 : vector<16xf32>
      %reduce_sum3A_2043 = arith.constant true
      %reduce_sum3A_2044 = vector.broadcast %reduce_sum3A_2043 : i1 to vector<16xi1>
      %reduce_sum3A_2045 = tpu.scan <sum>, %add3A_2042 masked %reduce_sum3A_2044 : vector<16xf32>, vector<16xi1> -> vector<16xf32>
      %reduce_sum3A_2046 = vector.extract %reduce_sum3A_2045[15] : f32 from vector<16xf32>
      %eq3A_2047 = arith.constant 5 : i32
      %eq3A_2048 = vector.broadcast %eq3A_2047 : i32 to vector<16xi32>
      %eq3A_2049 = arith.cmpi eq, %iota3A, %eq3A_2048 : vector<16xi32>
      %broadcast_in_dim3A_2050 = vector.broadcast %reduce_sum3A_2046 : f32 to vector<16xf32>
      %select_n3A_2051 = arith.select %eq3A_2049, %broadcast_in_dim3A_2050, %select_n3A_2029 : vector<16xi1>, vector<16xf32>
      %add3A_2052 = arith.constant 14 : i32
      %add3A_2053 = arith.addi %mul3A_394, %add3A_2052 : i32
      %get3A_2054 = arith.index_cast %add3A_2053 : i32 to index
      %get3A_2055 = arith.constant 0 : index
      %get3A_2056 = tpu.vector_load %arg9[%get3A_2054, %get3A_2055] {strides = array<i32>} : memref<512x32xf32, #tpu.memory_space<vmem>>, vector<16xf32>,
      %get3A_2057 = arith.index_cast %add3A_2053 : i32 to index
      %get3A_2058 = arith.constant 16 : index
      %get3A_2059 = tpu.vector_load %arg9[%get3A_2057, %get3A_2058] {strides = array<i32>} : memref<512x32xf32, #tpu.memory_space<vmem>>, vector<16xf32>,
      %mul3A_2060 = arith.constant 5 : i32
      %mul3A_2061 = arith.muli %add3A_2053, %mul3A_2060 : i32
      %add3A_2062 = arith.constant 0 : i32
      %add3A_2063 = arith.addi %mul3A_2061, %add3A_2062 : i32
      %get3A_2064 = arith.index_cast %add3A_2063 : i32 to index
      %get3A_2065 = arith.constant 0 : index
      %get3A_2066 = tpu.vector_load %arg10[%get3A_2064, %get3A_2065] {strides = array<i32>} : memref<2560x32xf32, #tpu.memory_space<vmem>>, vector<16xf32>,
      %mul3A_2067 = arith.mulf %get3A_2066, %get3A_2056 : vector<16xf32>
      %get3A_2068 = arith.index_cast %add3A_2063 : i32 to index
      %get3A_2069 = arith.constant 16 : index
      %get3A_2070 = tpu.vector_load %arg10[%get3A_2068, %get3A_2069] {strides = array<i32>} : memref<2560x32xf32, #tpu.memory_space<vmem>>, vector<16xf32>,
      %mul3A_2071 = arith.mulf %get3A_2070, %get3A_2059 : vector<16xf32>
      %add3A_2072 = arith.addf %mul3A_2067, %mul3A_2071 : vector<16xf32>
      %reduce_sum3A_2073 = arith.constant true
      %reduce_sum3A_2074 = vector.broadcast %reduce_sum3A_2073 : i1 to vector<16xi1>
      %reduce_sum3A_2075 = tpu.scan <sum>, %add3A_2072 masked %reduce_sum3A_2074 : vector<16xf32>, vector<16xi1> -> vector<16xf32>
      %reduce_sum3A_2076 = vector.extract %reduce_sum3A_2075[15] : f32 from vector<16xf32>
      %eq3A_2077 = arith.constant 6 : i32
      %eq3A_2078 = vector.broadcast %eq3A_2077 : i32 to vector<16xi32>
      %eq3A_2079 = arith.cmpi eq, %iota3A, %eq3A_2078 : vector<16xi32>
      %broadcast_in_dim3A_2080 = vector.broadcast %reduce_sum3A_2076 : f32 to vector<16xf32>
      %select_n3A_2081 = arith.select %eq3A_2079, %broadcast_in_dim3A_2080, %select_n3A_2051 : vector<16xi1>, vector<16xf32>
      %mul3A_2082 = arith.constant 5 : i32
      %mul3A_2083 = arith.muli %add3A_2053, %mul3A_2082 : i32
      %add3A_2084 = arith.constant 1 : i32
      %add3A_2085 = arith.addi %mul3A_2083, %add3A_2084 : i32
      %get3A_2086 = arith.index_cast %add3A_2085 : i32 to index
      %get3A_2087 = arith.constant 0 : index
      %get3A_2088 = tpu.vector_load %arg10[%get3A_2086, %get3A_2087] {strides = array<i32>} : memref<2560x32xf32, #tpu.memory_space<vmem>>, vector<16xf32>,
      %mul3A_2089 = arith.mulf %get3A_2088, %get3A_2056 : vector<16xf32>
      %get3A_2090 = arith.index_cast %add3A_2085 : i32 to index
      %get3A_2091 = arith.constant 16 : index
      %get3A_2092 = tpu.vector_load %arg10[%get3A_2090, %get3A_2091] {strides = array<i32>} : memref<2560x32xf32, #tpu.memory_space<vmem>>, vector<16xf32>,
      %mul3A_2093 = arith.mulf %get3A_2092, %get3A_2059 : vector<16xf32>
      %add3A_2094 = arith.addf %mul3A_2089, %mul3A_2093 : vector<16xf32>
      %reduce_sum3A_2095 = arith.constant true
      %reduce_sum3A_2096 = vector.broadcast %reduce_sum3A_2095 : i1 to vector<16xi1>
      %reduce_sum3A_2097 = tpu.scan <sum>, %add3A_2094 masked %reduce_sum3A_2096 : vector<16xf32>, vector<16xi1> -> vector<16xf32>
      %reduce_sum3A_2098 = vector.extract %reduce_sum3A_2097[15] : f32 from vector<16xf32>
      %eq3A_2099 = arith.constant 7 : i32
      %eq3A_2100 = vector.broadcast %eq3A_2099 : i32 to vector<16xi32>
      %eq3A_2101 = arith.cmpi eq, %iota3A, %eq3A_2100 : vector<16xi32>
      %broadcast_in_dim3A_2102 = vector.broadcast %reduce_sum3A_2098 : f32 to vector<16xf32>
      %select_n3A_2103 = arith.select %eq3A_2101, %broadcast_in_dim3A_2102, %select_n3A_2081 : vector<16xi1>, vector<16xf32>
      %mul3A_2104 = arith.constant 5 : i32
      %mul3A_2105 = arith.muli %add3A_2053, %mul3A_2104 : i32
      %add3A_2106 = arith.constant 2 : i32
      %add3A_2107 = arith.addi %mul3A_2105, %add3A_2106 : i32
      %get3A_2108 = arith.index_cast %add3A_2107 : i32 to index
      %get3A_2109 = arith.constant 0 : index
      %get3A_2110 = tpu.vector_load %arg10[%get3A_2108, %get3A_2109] {strides = array<i32>} : memref<2560x32xf32, #tpu.memory_space<vmem>>, vector<16xf32>,
      %mul3A_2111 = arith.mulf %get3A_2110, %get3A_2056 : vector<16xf32>
      %get3A_2112 = arith.index_cast %add3A_2107 : i32 to index
      %get3A_2113 = arith.constant 16 : index
      %get3A_2114 = tpu.vector_load %arg10[%get3A_2112, %get3A_2113] {strides = array<i32>} : memref<2560x32xf32, #tpu.memory_space<vmem>>, vector<16xf32>,
      %mul3A_2115 = arith.mulf %get3A_2114, %get3A_2059 : vector<16xf32>
      %add3A_2116 = arith.addf %mul3A_2111, %mul3A_2115 : vector<16xf32>
      %reduce_sum3A_2117 = arith.constant true
      %reduce_sum3A_2118 = vector.broadcast %reduce_sum3A_2117 : i1 to vector<16xi1>
      %reduce_sum3A_2119 = tpu.scan <sum>, %add3A_2116 masked %reduce_sum3A_2118 : vector<16xf32>, vector<16xi1> -> vector<16xf32>
      %reduce_sum3A_2120 = vector.extract %reduce_sum3A_2119[15] : f32 from vector<16xf32>
      %eq3A_2121 = arith.constant 8 : i32
      %eq3A_2122 = vector.broadcast %eq3A_2121 : i32 to vector<16xi32>
      %eq3A_2123 = arith.cmpi eq, %iota3A, %eq3A_2122 : vector<16xi32>
      %broadcast_in_dim3A_2124 = vector.broadcast %reduce_sum3A_2120 : f32 to vector<16xf32>
      %select_n3A_2125 = arith.select %eq3A_2123, %broadcast_in_dim3A_2124, %select_n3A_2103 : vector<16xi1>, vector<16xf32>
      %mul3A_2126 = arith.constant 5 : i32
      %mul3A_2127 = arith.muli %add3A_2053, %mul3A_2126 : i32
      %add3A_2128 = arith.constant 3 : i32
      %add3A_2129 = arith.addi %mul3A_2127, %add3A_2128 : i32
      %get3A_2130 = arith.index_cast %add3A_2129 : i32 to index
      %get3A_2131 = arith.constant 0 : index
      %get3A_2132 = tpu.vector_load %arg10[%get3A_2130, %get3A_2131] {strides = array<i32>} : memref<2560x32xf32, #tpu.memory_space<vmem>>, vector<16xf32>,
      %mul3A_2133 = arith.mulf %get3A_2132, %get3A_2056 : vector<16xf32>
      %get3A_2134 = arith.index_cast %add3A_2129 : i32 to index
      %get3A_2135 = arith.constant 16 : index
      %get3A_2136 = tpu.vector_load %arg10[%get3A_2134, %get3A_2135] {strides = array<i32>} : memref<2560x32xf32, #tpu.memory_space<vmem>>, vector<16xf32>,
      %mul3A_2137 = arith.mulf %get3A_2136, %get3A_2059 : vector<16xf32>
      %add3A_2138 = arith.addf %mul3A_2133, %mul3A_2137 : vector<16xf32>
      %reduce_sum3A_2139 = arith.constant true
      %reduce_sum3A_2140 = vector.broadcast %reduce_sum3A_2139 : i1 to vector<16xi1>
      %reduce_sum3A_2141 = tpu.scan <sum>, %add3A_2138 masked %reduce_sum3A_2140 : vector<16xf32>, vector<16xi1> -> vector<16xf32>
      %reduce_sum3A_2142 = vector.extract %reduce_sum3A_2141[15] : f32 from vector<16xf32>
      %eq3A_2143 = arith.constant 9 : i32
      %eq3A_2144 = vector.broadcast %eq3A_2143 : i32 to vector<16xi32>
      %eq3A_2145 = arith.cmpi eq, %iota3A, %eq3A_2144 : vector<16xi32>
      %broadcast_in_dim3A_2146 = vector.broadcast %reduce_sum3A_2142 : f32 to vector<16xf32>
      %select_n3A_2147 = arith.select %eq3A_2145, %broadcast_in_dim3A_2146, %select_n3A_2125 : vector<16xi1>, vector<16xf32>
      %mul3A_2148 = arith.constant 5 : i32
      %mul3A_2149 = arith.muli %add3A_2053, %mul3A_2148 : i32
      %add3A_2150 = arith.constant 4 : i32
      %add3A_2151 = arith.addi %mul3A_2149, %add3A_2150 : i32
      %get3A_2152 = arith.index_cast %add3A_2151 : i32 to index
      %get3A_2153 = arith.constant 0 : index
      %get3A_2154 = tpu.vector_load %arg10[%get3A_2152, %get3A_2153] {strides = array<i32>} : memref<2560x32xf32, #tpu.memory_space<vmem>>, vector<16xf32>,
      %mul3A_2155 = arith.mulf %get3A_2154, %get3A_2056 : vector<16xf32>
      %get3A_2156 = arith.index_cast %add3A_2151 : i32 to index
      %get3A_2157 = arith.constant 16 : index
      %get3A_2158 = tpu.vector_load %arg10[%get3A_2156, %get3A_2157] {strides = array<i32>} : memref<2560x32xf32, #tpu.memory_space<vmem>>, vector<16xf32>,
      %mul3A_2159 = arith.mulf %get3A_2158, %get3A_2059 : vector<16xf32>
      %add3A_2160 = arith.addf %mul3A_2155, %mul3A_2159 : vector<16xf32>
      %reduce_sum3A_2161 = arith.constant true
      %reduce_sum3A_2162 = vector.broadcast %reduce_sum3A_2161 : i1 to vector<16xi1>
      %reduce_sum3A_2163 = tpu.scan <sum>, %add3A_2160 masked %reduce_sum3A_2162 : vector<16xf32>, vector<16xi1> -> vector<16xf32>
      %reduce_sum3A_2164 = vector.extract %reduce_sum3A_2163[15] : f32 from vector<16xf32>
      %eq3A_2165 = arith.constant 10 : i32
      %eq3A_2166 = vector.broadcast %eq3A_2165 : i32 to vector<16xi32>
      %eq3A_2167 = arith.cmpi eq, %iota3A, %eq3A_2166 : vector<16xi32>
      %broadcast_in_dim3A_2168 = vector.broadcast %reduce_sum3A_2164 : f32 to vector<16xf32>
      %select_n3A_2169 = arith.select %eq3A_2167, %broadcast_in_dim3A_2168, %select_n3A_2147 : vector<16xi1>, vector<16xf32>
      %add3A_2170 = arith.constant 15 : i32
      %add3A_2171 = arith.addi %mul3A_394, %add3A_2170 : i32
      %get3A_2172 = arith.index_cast %add3A_2171 : i32 to index
      %get3A_2173 = arith.constant 0 : index
      %get3A_2174 = tpu.vector_load %arg9[%get3A_2172, %get3A_2173] {strides = array<i32>} : memref<512x32xf32, #tpu.memory_space<vmem>>, vector<16xf32>,
      %get3A_2175 = arith.index_cast %add3A_2171 : i32 to index
      %get3A_2176 = arith.constant 16 : index
      %get3A_2177 = tpu.vector_load %arg9[%get3A_2175, %get3A_2176] {strides = array<i32>} : memref<512x32xf32, #tpu.memory_space<vmem>>, vector<16xf32>,
      %mul3A_2178 = arith.constant 5 : i32
      %mul3A_2179 = arith.muli %add3A_2171, %mul3A_2178 : i32
      %add3A_2180 = arith.constant 0 : i32
      %add3A_2181 = arith.addi %mul3A_2179, %add3A_2180 : i32
      %get3A_2182 = arith.index_cast %add3A_2181 : i32 to index
      %get3A_2183 = arith.constant 0 : index
      %get3A_2184 = tpu.vector_load %arg10[%get3A_2182, %get3A_2183] {strides = array<i32>} : memref<2560x32xf32, #tpu.memory_space<vmem>>, vector<16xf32>,
      %mul3A_2185 = arith.mulf %get3A_2184, %get3A_2174 : vector<16xf32>
      %get3A_2186 = arith.index_cast %add3A_2181 : i32 to index
      %get3A_2187 = arith.constant 16 : index
      %get3A_2188 = tpu.vector_load %arg10[%get3A_2186, %get3A_2187] {strides = array<i32>} : memref<2560x32xf32, #tpu.memory_space<vmem>>, vector<16xf32>,
      %mul3A_2189 = arith.mulf %get3A_2188, %get3A_2177 : vector<16xf32>
      %add3A_2190 = arith.addf %mul3A_2185, %mul3A_2189 : vector<16xf32>
      %reduce_sum3A_2191 = arith.constant true
      %reduce_sum3A_2192 = vector.broadcast %reduce_sum3A_2191 : i1 to vector<16xi1>
      %reduce_sum3A_2193 = tpu.scan <sum>, %add3A_2190 masked %reduce_sum3A_2192 : vector<16xf32>, vector<16xi1> -> vector<16xf32>
      %reduce_sum3A_2194 = vector.extract %reduce_sum3A_2193[15] : f32 from vector<16xf32>
      %eq3A_2195 = arith.constant 11 : i32
      %eq3A_2196 = vector.broadcast %eq3A_2195 : i32 to vector<16xi32>
      %eq3A_2197 = arith.cmpi eq, %iota3A, %eq3A_2196 : vector<16xi32>
      %broadcast_in_dim3A_2198 = vector.broadcast %reduce_sum3A_2194 : f32 to vector<16xf32>
      %select_n3A_2199 = arith.select %eq3A_2197, %broadcast_in_dim3A_2198, %select_n3A_2169 : vector<16xi1>, vector<16xf32>
      %mul3A_2200 = arith.constant 5 : i32
      %mul3A_2201 = arith.muli %add3A_2171, %mul3A_2200 : i32
      %add3A_2202 = arith.constant 1 : i32
      %add3A_2203 = arith.addi %mul3A_2201, %add3A_2202 : i32
      %get3A_2204 = arith.index_cast %add3A_2203 : i32 to index
      %get3A_2205 = arith.constant 0 : index
      %get3A_2206 = tpu.vector_load %arg10[%get3A_2204, %get3A_2205] {strides = array<i32>} : memref<2560x32xf32, #tpu.memory_space<vmem>>, vector<16xf32>,
      %mul3A_2207 = arith.mulf %get3A_2206, %get3A_2174 : vector<16xf32>
      %get3A_2208 = arith.index_cast %add3A_2203 : i32 to index
      %get3A_2209 = arith.constant 16 : index
      %get3A_2210 = tpu.vector_load %arg10[%get3A_2208, %get3A_2209] {strides = array<i32>} : memref<2560x32xf32, #tpu.memory_space<vmem>>, vector<16xf32>,
      %mul3A_2211 = arith.mulf %get3A_2210, %get3A_2177 : vector<16xf32>
      %add3A_2212 = arith.addf %mul3A_2207, %mul3A_2211 : vector<16xf32>
      %reduce_sum3A_2213 = arith.constant true
      %reduce_sum3A_2214 = vector.broadcast %reduce_sum3A_2213 : i1 to vector<16xi1>
      %reduce_sum3A_2215 = tpu.scan <sum>, %add3A_2212 masked %reduce_sum3A_2214 : vector<16xf32>, vector<16xi1> -> vector<16xf32>
      %reduce_sum3A_2216 = vector.extract %reduce_sum3A_2215[15] : f32 from vector<16xf32>
      %eq3A_2217 = arith.constant 12 : i32
      %eq3A_2218 = vector.broadcast %eq3A_2217 : i32 to vector<16xi32>
      %eq3A_2219 = arith.cmpi eq, %iota3A, %eq3A_2218 : vector<16xi32>
      %broadcast_in_dim3A_2220 = vector.broadcast %reduce_sum3A_2216 : f32 to vector<16xf32>
      %select_n3A_2221 = arith.select %eq3A_2219, %broadcast_in_dim3A_2220, %select_n3A_2199 : vector<16xi1>, vector<16xf32>
      %mul3A_2222 = arith.constant 5 : i32
      %mul3A_2223 = arith.muli %add3A_2171, %mul3A_2222 : i32
      %add3A_2224 = arith.constant 2 : i32
      %add3A_2225 = arith.addi %mul3A_2223, %add3A_2224 : i32
      %get3A_2226 = arith.index_cast %add3A_2225 : i32 to index
      %get3A_2227 = arith.constant 0 : index
      %get3A_2228 = tpu.vector_load %arg10[%get3A_2226, %get3A_2227] {strides = array<i32>} : memref<2560x32xf32, #tpu.memory_space<vmem>>, vector<16xf32>,
      %mul3A_2229 = arith.mulf %get3A_2228, %get3A_2174 : vector<16xf32>
      %get3A_2230 = arith.index_cast %add3A_2225 : i32 to index
      %get3A_2231 = arith.constant 16 : index
      %get3A_2232 = tpu.vector_load %arg10[%get3A_2230, %get3A_2231] {strides = array<i32>} : memref<2560x32xf32, #tpu.memory_space<vmem>>, vector<16xf32>,
      %mul3A_2233 = arith.mulf %get3A_2232, %get3A_2177 : vector<16xf32>
      %add3A_2234 = arith.addf %mul3A_2229, %mul3A_2233 : vector<16xf32>
      %reduce_sum3A_2235 = arith.constant true
      %reduce_sum3A_2236 = vector.broadcast %reduce_sum3A_2235 : i1 to vector<16xi1>
      %reduce_sum3A_2237 = tpu.scan <sum>, %add3A_2234 masked %reduce_sum3A_2236 : vector<16xf32>, vector<16xi1> -> vector<16xf32>
      %reduce_sum3A_2238 = vector.extract %reduce_sum3A_2237[15] : f32 from vector<16xf32>
      %eq3A_2239 = arith.constant 13 : i32
      %eq3A_2240 = vector.broadcast %eq3A_2239 : i32 to vector<16xi32>
      %eq3A_2241 = arith.cmpi eq, %iota3A, %eq3A_2240 : vector<16xi32>
      %broadcast_in_dim3A_2242 = vector.broadcast %reduce_sum3A_2238 : f32 to vector<16xf32>
      %select_n3A_2243 = arith.select %eq3A_2241, %broadcast_in_dim3A_2242, %select_n3A_2221 : vector<16xi1>, vector<16xf32>
      %mul3A_2244 = arith.constant 5 : i32
      %mul3A_2245 = arith.muli %add3A_2171, %mul3A_2244 : i32
      %add3A_2246 = arith.constant 3 : i32
      %add3A_2247 = arith.addi %mul3A_2245, %add3A_2246 : i32
      %get3A_2248 = arith.index_cast %add3A_2247 : i32 to index
      %get3A_2249 = arith.constant 0 : index
      %get3A_2250 = tpu.vector_load %arg10[%get3A_2248, %get3A_2249] {strides = array<i32>} : memref<2560x32xf32, #tpu.memory_space<vmem>>, vector<16xf32>,
      %mul3A_2251 = arith.mulf %get3A_2250, %get3A_2174 : vector<16xf32>
      %get3A_2252 = arith.index_cast %add3A_2247 : i32 to index
      %get3A_2253 = arith.constant 16 : index
      %get3A_2254 = tpu.vector_load %arg10[%get3A_2252, %get3A_2253] {strides = array<i32>} : memref<2560x32xf32, #tpu.memory_space<vmem>>, vector<16xf32>,
      %mul3A_2255 = arith.mulf %get3A_2254, %get3A_2177 : vector<16xf32>
      %add3A_2256 = arith.addf %mul3A_2251, %mul3A_2255 : vector<16xf32>
      %reduce_sum3A_2257 = arith.constant true
      %reduce_sum3A_2258 = vector.broadcast %reduce_sum3A_2257 : i1 to vector<16xi1>
      %reduce_sum3A_2259 = tpu.scan <sum>, %add3A_2256 masked %reduce_sum3A_2258 : vector<16xf32>, vector<16xi1> -> vector<16xf32>
      %reduce_sum3A_2260 = vector.extract %reduce_sum3A_2259[15] : f32 from vector<16xf32>
      %eq3A_2261 = arith.constant 14 : i32
      %eq3A_2262 = vector.broadcast %eq3A_2261 : i32 to vector<16xi32>
      %eq3A_2263 = arith.cmpi eq, %iota3A, %eq3A_2262 : vector<16xi32>
      %broadcast_in_dim3A_2264 = vector.broadcast %reduce_sum3A_2260 : f32 to vector<16xf32>
      %select_n3A_2265 = arith.select %eq3A_2263, %broadcast_in_dim3A_2264, %select_n3A_2243 : vector<16xi1>, vector<16xf32>
      %mul3A_2266 = arith.constant 5 : i32
      %mul3A_2267 = arith.muli %add3A_2171, %mul3A_2266 : i32
      %add3A_2268 = arith.constant 4 : i32
      %add3A_2269 = arith.addi %mul3A_2267, %add3A_2268 : i32
      %get3A_2270 = arith.index_cast %add3A_2269 : i32 to index
      %get3A_2271 = arith.constant 0 : index
      %get3A_2272 = tpu.vector_load %arg10[%get3A_2270, %get3A_2271] {strides = array<i32>} : memref<2560x32xf32, #tpu.memory_space<vmem>>, vector<16xf32>,
      %mul3A_2273 = arith.mulf %get3A_2272, %get3A_2174 : vector<16xf32>
      %get3A_2274 = arith.index_cast %add3A_2269 : i32 to index
      %get3A_2275 = arith.constant 16 : index
      %get3A_2276 = tpu.vector_load %arg10[%get3A_2274, %get3A_2275] {strides = array<i32>} : memref<2560x32xf32, #tpu.memory_space<vmem>>, vector<16xf32>,
      %mul3A_2277 = arith.mulf %get3A_2276, %get3A_2177 : vector<16xf32>
      %add3A_2278 = arith.addf %mul3A_2273, %mul3A_2277 : vector<16xf32>
      %reduce_sum3A_2279 = arith.constant true
      %reduce_sum3A_2280 = vector.broadcast %reduce_sum3A_2279 : i1 to vector<16xi1>
      %reduce_sum3A_2281 = tpu.scan <sum>, %add3A_2278 masked %reduce_sum3A_2280 : vector<16xf32>, vector<16xi1> -> vector<16xf32>
      %reduce_sum3A_2282 = vector.extract %reduce_sum3A_2281[15] : f32 from vector<16xf32>
      %eq3A_2283 = arith.constant 15 : i32
      %eq3A_2284 = vector.broadcast %eq3A_2283 : i32 to vector<16xi32>
      %eq3A_2285 = arith.cmpi eq, %iota3A, %eq3A_2284 : vector<16xi32>
      %broadcast_in_dim3A_2286 = vector.broadcast %reduce_sum3A_2282 : f32 to vector<16xf32>
      %select_n3A_2287 = arith.select %eq3A_2285, %broadcast_in_dim3A_2286, %select_n3A_2265 : vector<16xi1>, vector<16xf32>
      %mul3A_2288 = arith.constant 5 : i32
      %mul3A_2289 = arith.muli %mul3A_394, %mul3A_2288 : i32
      %add3A_2290 = arith.constant 0 : i32
      %add3A_2291 = arith.addi %mul3A_2289, %add3A_2290 : i32
      %swap3A = arith.index_cast %add3A_2291 : i32 to index
      %swap3A_2292 = tpu.vector_load %arg11[%swap3A] {strides = array<i32>} : memref<2560xf32, #tpu.memory_space<vmem>>, vector<16xf32>,
      tpu.vector_store %arg11[%swap3A], %select_n3A_783 {strides = array<i32>} : memref<2560xf32, #tpu.memory_space<vmem>>, vector<16xf32>,
      %mul3A_2293 = arith.constant 5 : i32
      %mul3A_2294 = arith.muli %mul3A_394, %mul3A_2293 : i32
      %add3A_2295 = arith.constant 16 : i32
      %add3A_2296 = arith.addi %mul3A_2294, %add3A_2295 : i32
      %swap3A_2297 = arith.index_cast %add3A_2296 : i32 to index
      %swap3A_2298 = tpu.vector_load %arg11[%swap3A_2297] {strides = array<i32>} : memref<2560xf32, #tpu.memory_space<vmem>>, vector<16xf32>,
      tpu.vector_store %arg11[%swap3A_2297], %select_n3A_1159 {strides = array<i32>} : memref<2560xf32, #tpu.memory_space<vmem>>, vector<16xf32>,
      %mul3A_2299 = arith.constant 5 : i32
      %mul3A_2300 = arith.muli %mul3A_394, %mul3A_2299 : i32
      %add3A_2301 = arith.constant 32 : i32
      %add3A_2302 = arith.addi %mul3A_2300, %add3A_2301 : i32
      %swap3A_2303 = arith.index_cast %add3A_2302 : i32 to index
      %swap3A_2304 = tpu.vector_load %arg11[%swap3A_2303] {strides = array<i32>} : memref<2560xf32, #tpu.memory_space<vmem>>, vector<16xf32>,
      tpu.vector_store %arg11[%swap3A_2303], %select_n3A_1535 {strides = array<i32>} : memref<2560xf32, #tpu.memory_space<vmem>>, vector<16xf32>,
      %mul3A_2305 = arith.constant 5 : i32
      %mul3A_2306 = arith.muli %mul3A_394, %mul3A_2305 : i32
      %add3A_2307 = arith.constant 48 : i32
      %add3A_2308 = arith.addi %mul3A_2306, %add3A_2307 : i32
      %swap3A_2309 = arith.index_cast %add3A_2308 : i32 to index
      %swap3A_2310 = tpu.vector_load %arg11[%swap3A_2309] {strides = array<i32>} : memref<2560xf32, #tpu.memory_space<vmem>>, vector<16xf32>,
      tpu.vector_store %arg11[%swap3A_2309], %select_n3A_1911 {strides = array<i32>} : memref<2560xf32, #tpu.memory_space<vmem>>, vector<16xf32>,
      %mul3A_2311 = arith.constant 5 : i32
      %mul3A_2312 = arith.muli %mul3A_394, %mul3A_2311 : i32
      %add3A_2313 = arith.constant 64 : i32
      %add3A_2314 = arith.addi %mul3A_2312, %add3A_2313 : i32
      %swap3A_2315 = arith.index_cast %add3A_2314 : i32 to index
      %swap3A_2316 = tpu.vector_load %arg11[%swap3A_2315] {strides = array<i32>} : memref<2560xf32, #tpu.memory_space<vmem>>, vector<16xf32>,
      tpu.vector_store %arg11[%swap3A_2315], %select_n3A_2287 {strides = array<i32>} : memref<2560xf32, #tpu.memory_space<vmem>>, vector<16xf32>,
    }
    %scan3A_391 = arith.constant 32 : i32
    "tpu.region"() ({
      %run_scoped3A = tpu.sem_alloc : memref<!tpu.dma_semaphore, #tpu.memory_space<semaphore_mem>>
      %dma_start3A_392 = tpu.memref_slice %arg6[%mul3A_4] : memref<81920xf32, #tpu.memory_space<hbm>> -> memref<2560xf32, #tpu.memory_space<hbm>>
      %dma_start3A_393 = tpu.memref_slice %arg6[%mul3A_4] : memref<81920xf32, #tpu.memory_space<hbm>> -> memref<2560xf32, #tpu.memory_space<hbm>>
      tpu.enqueue_dma source(%arg11 : memref<2560xf32, #tpu.memory_space<vmem>>) target(%dma_start3A_393 : memref<2560xf32, #tpu.memory_space<hbm>>) target_semaphore(%run_scoped3A : memref<!tpu.dma_semaphore, #tpu.memory_space<semaphore_mem>>)
      %dma_wait3A_394 = tpu.memref_slice %arg6[%mul3A_4] : memref<81920xf32, #tpu.memory_space<hbm>> -> memref<2560xf32, #tpu.memory_space<hbm>>
      %dma_wait3A_395 = tpu.memref_slice %arg6[%mul3A_4] : memref<81920xf32, #tpu.memory_space<hbm>> -> memref<2560xf32, #tpu.memory_space<hbm>>
      tpu.wait_dma2 semaphore(%run_scoped3A : memref<!tpu.dma_semaphore, #tpu.memory_space<semaphore_mem>>) src(%arg11 : memref<2560xf32, #tpu.memory_space<vmem>>) dst(%dma_wait3A_395 : memref<2560xf32, #tpu.memory_space<hbm>>)
      tpu.yield
    }) : () -> ()
    return
  }
}

</mosaic_0001>

<sc_bundles>
// kernel: kernel.3.cloned.1.call-start
scs
__scs_entry_jumppad:
0x0: {  	(pc) =	sbr.rel $0x88, $3  }
0x1: {  	(tag) =	ssettag $0x0;
	lr =	simm.s32 $0x1  }
0x2: {  	[smem:$0x3F9D] =	sst lr;
	_ =	strace $0xD0000000  }
0x3: {  	_ = 	snop  }
0x4: {  	_ = 	snop  }
0x5: {  	_ = 	snop  }
0x6: {  	_ = 	snop  }
0x7: {  	_ = 	snop  }
__scs_overlays_trampoline_lowered:
0x8: {  	[smem:$0x3FAC] =	sst s0  }
0x9: {  	[smem:$0x3FAD] =	sst s1  }
0xa: {  	[smem:$0x3FAE] =	sst s2  }
0xb: {  	[smem:$0x3FAF] =	sst s3  }
0xc: {  	[smem:$0x3FB0] =	sst s4  }
0xd: {  	[smem:$0x3FB1] =	sst s5  }
0xe: {  	[smem:$0x3FB2] =	sst s6  }
0xf: {  	[smem:$0x3FB3] =	sst s7  }
0x10: {  	[smem:$0x3FB4] =	sst s8  }
0x11: {  	[smem:$0x3FB5] =	sst s9;
	s0 =	simm.s32 @!p0 $0x0  }
0x12: {  	s1 =	sld [smem:$0x3F9B];
	s0 =	simm.s32 @p0 $0x1  }
0x13: {  	[smem:$0x3FB6] =	sst s0;
	s0 =	simm.s32 @!p1 $0x0  }
0x14: {  	s2 =	sld [smem:$0x3F9A];
	s0 =	simm.s32 @p1 $0x1  }
0x15: {  	[smem:$0x3FB7] =	sst s0;
	s0 =	simm.s32 @!p2 $0x0  }
0x16: {  	s3 =	sld [smem:$0x3FDB];
	s0 =	simm.s32 @p2 $0x1  }
0x17: {  	s4 =	simm.s32 $0x1BF5;
	[smem:$0x3FB9] =	sst s0  }
0x18: {  	s0 =	sld [smem:$0x3F9C];
	_ =	swait.ge [sflag:s4], $0x0  }
0x19: {  	s7 =	sld [smem:$0x3F9D]  }
0x1a: {  	s8 =	sadd.s32 $0xFFFFE003, lr  }
0x1b: {  	s9 =	sadd.s32 $0xFFFFFEF7, lr;
	s5 =	simm.s32 $0xFFFFFFFF;
	p2 =	slt.u32 s8, $0xFFFFF086  }
0x1c: {  	p1 =	slt.u32 s9, $0xF7A;
	s5 =	simm.s32 @!p2 $0x0  }
0x1d: {  	s5 =	simm.s32 @p1 $0x1;
	p0 =	seq.s32 s7, s2  }
0x1e: {  	s7 =	smul.u32 @!p0 $0xF7A, s2;
	p2 =	seq.s32 @!p0 s5, $0x0  }
0x1f: {  	s9 =	smul.u32 $0xF7A, s1;
	s8 =	simm.s32 @!p0 $0x1BF5;
	p2 =	por !p2, p0  }
0x20: {  	[sflag:s8] =	ssyncset.s32 @!p0 $0xFFFFF086;
	s6 =	sadd.s32 @!p0 s3, s7;
	s7 =	simm.s32 @!p0 $0x108  }
0x21: {  	s3 =	sadd.s32 s3, s9;
	s6 =	sadd.s32 @!p0 $0x88, s6;
	s7 =	simm.s32 @p2 $0x1082  }
0x22: {  	[simem:s7], [sflag:s8] =	dma.local @!p0 [hbm:s6], $0xF7A  }
0x23: {  	s9 =	sor.u32 $0xD0000000, s2;
	s6 =	simm.s32 $0x108;
	_ =	swait.ge @!p0 [sflag:s8], $0x0  }
0x24: {  	s3 =	sadd.s32 $0x88, s3;
	s6 =	simm.s32 @!p1 $0x1082;
	[sflag:s4] =	ssyncset.s32 $0xFFFFF086  }
0x25: {  	[simem:s6], [sflag:s4] =	dma.local [hbm:s3], $0xF7A  }
0x26: {  	[smem:$0x3F9D] =	sst s1;
	(tag) =	ssettag s2;
	_ =	strace s9  }
0x27: {  	s1 =	sld [smem:$0x3FAD]  }
0x28: {  	s2 =	sld [smem:$0x3FAE]  }
0x29: {  	s4 =	sld [smem:$0x3FB0]  }
0x2a: {  	p0 =	seq.s32 s5, $0x0;
	s5 =	sld [smem:$0x3FB1]  }
0x2b: {  	s6 =	sld [smem:$0x3FB2]  }
0x2c: {  	s7 =	sld [smem:$0x3FB3]  }
0x2d: {  	s3 =	simm.s32 $0x108;
	s8 =	sld [smem:$0x3FB4]  }
0x2e: {  	s3 =	simm.s32 @!p0 $0x1082;
	s9 =	sld [smem:$0x3FB5]  }
0x2f: {  	lr =	sadd.s32 s0, s3;
	s0 =	sld [smem:$0x3FAC]  }
0x30: {  	s3 =	sld [smem:$0x3FAF]  }
0x31: {  	[smem:$0x3FB8] =	sst s10  }
0x32: {  	s10 =	sld [smem:$0x3FB6];
	_ =	sdelay $0x3  }
0x33: {  	p0 =	seq.s32 s10, $0x1;
	s10 =	sld [smem:$0x3FB8];
	_ =	sdelay $0x3  }
0x34: {  	[smem:$0x3FB8] =	sst s10  }
0x35: {  	s10 =	sld [smem:$0x3FB7];
	_ =	sdelay $0x3  }
0x36: {  	p1 =	seq.s32 s10, $0x1;
	s10 =	sld [smem:$0x3FB8];
	_ =	sdelay $0x3  }
0x37: {  	[smem:$0x3FB8] =	sst s10  }
0x38: {  	s10 =	sld [smem:$0x3FB9]  }
0x39: {  	_ = 	snop;
	(pc) =	sbr.ind lr, $3  }
0x3a: {  	_ = 	snop  }
0x3b: {  	_ = 	snop  }
0x3c: {  	p2 =	seq.s32 s10, $0x1;
	s10 =	sld [smem:$0x3FB8]  }
0x3d: {  	_ =	shalt  }
0x3e: {  	_ =	shalt  }
0x3f: {  	_ =	shalt  }
0x40: {  	_ =	shalt  }
0x41: {  	_ =	shalt  }
0x42: {  	_ =	shalt  }
0x43: {  	_ =	shalt  }
0x44: {  	_ =	shalt  }
0x45: {  	_ =	shalt  }
0x46: {  	_ =	shalt  }
0x47: {  	_ =	shalt  }
0x48: {  	_ =	shalt  }
0x49: {  	_ =	shalt  }
0x4a: {  	_ =	shalt  }
0x4b: {  	_ =	shalt  }
0x4c: {  	_ =	shalt  }
0x4d: {  	_ =	shalt  }
0x4e: {  	_ =	shalt  }
0x4f: {  	_ =	shalt  }
0x50: {  	_ =	shalt  }
0x51: {  	_ =	shalt  }
0x52: {  	_ =	shalt  }
0x53: {  	_ =	shalt  }
0x54: {  	_ =	shalt  }
0x55: {  	_ =	shalt  }
0x56: {  	_ =	shalt  }
0x57: {  	_ =	shalt  }
0x58: {  	_ =	shalt  }
0x59: {  	_ =	shalt  }
0x5a: {  	_ =	shalt  }
0x5b: {  	_ =	shalt  }
0x5c: {  	_ =	shalt  }
0x5d: {  	_ =	shalt  }
0x5e: {  	_ =	shalt  }
0x5f: {  	_ =	shalt  }
0x60: {  	_ =	shalt  }
0x61: {  	_ =	shalt  }
0x62: {  	_ =	shalt  }
0x63: {  	_ =	shalt  }
0x64: {  	_ =	shalt  }
0x65: {  	_ =	shalt  }
0x66: {  	_ =	shalt  }
0x67: {  	_ =	shalt  }
0x68: {  	_ =	shalt  }
0x69: {  	_ =	shalt  }
0x6a: {  	_ =	shalt  }
0x6b: {  	_ =	shalt  }
0x6c: {  	_ =	shalt  }
0x6d: {  	_ =	shalt  }
0x6e: {  	_ =	shalt  }
0x6f: {  	_ =	shalt  }
0x70: {  	_ =	shalt  }
0x71: {  	_ =	shalt  }
0x72: {  	_ =	shalt  }
0x73: {  	_ =	shalt  }
0x74: {  	_ =	shalt  }
0x75: {  	_ =	shalt  }
0x76: {  	_ =	shalt  }
0x77: {  	_ =	shalt  }
0x78: {  	_ =	shalt  }
0x79: {  	_ =	shalt  }
0x7a: {  	_ =	shalt  }
0x7b: {  	_ =	shalt  }
0x7c: {  	_ =	shalt  }
0x7d: {  	_ =	shalt  }
0x7e: {  	_ =	shalt  }
0x7f: {  	_ =	shalt  }
0x80: {  	_ =	shalt  }
0x81: {  	_ =	shalt  }
0x82: {  	_ =	shalt  }
0x83: {  	_ =	shalt  }
0x84: {  	_ =	shalt  }
0x85: {  	_ =	shalt  }
0x86: {  	_ =	shalt  }
0x87: {  	_ =	shalt  }
.Lfunc_end0:
.L_simem_size_0:
called_computation_lowered:
.L_overlay_start_0:
0x88: {  	s2 =	sld [smem:$0x3FD9]  }
0x89: {  	s3 =	sld [smem:$0x3FFE];
	_ =	sdelay $0x1  }
0x8a: {  	s1 =	srdreg.scid  }
0x8b: {  	s0 =	sand.u32 $0x1, s1  }
0x8c: {  	s17 =	sshll.u32 s0, $0xA;
	s2 =	sadd.s32 s3, s2  }
0x8d: {  	s2 =	sadd.s32 s2, s17  }
0x8e: {  	[smem:$0x3FC4] =	sst s2  }
0x8f: {  	_ = 	snop  }
0x90: {  	s2 =	sld [smem:$0x3FC9]  }
0x91: {  	s18 =	sld [smem:$0x3FD0];
	(tm) =	ssettm $0x1  }
0x92: {  	s4 =	sld [smem:$0x3FFB];
	_ =	sdelay $0x3  }
0x93: {  	_ =	strace s4  }
0x94: {  	s4 =	sld [smem:$0x3FFC];
	_ =	sdelay $0x3  }
0x95: {  	_ =	strace s4  }
0x96: {  	s4 =	sld [smem:$0x3FFD];
	_ =	sdelay $0x3  }
0x97: {  	_ =	strace s4  }
0x98: {  	_ =	strace $0x8FFFFFFF  }
0x99: {  	s19 =	sld [smem:$0x3FDB];
	_ =	sdelay $0x1  }
0x9a: {  	s5 =	simm.s32 $_scs_section_size  }
0x9b: {  	s6 =	simm.s32 $_size__tile_overlayer_lowered;
	s7 =	simm.s32 $_tile_overlayer_lowered  }
0x9c: {  	s22 =	simm.s32 $0x1BFF;
	s21 =	sshll.u32 s7, $0x1;
	s4 =	sadd.s32 s5, s19  }
0x9d: {  	s8 =	simm.s32 $0x0;
	s20 =	sshll.u32 s6, $0x1;
	s6 =	sadd.s32 s21, s4  }
0x9e: {  	[timem:s8], [sflag:s22] =	dma.local [hbm:s6], s20  }
0x9f: {  	_ =	swait.ge [sflag:s22], s20  }
0xa0: {  	s5 =	ssub.s32 $0x0, s20;
	[sflag:s22] =	ssyncset.done $0x0  }
0xa1: {  	[sflag:s22] =	ssyncadd.s32 s5;
	_ =	sdelay $0x1  }
0xa2: {  	s23 =	simm.s32 $0x1B8B  }
0xa3: {  	_ =	swait.ge [sflag:s23], $0x1  }
0xa4: {  	[sflag:s23] =	ssyncset.done $0x0  }
0xa5: {  	s25 =	simm.s32 $0x1B8E;
	s24 =	sld [smem:$0x3FFE];
	[sflag:s23] =	ssyncadd.s32 $0xFFFFFFFF  }
0xa6: {  	s26 =	simm.s32 $execute0_lowered;
	[smem:$0x3FD2] =	sst s25  }
0xa7: {  	s6 =	sshll.u32 s26, $0x1;
	_ =	strace $0x80000046;
	[dreg:$0x1] =	wrdreg $0xFFFFFFFF  }
0xa8: {  	s28 =	simm.s32 $_size_execute0_lowered;
	s4 =	sadd.s32 s4, s6;
	[dreg:$0x0] =	wrdreg $0x0  }
0xa9: {  	s6 =	sshll.u32 s28, $0x1;
	[dreg:$0x2] =	wrdreg s4  }
0xaa: {  	[dreg:$0x3] =	wrdreg s6  }
0xab: {  	[dreg:$0x4] =	wrdreg $0xC0  }
0xac: {  	_ =	task [dreg:s8], $0x5FFFF  }
0xad: {  	[dreg:$0x1] =	wrdreg $0xFFFFFFFF  }
0xae: {  	[dreg:$0x0] =	wrdreg $0x60  }
0xaf: {  	[dreg:$0x2] =	wrdreg s2  }
0xb0: {  	[dreg:$0x3] =	wrdreg s18  }
0xb1: {  	[dreg:$0x4] =	wrdreg s24  }
0xb2: {  	[dreg:$0x5] =	wrdreg $0x9  }
0xb3: {  	_ =	task.clear_ibuf [dreg:s8], $0x6FFFF;
	_ =	strace $0x90000046  }
0xb4: {  	s29 =	simm.s32 $0x9;
	_ =	strace $0x80000048  }
0xb5: {  	_ =	swait.ge [sflag:s29], $0x1  }
0xb6: {  	[sflag:s29] =	ssyncadd.s32 $0xFFFFFFFF  }
0xb7: {  	_ =	strace $0x90000048  }
0xb8: {  	_ =	sfence  }
0xb9: {  	s30 =	sld [smem:$0x0];
	_ =	sdelay $0x2  }
0xba: {  	s31 =	sshll.u32 s1, $0xD;
	s1 =	sshrl.u32 s1, $0x2  }
0xbb: {  	s3 =	sand.u32 $0x4000, s31;
	s1 =	sadd.s32 s1, s30  }
0xbc: {  	s0 =	sor.u32 s3, s0;
	s1 =	sshll.u32 s1, $0x11  }
0xbd: {  	s0 =	sor.u32 s1, s0  }
0xbe: {  	s0 =	sadd.s32 $0x8F2B, s0  }
0xbf: {  	[sflag:s0] =	ssyncadd.remote.s32 $0x1  }
0xc0: {  	_ =	sfence.sel $0xFFFF  }
0xc1: {  	[dreg:$0x0] =	wrdreg $0xFFFFFFFF;
	(pc) =	sbr.abs _section_cstart, $3  }
0xc2: {  	[dreg:$0x1] =	wrdreg $0xFFFFFFFF  }
0xc3: {  	_ =	task.clear_ibuf [dreg:s8], $0x2FFFF;
	_ =	strace $0x9FFFFFFF  }
0xc4: {  	(tm) =	ssettm $0x7FFFFFFF  }
0xc5: {  	_ =	shalt  }
tec
execute0_lowered:
.L_overlay_start_1:
0x0: {  	(tag) =	ssettag $0x1  }
0x1: {  	s0 =	rddreg [dreg:$0x0]  }
0x2: {  	s1 =	rddreg [dreg:$0x1]  }
0x3: {  	s5 =	rddreg [dreg:$0x2];
	s2 =	simm.s32 $0x0  }
0x4: {  	s3 =	srdreg.scid;
	s6 =	stileid.u32;
	s11 =	simm.s32 $0x80  }
0x5: {  	s22 =	simm.s32 $0x880;
	s23 =	simm.s32 $0x11C00;
	s24 =	simm.s32 $0x900  }
0x6: {  	s25 =	simm.s32 $0x12C00;
	s28 =	simm.s32 $0x13C00;
	s29 =	simm.s32 $0xA00  }
0x7: {  	s30 =	simm.s32 $0x14C00;
	s31 =	simm.s32 $0xA80;
	s12 =	simm.s32 $0x16C00  }
0x8: {  	s13 =	simm.s32 $0xB80;
	s14 =	simm.s32 $0x17C00;
	s15 =	simm.s32 $0x1  }
0x9: {  	s16 =	simm.s32 $0x18C00;
	s17 =	simm.s32 $0x0;
	[smem:$0x7FF] =	sst s2  }
0xa: {  	s4 =	sand.u32 $0x1, s3;
	s26 =	sshll.u32 s6, $0x1;
	s3 =	sadd.s32 $0x1313400, s5  }
0xb: {  	_ =	strace $0x80000047;
	s6 =	sor.u32 s4, s26;
	s8 =	ssub.s32 $0x2, s4  }
0xc: {  	vm0 =	vmmov $0x1;
	vm1 =	vmmov $0x3;
	vm2 =	vmmov $0x7;
	s4 =	sadd.s32 $0xF42A00, s5;
	s7 =	smul.u32 $0x140, s6;
	s9 =	sshrl.u32 s8, $0x1  }
0xd: {  	vm3 =	vmmov $0xf;
	vm4 =	vmmov $0x1f;
	vm5 =	vmmov $0x3f;
	s26 =	simm.s32 $0x980;
	s6 =	sshll.u32 s6, $0x6;
	s8 =	ssub.s32 s8, s9  }
0xe: {  	vm6 =	vmmov $0x7f;
	vm7 =	vmmov $0xff;
	vm8 =	vmmov $0x1ff;
	s9 =	simm.s32 $0x2;
	s10 =	sadd.s32 s7, s5;
	s5 =	sadd.s32 s0, s6  }
0xf: {  	vm9 =	vmmov $0x3ff;
	vm10 =	vmmov $0x7ff;
	vm11 =	vmmov $0xfff;
	s6 =	sadd.s32 s1, s7;
	s8 =	smax.u32 s8, $0x1;
	s0 =	simm.s32 $0x15C00  }
0x10: {  	vm12 =	vmmov $0x1fff;
	vm13 =	vmmov $0x3fff;
	vm14 =	vmmov $0x7fff;
	s1 =	simm.s32 $0xB00;
	s7 =	sadd.s32 $0x600, s10;
	s10 =	simm.s32 $0x200  }
.LBB2_1:
0x11: {  	[tilespmem:s2], [sflag:$0x2] =	stream.linear.gather [hbm4b:s5+s2], $0x200, $0x38;
	[tilespmem:$0x19600] =	vst v63  }
0x12: {  	_ =	swait.ge [sflag:s9], $0x200  }
0x13: {  	[sflag:s9] =	ssyncset.done $0x0  }
0x14: {  	[sflag:s9] =	ssyncadd.s32 $0xFFFFFE00  }
0x15: {  	[tilespmem:s10], [sflag:$0x2] =	stream.linear.gather [hbm4b:s6+s2], $0xA00, $0x38;
	[tilespmem:$0x19600] =	vst v63  }
0x16: {  	_ =	swait.ge [sflag:s9], $0xA00  }
0x17: {  	[sflag:s9] =	ssyncset.done $0x0  }
0x18: {  	s18 =	simm.s32 $0xC00;
	[sflag:s9] =	ssyncadd.s32 $0xFFFFF600  }
0x19: {  	[tilespmem:s18], [sflag:$0x1] =	stream.indirect.gather [hbm4b:s3+s11], $0x20, s2, s11, $0xb8;
	[tilespmem:$0x19600] =	vst v63  }
0x1a: {  	s20 =	simm.s32 $0x1C00  }
0x1b: {  	[tilespmem:s20], [sflag:$0x1] =	stream.indirect.gather [hbm4b:s3+s11], $0x20, s11, s11, $0xb8;
	[tilespmem:$0x19600] =	vst v63  }
0x1c: {  	s21 =	simm.s32 $0x100;
	s19 =	simm.s32 $0x2C00  }
0x1d: {  	[tilespmem:s19], [sflag:$0x1] =	stream.indirect.gather [hbm4b:s3+s11], $0x20, s21, s11, $0xb8;
	[tilespmem:$0x19600] =	vst v63  }
0x1e: {  	s20 =	simm.s32 $0x180;
	s21 =	simm.s32 $0x3C00  }
0x1f: {  	[tilespmem:s21], [sflag:$0x1] =	stream.indirect.gather [hbm4b:s3+s11], $0x20, s20, s11, $0xb8;
	[tilespmem:$0x19600] =	vst v63  }
0x20: {  	s19 =	simm.s32 $0x4C00  }
0x21: {  	[tilespmem:s19], [sflag:$0x1] =	stream.indirect.gather [hbm4b:s4+s11], $0x20, s10, s11, $0xb8;
	[tilespmem:$0x19600] =	vst v63  }
0x22: {  	s20 =	simm.s32 $0x280;
	s21 =	simm.s32 $0x5C00  }
0x23: {  	[tilespmem:s21], [sflag:$0x1] =	stream.indirect.gather [hbm4b:s4+s11], $0x20, s20, s11, $0xb8;
	[tilespmem:$0x19600] =	vst v63  }
0x24: {  	s20 =	simm.s32 $0x300;
	s21 =	simm.s32 $0x6C00  }
0x25: {  	[tilespmem:s21], [sflag:$0x1] =	stream.indirect.gather [hbm4b:s4+s11], $0x20, s20, s11, $0xb8;
	[tilespmem:$0x19600] =	vst v63  }
0x26: {  	s20 =	simm.s32 $0x380;
	s21 =	simm.s32 $0x7C00  }
0x27: {  	[tilespmem:s21], [sflag:$0x1] =	stream.indirect.gather [hbm4b:s4+s11], $0x20, s20, s11, $0xb8;
	[tilespmem:$0x19600] =	vst v63  }
0x28: {  	s20 =	simm.s32 $0x400;
	s21 =	simm.s32 $0x8C00  }
0x29: {  	[tilespmem:s21], [sflag:$0x1] =	stream.indirect.gather [hbm4b:s4+s11], $0x20, s20, s11, $0xb8;
	[tilespmem:$0x19600] =	vst v63  }
0x2a: {  	s20 =	simm.s32 $0x480;
	s21 =	simm.s32 $0x9C00  }
0x2b: {  	[tilespmem:s21], [sflag:$0x1] =	stream.indirect.gather [hbm4b:s4+s11], $0x20, s20, s11, $0xb8;
	[tilespmem:$0x19600] =	vst v63  }
0x2c: {  	s20 =	simm.s32 $0x500;
	s21 =	simm.s32 $0xAC00  }
0x2d: {  	[tilespmem:s21], [sflag:$0x1] =	stream.indirect.gather [hbm4b:s4+s11], $0x20, s20, s11, $0xb8;
	[tilespmem:$0x19600] =	vst v63  }
0x2e: {  	s20 =	simm.s32 $0x580;
	s21 =	simm.s32 $0xBC00  }
0x2f: {  	[tilespmem:s21], [sflag:$0x1] =	stream.indirect.gather [hbm4b:s4+s11], $0x20, s20, s11, $0xb8;
	[tilespmem:$0x19600] =	vst v63  }
0x30: {  	s20 =	simm.s32 $0x600;
	s21 =	simm.s32 $0xCC00  }
0x31: {  	[tilespmem:s21], [sflag:$0x1] =	stream.indirect.gather [hbm4b:s4+s11], $0x20, s20, s11, $0xb8;
	[tilespmem:$0x19600] =	vst v63  }
0x32: {  	s20 =	simm.s32 $0x680;
	s21 =	simm.s32 $0xDC00  }
0x33: {  	[tilespmem:s21], [sflag:$0x1] =	stream.indirect.gather [hbm4b:s4+s11], $0x20, s20, s11, $0xb8;
	[tilespmem:$0x19600] =	vst v63  }
0x34: {  	s20 =	simm.s32 $0x700;
	s21 =	simm.s32 $0xEC00  }
0x35: {  	[tilespmem:s21], [sflag:$0x1] =	stream.indirect.gather [hbm4b:s4+s11], $0x20, s20, s11, $0xb8;
	[tilespmem:$0x19600] =	vst v63  }
0x36: {  	s20 =	simm.s32 $0x780;
	s21 =	simm.s32 $0xFC00  }
0x37: {  	[tilespmem:s21], [sflag:$0x1] =	stream.indirect.gather [hbm4b:s4+s11], $0x20, s20, s11, $0xb8;
	[tilespmem:$0x19600] =	vst v63  }
0x38: {  	s20 =	simm.s32 $0x800;
	s21 =	simm.s32 $0x10C00  }
0x39: {  	[tilespmem:s21], [sflag:$0x1] =	stream.indirect.gather [hbm4b:s4+s11], $0x20, s20, s11, $0xb8;
	[tilespmem:$0x19600] =	vst v63  }
0x3a: {  	_ = 	snop  }
0x3b: {  	[tilespmem:s23], [sflag:$0x1] =	stream.indirect.gather [hbm4b:s4+s11], $0x20, s22, s11, $0xb8;
	[tilespmem:$0x19600] =	vst v63  }
0x3c: {  	_ = 	snop  }
0x3d: {  	[tilespmem:s25], [sflag:$0x1] =	stream.indirect.gather [hbm4b:s4+s11], $0x20, s24, s11, $0xb8;
	[tilespmem:$0x19600] =	vst v63  }
0x3e: {  	_ = 	snop  }
0x3f: {  	[tilespmem:s28], [sflag:$0x1] =	stream.indirect.gather [hbm4b:s4+s11], $0x20, s26, s11, $0xb8;
	[tilespmem:$0x19600] =	vst v63  }
0x40: {  	_ = 	snop  }
0x41: {  	[tilespmem:s30], [sflag:$0x1] =	stream.indirect.gather [hbm4b:s4+s11], $0x20, s29, s11, $0xb8;
	[tilespmem:$0x19600] =	vst v63  }
0x42: {  	_ = 	snop  }
0x43: {  	[tilespmem:s0], [sflag:$0x1] =	stream.indirect.gather [hbm4b:s4+s11], $0x20, s31, s11, $0xb8;
	[tilespmem:$0x19600] =	vst v63  }
0x44: {  	_ = 	snop  }
0x45: {  	[tilespmem:s12], [sflag:$0x1] =	stream.indirect.gather [hbm4b:s4+s11], $0x20, s1, s11, $0xb8;
	[tilespmem:$0x19600] =	vst v63  }
0x46: {  	_ = 	snop  }
0x47: {  	[tilespmem:s14], [sflag:$0x1] =	stream.indirect.gather [hbm4b:s4+s11], $0x20, s13, s11, $0xb8;
	[tilespmem:$0x19600] =	vst v63  }
0x48: {  	_ =	swait.ge [sflag:s15], $0x1000  }
0x49: {  	[sflag:s15] =	ssyncset.done $0x0  }
0x4a: {  	[sflag:s15] =	ssyncadd.s32 $0xFFFFF000  }
0x4b: {  	_ =	swait.ge [sflag:s15], $0x1000  }
0x4c: {  	[sflag:s15] =	ssyncset.done $0x0  }
0x4d: {  	[sflag:s15] =	ssyncadd.s32 $0xFFFFF000  }
0x4e: {  	_ =	swait.ge [sflag:s15], $0x1000  }
0x4f: {  	[sflag:s15] =	ssyncset.done $0x0  }
0x50: {  	[sflag:s15] =	ssyncadd.s32 $0xFFFFF000  }
0x51: {  	_ =	swait.ge [sflag:s15], $0x1000  }
0x52: {  	[sflag:s15] =	ssyncset.done $0x0  }
0x53: {  	[sflag:s15] =	ssyncadd.s32 $0xFFFFF000  }
0x54: {  	_ =	swait.ge [sflag:s15], $0x1000  }
0x55: {  	[sflag:s15] =	ssyncset.done $0x0  }
0x56: {  	[sflag:s15] =	ssyncadd.s32 $0xFFFFF000  }
0x57: {  	_ =	swait.ge [sflag:s15], $0x1000  }
0x58: {  	[sflag:s15] =	ssyncset.done $0x0  }
0x59: {  	[sflag:s15] =	ssyncadd.s32 $0xFFFFF000  }
0x5a: {  	_ =	swait.ge [sflag:s15], $0x1000  }
0x5b: {  	[sflag:s15] =	ssyncset.done $0x0  }
0x5c: {  	[sflag:s15] =	ssyncadd.s32 $0xFFFFF000  }
0x5d: {  	_ =	swait.ge [sflag:s15], $0x1000  }
0x5e: {  	[sflag:s15] =	ssyncset.done $0x0  }
0x5f: {  	[sflag:s15] =	ssyncadd.s32 $0xFFFFF000  }
0x60: {  	_ =	swait.ge [sflag:s15], $0x1000  }
0x61: {  	[sflag:s15] =	ssyncset.done $0x0  }
0x62: {  	[sflag:s15] =	ssyncadd.s32 $0xFFFFF000  }
0x63: {  	_ =	swait.ge [sflag:s15], $0x1000  }
0x64: {  	[sflag:s15] =	ssyncset.done $0x0  }
0x65: {  	[sflag:s15] =	ssyncadd.s32 $0xFFFFF000  }
0x66: {  	_ =	swait.ge [sflag:s15], $0x1000  }
0x67: {  	[sflag:s15] =	ssyncset.done $0x0  }
0x68: {  	[sflag:s15] =	ssyncadd.s32 $0xFFFFF000  }
0x69: {  	_ =	swait.ge [sflag:s15], $0x1000  }
0x6a: {  	[sflag:s15] =	ssyncset.done $0x0  }
0x6b: {  	[sflag:s15] =	ssyncadd.s32 $0xFFFFF000  }
0x6c: {  	_ =	swait.ge [sflag:s15], $0x1000  }
0x6d: {  	[sflag:s15] =	ssyncset.done $0x0  }
0x6e: {  	[sflag:s15] =	ssyncadd.s32 $0xFFFFF000  }
0x6f: {  	_ =	swait.ge [sflag:s15], $0x1000  }
0x70: {  	[sflag:s15] =	ssyncset.done $0x0  }
0x71: {  	[sflag:s15] =	ssyncadd.s32 $0xFFFFF000  }
0x72: {  	_ =	swait.ge [sflag:s15], $0x1000  }
0x73: {  	[sflag:s15] =	ssyncset.done $0x0  }
0x74: {  	[sflag:s15] =	ssyncadd.s32 $0xFFFFF000  }
0x75: {  	_ =	swait.ge [sflag:s15], $0x1000  }
0x76: {  	[sflag:s15] =	ssyncset.done $0x0  }
0x77: {  	[sflag:s15] =	ssyncadd.s32 $0xFFFFF000  }
0x78: {  	_ =	swait.ge [sflag:s15], $0x1000  }
0x79: {  	[sflag:s15] =	ssyncset.done $0x0  }
0x7a: {  	[sflag:s15] =	ssyncadd.s32 $0xFFFFF000  }
0x7b: {  	_ =	swait.ge [sflag:s15], $0x1000  }
0x7c: {  	[sflag:s15] =	ssyncset.done $0x0  }
0x7d: {  	[sflag:s15] =	ssyncadd.s32 $0xFFFFF000  }
0x7e: {  	_ =	swait.ge [sflag:s15], $0x1000  }
0x7f: {  	[sflag:s15] =	ssyncset.done $0x0  }
0x80: {  	[sflag:s15] =	ssyncadd.s32 $0xFFFFF000  }
0x81: {  	_ =	swait.ge [sflag:s15], $0x1000  }
0x82: {  	[sflag:s15] =	ssyncset.done $0x0  }
0x83: {  	[sflag:s15] =	ssyncadd.s32 $0xFFFFF000  }
0x84: {  	_ =	swait.ge [sflag:s15], $0x1000  }
0x85: {  	[sflag:s15] =	ssyncset.done $0x0  }
0x86: {  	[sflag:s15] =	ssyncadd.s32 $0xFFFFF000  }
0x87: {  	_ =	swait.ge [sflag:s15], $0x1000  }
0x88: {  	[sflag:s15] =	ssyncset.done $0x0  }
0x89: {  	[sflag:s15] =	ssyncadd.s32 $0xFFFFF000  }
0x8a: {  	_ =	swait.ge [sflag:s15], $0x1000  }
0x8b: {  	[sflag:s15] =	ssyncset.done $0x0  }
0x8c: {  	[sflag:s15] =	ssyncadd.s32 $0xFFFFF000  }
0x8d: {  	_ =	swait.ge [sflag:s15], $0x1000  }
0x8e: {  	s18 =	simm.s32 $0xD00;
	[sflag:s15] =	ssyncset.done $0x0  }
0x8f: {  	s19 =	simm.s32 $0x5100;
	s20 =	simm.s32 $0x0;
	[sflag:s15] =	ssyncadd.s32 $0xFFFFF000  }
.LBB2_2:
0x90: {  	v4 =	vld [tilespmem:s18+$0xFFFFFF00]  }
0x91: {  	v3 =	vld [tilespmem:s18+$0xFFFFFF10]  }
0x92: {  	v0 =	vld [tilespmem:s19+$0xFFFFFB00]  }
0x93: {  	v14 =	vld [tilespmem:s19+$0xFFFFFB10]  }
0x94: {  	v34 =	vld [tilespmem:s19+$0xFFFFFB20]  }
0x95: {  	v17 =	vld [tilespmem:s19+$0xFFFFFB30]  }
0x96: {  	v18 =	vld [tilespmem:s19+$0xFFFFFB40]  }
0x97: {  	v38 =	vld [tilespmem:s19+$0xFFFFFB50]  }
0x98: {  	v44 =	vld [tilespmem:s19+$0xFFFFFB60]  }
0x99: {  	v45 =	vld [tilespmem:s19+$0xFFFFFB70]  }
0x9a: {  	v48 =	vld [tilespmem:s19+$0xFFFFFB80]  }
0x9b: {  	v49 =	vld [tilespmem:s19+$0xFFFFFB90]  }
0x9c: {  	v5 =	vld [tilespmem:s18+$0xFFFFFF20]  }
0x9d: {  	v15 =	vld [tilespmem:s18+$0xFFFFFF30]  }
0x9e: {  	v50 =	vld [tilespmem:s19+$0xFFFFFBA0]  }
0x9f: {  	v6 =	vld [tilespmem:s19+$0xFFFFFBB0]  }
0xa0: {  	v9 =	vld [tilespmem:s19+$0xFFFFFBC0]  }
0xa1: {  	v10 =	vld [tilespmem:s19+$0xFFFFFBD0]  }
0xa2: {  	v12 =	vld [tilespmem:s19+$0xFFFFFBE0]  }
0xa3: {  	v11 =	vld [tilespmem:s19+$0xFFFFFBF0]  }
0xa4: {  	v13 =	vld [tilespmem:s19+$0xFFFFFC00]  }
0xa5: {  	v24 =	vld [tilespmem:s19+$0xFFFFFC10]  }
0xa6: {  	v21 =	vld [tilespmem:s19+$0xFFFFFC20]  }
0xa7: {  	v25 =	vld [tilespmem:s19+$0xFFFFFC30]  }
0xa8: {  	v22 =	vld [tilespmem:s18+$0xFFFFFF40]  }
0xa9: {  	v23 =	vld [tilespmem:s18+$0xFFFFFF50]  }
0xaa: {  	v27 =	vld [tilespmem:s19+$0xFFFFFC40]  }
0xab: {  	v26 =	vld [tilespmem:s19+$0xFFFFFC50]  }
0xac: {  	v29 =	vld [tilespmem:s19+$0xFFFFFC60]  }
0xad: {  	v30 =	vld [tilespmem:s19+$0xFFFFFC70]  }
0xae: {  	v32 =	vld [tilespmem:s19+$0xFFFFFC80]  }
0xaf: {  	v36 =	vld [tilespmem:s19+$0xFFFFFC90]  }
0xb0: {  	v31 =	vld [tilespmem:s19+$0xFFFFFCA0]  }
0xb1: {  	v42 =	vld [tilespmem:s19+$0xFFFFFCB0]  }
0xb2: {  	v33 =	vld [tilespmem:s19+$0xFFFFFCC0]  }
0xb3: {  	v35 =	vld [tilespmem:s19+$0xFFFFFCD0]  }
0xb4: {  	v28 =	vld [tilespmem:s18+$0xFFFFFF60]  }
0xb5: {  	v20 =	vld [tilespmem:s18+$0xFFFFFF70]  }
0xb6: {  	v39 =	vld [tilespmem:s19+$0xFFFFFCE0]  }
0xb7: {  	v37 =	vld [tilespmem:s19+$0xFFFFFCF0]  }
0xb8: {  	v43 =	vld [tilespmem:s19+$0xFFFFFD00]  }
0xb9: {  	v63 =	vld [tilespmem:s19+$0xFFFFFD10]  }
0xba: {  	v46 =	vld [tilespmem:s19+$0xFFFFFD20]  }
0xbb: {  	v60 =	vld [tilespmem:s19+$0xFFFFFD30]  }
0xbc: {  	v62 =	vld [tilespmem:s19+$0xFFFFFD40]  }
0xbd: {  	v51 =	vld [tilespmem:s19+$0xFFFFFD50]  }
0xbe: {  	v61 =	vld [tilespmem:s19+$0xFFFFFD60]  }
0xbf: {  	v47 =	vld [tilespmem:s19+$0xFFFFFD70]  }
0xc0: {  	v40 =	vld [tilespmem:s18+$0xFFFFFF80]  }
0xc1: {  	v41 =	vld [tilespmem:s18+$0xFFFFFF90]  }
0xc2: {  	v52 =	vld [tilespmem:s19+$0xFFFFFD80]  }
0xc3: {  	v59 =	vld [tilespmem:s19+$0xFFFFFD90]  }
0xc4: {  	v57 =	vld [tilespmem:s19+$0xFFFFFDA0]  }
0xc5: {  	v58 =	vld [tilespmem:s19+$0xFFFFFDB0]  }
0xc6: {  	v53 =	vld [tilespmem:s19+$0xFFFFFDC0]  }
0xc7: {  	v56 =	vld [tilespmem:s19+$0xFFFFFDD0]  }
0xc8: {  	v54 =	vld [tilespmem:s19+$0xFFFFFDE0]  }
0xc9: {  	v55 =	vld [tilespmem:s19+$0xFFFFFDF0]  }
0xca: {  	v19 =	vld [tilespmem:s19+$0xFFFFFE10]  }
0xcb: {  	v7 =	vld [tilespmem:s19+$0xFFFFFE20]  }
0xcc: {  	v8 =	vld [tilespmem:s19+$0xFFFFFE30]  }
0xcd: {  	v1 =	vld [tilespmem:s19+$0xFFFFFE00]  }
0xce: {  	v16 =	vld [tilespmem:s18+$0xFFFFFFA0]  }
0xcf: {  	[tilespmem:$0x1FED0] =	vst v19;
	v19 =	vld [tilespmem:s18+$0xFFFFFFB0]  }
0xd0: {  	[tilespmem:$0x1FEE0] =	vst v7;
	v7 =	vld [tilespmem:s19+$0xFFFFFE40]  }
0xd1: {  	[tilespmem:$0x1FEF0] =	vst v8;
	v8 =	vld [tilespmem:s19+$0xFFFFFE50];
	v0 =	vmul.f32 v0, v4;
	v14 =	vmul.f32 v14, v3  }
0xd2: {  	[tilespmem:$0x1FEC0] =	vst v1;
	v1 =	vmul.f32 v34, v4;
	v34 =	vld [tilespmem:s19+$0xFFFFFEC0]  }
0xd3: {  	v17 =	vmul.f32 v17, v3;
	v2 =	vadd.f32 v14, v0;
	v14 =	vld [tilespmem:s19+$0xFFFFFED0]  }
0xd4: {  	v0 =	vmul.f32 v38, v3;
	v38 =	vld [tilespmem:s19+$0xFFFFFEE0]  }
0xd5: {  	v18 =	vmul.f32 v18, v4;
	v1 =	vadd.f32 v17, v1;
	v17 =	vmul.f32 v44, v4;
	v44 =	vld [tilespmem:s19+$0xFFFFFEF0]  }
0xd6: {  	v45 =	vmul.f32 v45, v3;
	v3 =	vmul.f32 v49, v3;
	v49 =	vld [tilespmem:s19+$0xFFFFFF20]  }
0xd7: {  	v48 =	vmul.f32 v48, v4;
	v4 =	vmul.f32 v50, v5;
	v50 =	vld [tilespmem:s19+$0xFFFFFF30]  }
0xd8: {  	(xrf2) =	vadd.scan.msk.f32 $0xffff, v2;
	v2 =	vmul.f32 v13, v5;
	v13 =	vld [tilespmem:s19+$0xFFFFFF90]  }
0xd9: {  	[tilespmem:$0x1FF00] =	vst v7;
	v7 =	vld [tilespmem:s19+$0xFFFFFE60]  }
0xda: {  	v6 =	vmul.f32 v6, v15;
	[tilespmem:$0x1FF10] =	vst v8;
	v8 =	vld [tilespmem:s19+$0xFFFFFE70]  }
0xdb: {  	v0 =	vadd.f32 v0, v18;
	(xrf2) =	vadd.scan.msk.f32 $0xffff, v1;
	v1 =	vadd.f32 v45, v17;
	v45 =	vld [tilespmem:s19+$0xFFFFFF00]  }
0xdc: {  	v18 =	vmul.f32 v10, v15;
	v17 =	vmul.f32 v9, v5;
	v9 =	vadd.f32 v6, v4;
	v6 =	vld [tilespmem:s19+$0xFFFFFF60]  }
0xdd: {  	v10 =	vmul.f32 v12, v5;
	v5 =	vmul.f32 v21, v5;
	v21 =	vld [tilespmem:s19+$0xFFFFFFA0]  }
0xde: {  	v11 =	vmul.f32 v11, v15;
	(xrf2) =	vadd.scan.msk.f32 $0xffff, v0;
	v0 =	vadd.f32 v3, v48;
	v48 =	vld [tilespmem:s19+$0xFFFFFF10]  }
0xdf: {  	v3 =	vld [tilespmem:s18+$0xFFFFFFE0];
	(xrf2) =	vadd.scan.msk.f32 $0xffff, v1  }
0xe0: {  	v4 =	vadd.f32 v11, v10;
	v11 =	vld [tilespmem:s19+$0xFFFFFF80];
	(xrf2) =	vadd.scan.msk.f32 $0xffff, v0  }
0xe1: {  	v10 =	vld [tilespmem:s19+$0xFFFFFF70]  }
0xe2: {  	v12 =	vadd.f32 v18, v17;
	v17 =	vld [tilespmem:s19+$0xFFFFFF40]  }
0xe3: {  	(xrf2) =	vadd.scan.msk.f32 $0xffff, v9;
	[tilespmem:$0x1FF30] =	vst v8;
	v8 =	vld [tilespmem:s19+$0xFFFFFE90]  }
0xe4: {  	[tilespmem:$0x1FF20] =	vst v7;
	v7 =	vld [tilespmem:s19+$0xFFFFFE80];
	(xrf2) =	vadd.scan.msk.f32 $0xffff, v12  }
0xe5: {  	(xrf2) =	vadd.scan.msk.f32 $0xffff, v4;
	[tilespmem:$0x1FFA0] =	vst v11;
	v11 =	vmul.f32 v25, v15;
	v25 =	vld [tilespmem:s19+$0xFFFFFFB0]  }
0xe6: {  	v18 =	vld [tilespmem:s19+$0xFFFFFF50];
	[tilespmem:$0x1FF80] =	vst v6;
	v9, _, _ =	vpop (xrf2)  }
0xe7: {  	v1 =	vld [tilespmem:s18+$0xFFFFFFF0];
	[tilespmem:$0x1FF90] =	vst v10;
	v4, _, _ =	vpop (xrf2)  }
0xe8: {  	[tilespmem:$0x1FF50] =	vst v8;
	v8 =	vld [tilespmem:s19+$0xFFFFFEB0];
	v0 =	vbroadcast v9, $0xF;
	v9 =	vmul.f32 v24, v15;
	v12, _, _ =	vpop (xrf2)  }
0xe9: {  	[tilespmem:$0x1FF40] =	vst v7;
	v7 =	vld [tilespmem:s19+$0xFFFFFEA0];
	v4 =	vbroadcast v4, $0xF;
	v10, _, _ =	vpop (xrf2)  }
0xea: {  	[tilespmem:$0x1FFD0] =	vst v25;
	v25 =	vld [tilespmem:s19+$0xFFFFFFC0];
	v6 =	vbroadcast v12, $0xF;
	v2 =	vadd.f32 v9, v2;
	v24, _, _ =	vpop (xrf2)  }
0xeb: {  	[tilespmem:$0x1FFB0] =	vst v13;
	v5 =	vadd.f32 v11, v5;
	v0 =	vsel vm0, v0, v4;
	v13 =	vbroadcast v24, $0xF;
	v24 =	vld [tilespmem:s19+$0xFFFFFFD0]  }
0xec: {  	[tilespmem:$0x1FFC0] =	vst v21;
	v0 =	vsel vm1, v0, v6;
	(xrf2) =	vadd.scan.msk.f32 $0xffff, v2;
	v6 =	vld [tilespmem:s18+$0x0]  }
0xed: {  	v4 =	vbroadcast v10, $0xF;
	v21, _, _ =	vpop (xrf2);
	[tilespmem:$0x1FF70] =	vst v8;
	v8 =	vld [tilespmem:s18+$0xFFFFFFC0];
	(xrf2) =	vadd.scan.msk.f32 $0xffff, v5;
	v5 =	vmul.f32 v29, v22  }
0xee: {  	[tilespmem:$0x1FF60] =	vst v7;
	v7 =	vld [tilespmem:s18+$0xFFFFFFD0];
	v15, _, _ =	vpop (xrf2);
	v29 =	vmul.f32 v30, v23;
	v30 =	vmul.f32 v31, v22  }
0xef: {  	v4 =	vsel vm2, v0, v4;
	v0 =	vld [tilespmem:s19+$0xFFFFFFE0];
	v31 =	vmul.f32 v33, v22;
	[tilespmem:$0x1FFE0] =	vst v25;
	v25 =	vbroadcast v21, $0xF;
	v21, _, _ =	vpop (xrf2)  }
0xf0: {  	v33 =	vmul.f32 v42, v23;
	v9 =	vbroadcast v21, $0xF;
	v21 =	vld [tilespmem:s19+$0x0]  }
0xf1: {  	v5 =	vadd.f32 v29, v5;
	v29 =	vld [tilespmem:s19+$0x70]  }
0xf2: {  	v4 =	vsel vm3, v4, v13;
	v42 =	vadd.f32 v33, v30;
	v30 =	vld [tilespmem:s19+$0x80]  }
0xf3: {  	v2 =	vsel vm4, v4, v25;
	v25 =	vmul.f32 v27, v22;
	v4 =	vld [tilespmem:s18+$0x10]  }
0xf4: {  	v27 =	vmul.f32 v26, v23;
	v26 =	vld [tilespmem:s19+$0x40];
	[tilespmem:$0x1FFF0] =	vst v24;
	v24 =	vbroadcast v15, $0xF  }
0xf5: {  	v15 =	vld [tilespmem:s19+$0xFFFFFFF0]  }
0xf6: {  	v10 =	vadd.f32 v27, v25;
	v25 =	vld [tilespmem:s19+$0x30];
	v2 =	vsel vm5, v2, v24  }
0xf7: {  	v27 =	vld [tilespmem:s19+$0x50];
	v2 =	vsel vm6, v2, v9;
	v9 =	vmul.f32 v32, v22  }
0xf8: {  	v24 =	vld [tilespmem:s18+$0x30];
	v32 =	vmul.f32 v36, v23;
	v36 =	vmul.f32 v35, v23  }
0xf9: {  	v22 =	vld [tilespmem:s19+$0x10];
	(xrf2) =	vadd.scan.msk.f32 $0xffff, v10;
	v10 =	vmul.f32 v39, v28;
	v39 =	vmul.f32 v37, v20  }
0xfa: {  	v12 =	vmul.f32 v43, v28;
	v23 =	vld [tilespmem:s19+$0x20];
	v35 =	vmul.f32 v46, v28;
	v33 =	vadd.f32 v36, v31  }
0xfb: {  	v36 =	vmul.f32 v62, v28;
	v37 =	vadd.f32 v39, v10;
	v39 =	vmul.f32 v61, v28;
	v28 =	vld [tilespmem:s19+$0x60]  }
0xfc: {  	v61 =	vmul.f32 v47, v20;
	v31 =	vld [tilespmem:s19+$0x90];
	v47 =	vmul.f32 v53, v40  }
0xfd: {  	v43, _, _ =	vpop (xrf2);
	v53 =	vmul.f32 v54, v40;
	v54 =	vmul.f32 v55, v41;
	v55 =	vld [tilespmem:$0x1FEC0]  }
0xfe: {  	v9 =	vadd.f32 v32, v9;
	v11 =	vbroadcast v43, $0xF;
	v43 =	vmul.f32 v58, v41;
	v58 =	vld [tilespmem:$0x1FEE0]  }
0xff: {  	(xrf2) =	vadd.scan.msk.f32 $0xffff, v5;
	v62, _, _ =	vpop (xrf2);
	v39 =	vadd.f32 v61, v39;
	v61 =	vld [tilespmem:$0x1FF00]  }
0x100: {  	v63 =	vmul.f32 v63, v20;
	(xrf2) =	vadd.scan.msk.f32 $0xffff, v9;
	v32 =	vbroadcast v62, $0xF;
	v62 =	vld [tilespmem:$0x1FF10]  }
0x101: {  	(xrf2) =	vadd.scan.msk.f32 $0xffff, v42;
	v42 =	vmul.f32 v60, v20;
	v60 =	vmul.f32 v51, v20;
	v20 =	vld [tilespmem:s18+$0x20];
	v2 =	vsel vm7, v2, v11  }
0x102: {  	v46 =	vadd.f32 v63, v12;
	v51 =	vmul.f32 v56, v41;
	v56 =	vld [tilespmem:$0x1FED0];
	v2 =	vsel vm8, v2, v32  }
0x103: {  	v32 =	vld [tilespmem:s19+$0x1C0];
	v63 =	vadd.f32 v42, v35;
	v35 =	vadd.f32 v60, v36;
	v36 =	vmul.f32 v52, v40  }
0x104: {  	(xrf2) =	vadd.scan.msk.f32 $0xffff, v33;
	v42 =	vmul.f32 v57, v40;
	v33 =	vmul.f32 v55, v40;
	v40 =	vld [tilespmem:s19+$0xB0]  }
0x105: {  	(xrf2) =	vadd.scan.msk.f32 $0xffff, v37;
	v37 =	vmul.f32 v59, v41;
	v59 =	vld [tilespmem:$0x1FEF0]  }
0x106: {  	(xrf2) =	vadd.scan.msk.f32 $0xffff, v46;
	v10 =	vmul.f32 v58, v16;
	v58 =	vld [tilespmem:$0x1FF20]  }
0x107: {  	(xrf2) =	vadd.scan.msk.f32 $0xffff, v63;
	v52 =	vadd.f32 v43, v42;
	v42 =	vld [tilespmem:s19+$0xE0]  }
0x108: {  	v46 =	vadd.f32 v37, v36;
	v43 =	vld [tilespmem:$0x1FF60];
	(xrf2) =	vadd.scan.msk.f32 $0xffff, v35  }
0x109: {  	v37 =	vld [tilespmem:s19+$0x100];
	(xrf2) =	vadd.scan.msk.f32 $0xffff, v39  }
0x10a: {  	v12 =	vadd.f32 v51, v47;
	v35 =	vld [tilespmem:s19+$0xA0];
	v9, _, _ =	vpop (xrf2);
	v36 =	vmul.f32 v56, v41;
	(xrf2) =	vadd.scan.msk.f32 $0xffff, v46  }
0x10b: {  	v57 =	vadd.f32 v54, v53;
	v41 =	vld [tilespmem:s19+$0xC0];
	v47, _, _ =	vpop (xrf2);
	(xrf2) =	vadd.scan.msk.f32 $0xffff, v52  }
0x10c: {  	v13 =	vmul.f32 v59, v19;
	v60 =	vadd.f32 v36, v33;
	v59 =	vld [tilespmem:$0x1FF30];
	v51, _, _ =	vpop (xrf2);
	(xrf2) =	vadd.scan.msk.f32 $0xffff, v12  }
0x10d: {  	v33 =	vmul.f32 v61, v16;
	v61 =	vld [tilespmem:$0x1FF50];
	v53, _, _ =	vpop (xrf2);
	(xrf2) =	vadd.scan.msk.f32 $0xffff, v57  }
0x10e: {  	v54, _, _ =	vpop (xrf2);
	(xrf2) =	vadd.scan.msk.f32 $0xffff, v60;
	v60 =	vld [tilespmem:$0x1FF40]  }
0x10f: {  	v52 =	vld [tilespmem:$0x1FF70]  }
0x110: {  	v39 =	vld [tilespmem:s19+$0x110];
	v36 =	vmul.f32 v62, v19  }
0x111: {  	v46 =	vld [tilespmem:s19+$0xD0];
	v63 =	vadd.f32 v13, v10;
	v10 =	vmul.f32 v58, v16;
	v13 =	vmul.f32 v59, v19  }
0x112: {  	v14 =	vmul.f32 v14, v7;
	v12 =	vadd.f32 v36, v33;
	v36 =	vld [tilespmem:s19+$0xF0];
	v57 =	vmul.f32 v34, v8  }
0x113: {  	v56, _, _ =	vpop (xrf2);
	(xrf2) =	vadd.scan.msk.f32 $0xffff, v63;
	v63 =	vadd.f32 v13, v10;
	v10 =	vmul.f32 v43, v16;
	v43 =	vld [tilespmem:s19+$0x120];
	v33 =	vmul.f32 v60, v16  }
0x114: {  	v62 =	vmul.f32 v61, v19;
	v13 =	vmul.f32 v52, v19;
	v19 =	vld [tilespmem:s18+$0x50]  }
0x115: {  	v9 =	vbroadcast v9, $0xF;
	v60 =	vmul.f32 v44, v7;
	v44 =	vld [tilespmem:s19+$0x130]  }
0x116: {  	v59 =	vmul.f32 v38, v8;
	v61 =	vadd.f32 v14, v57;
	v52, _, _ =	vpop (xrf2);
	(xrf2) =	vadd.scan.msk.f32 $0xffff, v12;
	v16 =	vld [tilespmem:s18+$0x40];
	v55 =	vadd.f32 v62, v33  }
0x117: {  	v57 =	vmul.f32 v49, v8;
	v58 =	vadd.f32 v13, v10;
	v62 =	vmul.f32 v45, v8;
	v45 =	vld [tilespmem:s19+$0x140];
	v33, _, _ =	vpop (xrf2);
	(xrf2) =	vadd.scan.msk.f32 $0xffff, v63  }
0x118: {  	v2 =	vsel vm9, v2, v9;
	v8 =	vmul.f32 v17, v8;
	v17 =	vld [tilespmem:s18+$0x60];
	v63 =	vmul.f32 v48, v7;
	v34, _, _ =	vpop (xrf2);
	(xrf2) =	vadd.scan.msk.f32 $0xffff, v55  }
0x119: {  	v55 =	vadd.f32 v60, v59;
	v60 =	vbroadcast v47, $0xF;
	v47 =	vld [tilespmem:s19+$0x160];
	v48, _, _ =	vpop (xrf2);
	(xrf2) =	vadd.scan.msk.f32 $0xffff, v58;
	v58 =	vmul.f32 v50, v7  }
0x11a: {  	v59 =	vadd.f32 v63, v62;
	v50 =	vbroadcast v52, $0xF;
	v52 =	vld [tilespmem:s19+$0x150];
	v62 =	vbroadcast v53, $0xF;
	v11, _, _ =	vpop (xrf2);
	(xrf2) =	vadd.scan.msk.f32 $0xffff, v61  }
0x11b: {  	v53 =	vld [tilespmem:s19+$0x190];
	v7 =	vmul.f32 v18, v7;
	v61, _, _ =	vpop (xrf2);
	(xrf2) =	vadd.scan.msk.f32 $0xffff, v55;
	v49 =	vadd.f32 v58, v57;
	v57 =	vbroadcast v33, $0xF  }
0x11c: {  	v18 =	vld [tilespmem:s18+$0x70];
	v2 =	vsel vm10, v2, v60;
	v58 =	vbroadcast v51, $0xF;
	v13, _, _ =	vpop (xrf2);
	(xrf2) =	vadd.scan.msk.f32 $0xffff, v59;
	v59 =	vbroadcast v34, $0xF  }
0x11d: {  	v63 =	vbroadcast v48, $0xF;
	v11 =	vbroadcast v11, $0xF;
	v51 =	vld [tilespmem:s19+$0x180];
	v9 =	vsel vm0, v50, v57  }
0x11e: {  	v55 =	vld [tilespmem:s19+$0x1B0];
	v7 =	vadd.f32 v7, v8;
	v60, _, _ =	vpop (xrf2);
	v2 =	vsel vm11, v2, v58;
	v9 =	vsel vm1, v9, v59  }
0x11f: {  	v33 =	vld [tilespmem:s19+$0x1D0];
	(xrf2) =	vadd.scan.msk.f32 $0xffff, v49;
	v49 =	vbroadcast v61, $0xF;
	v61 =	vbroadcast v54, $0xF;
	v38, _, _ =	vpop (xrf2);
	v48 =	vsel vm2, v9, v63  }
0x120: {  	v50 =	vld [tilespmem:s19+$0x170];
	v2 =	vsel vm12, v2, v62;
	v62 =	vbroadcast v13, $0xF;
	v12, _, _ =	vpop (xrf2);
	v5 =	vsel vm3, v48, v11  }
0x121: {  	v58 =	vbroadcast v60, $0xF;
	(xrf2) =	vadd.scan.msk.f32 $0xffff, v7;
	v7 =	vld [tilespmem:s19+$0x210];
	v59 =	vsel vm13, v2, v61;
	v57, _, _ =	vpop (xrf2);
	v5 =	vsel vm4, v5, v49  }
0x122: {  	v56 =	vsel vm14, v59, v56;
	v59 =	vld [tilespmem:$0x1FF90];
	v63, _, _ =	vpop (xrf2);
	v5 =	vsel vm5, v5, v62  }
0x123: {  	v34 =	vbroadcast v38, $0xF;
	v38, _, _ =	vpop (xrf2);
	v60 =	vsel vm6, v5, v58;
	v58 =	vld [tilespmem:$0x1FF80]  }
0x124: {  	v61 =	vbroadcast v12, $0xF;
	v12 =	vbroadcast v38, $0xF;
	v38 =	vld [tilespmem:s19+$0x1F0]  }
0x125: {  	v10 =	vbroadcast v57, $0xF;
	v9 =	vsel vm7, v60, v34;
	v34 =	vld [tilespmem:s19+$0x1E0]  }
0x126: {  	v62 =	vbroadcast v63, $0xF;
	v48, _, _ =	vpop (xrf2);
	v5 =	vsel vm8, v9, v61;
	v61 =	vld [tilespmem:$0x1FFA0]  }
0x127: {  	v49, _, _ =	vpop (xrf2);
	v60 =	vmul.f32 v59, v1;
	v59 =	vld [tilespmem:$0x1FFD0];
	v5 =	vsel vm9, v5, v10  }
0x128: {  	v2, _, _ =	vpop (xrf2);
	v5 =	vsel vm10, v5, v62;
	v62 =	vld [tilespmem:$0x1FFB0]  }
0x129: {  	v63, _, _ =	vpop (xrf2);
	v8 =	vmul.f32 v58, v3;
	v57 =	vsel vm11, v5, v12;
	v5 =	vld [tilespmem:s19+$0x200]  }
0x12a: {  	v0 =	vmul.f32 v0, v3;
	v13, _, _ =	vpop (xrf2);
	v58 =	vld [tilespmem:$0x1FFC0]  }
0x12b: {  	v9 =	vbroadcast v63, $0xF;
	v14 =	vbroadcast v13, $0xF;
	v10 =	vadd.f32 v60, v8;
	v60 =	vld [tilespmem:$0x1FFE0]  }
0x12c: {  	v25 =	vmul.f32 v25, v4;
	v47 =	vmul.f32 v47, v16;
	v8 =	vld [tilespmem:s19+$0x220]  }
0x12d: {  	v7 =	vmul.f32 v7, v18;
	v38 =	vmul.f32 v38, v18;
	v14 =	vsel vm0, v9, v14;
	v9 =	vld [tilespmem:s19+$0x230]  }
0x12e: {  	v34 =	vmul.f32 v34, v17;
	v63 =	vmul.f32 v62, v1;
	v62 =	vld [tilespmem:$0x1FFF0]  }
0x12f: {  	v54 =	vld [tilespmem:s19+$0x1A0];
	v11 =	vmul.f32 v61, v3;
	v13 =	vmul.f32 v59, v1  }
0x130: {  	v59 =	vmul.f32 v27, v4;
	(xrf2) =	vadd.scan.msk.f32 $0xffff, v10;
	v10 =	vld [tilespmem:s19+$0x240];
	v12 =	vmul.f32 v58, v3  }
0x131: {  	v27 =	vld [tilespmem:s19+$0x2E0];
	v5 =	vmul.f32 v5, v17;
	v11 =	vadd.f32 v63, v11;
	v61 =	vmul.f32 v60, v3  }
0x132: {  	v3 =	vadd.f32 v13, v12;
	v60 =	vmul.f32 v21, v6;
	v12 =	vld [tilespmem:s19+$0x260];
	v8 =	vmul.f32 v8, v17  }
0x133: {  	v13 =	vld [tilespmem:s19+$0x270];
	v9 =	vmul.f32 v9, v18;
	v63 =	vmul.f32 v62, v1  }
0x134: {  	v34 =	vadd.f32 v38, v34;
	v21 =	vld [tilespmem:s19+$0x290];
	(xrf2) =	vadd.scan.msk.f32 $0xffff, v11;
	v1 =	vmul.f32 v15, v1;
	v62 =	vmul.f32 v22, v4  }
0x135: {  	v11 =	vld [tilespmem:s19+$0x250];
	(xrf2) =	vadd.scan.msk.f32 $0xffff, v3;
	v3 =	vmul.f32 v26, v6;
	v10 =	vmul.f32 v10, v17;
	v8 =	vadd.f32 v9, v8  }
0x136: {  	v15 =	vld [tilespmem:s19+$0x280];
	v61 =	vadd.f32 v63, v61;
	v63 =	vmul.f32 v23, v6;
	v58 =	vadd.f32 v62, v60  }
0x137: {  	v22 =	vld [tilespmem:s19+$0x2A0];
	v60 =	vmul.f32 v28, v6;
	v28 =	vmul.f32 v30, v6;
	v3 =	vadd.f32 v59, v3  }
0x138: {  	v9 =	vld [tilespmem:s19+$0x450];
	v59 =	vmul.f32 v46, v24;
	(xrf2) =	vadd.scan.msk.f32 $0xffff, v61;
	v61 =	vadd.f32 v25, v63;
	v63 =	vmul.f32 v29, v4  }
0x139: {  	v0 =	vadd.f32 v1, v0;
	v6 =	vld [tilespmem:s18+$0x80];
	v62, _, _ =	vpop (xrf2);
	v29 =	vmul.f32 v31, v4;
	v31 =	vmul.f32 v35, v20  }
0x13a: {  	v5 =	vadd.f32 v7, v5;
	v23 =	vld [tilespmem:s19+$0x2B0];
	v35 =	vmul.f32 v40, v24;
	v1 =	vbroadcast v62, $0xF  }
0x13b: {  	v4 =	vld [tilespmem:s18+$0x90];
	(xrf2) =	vadd.scan.msk.f32 $0xffff, v0;
	v62 =	vmul.f32 v36, v24;
	v36 =	vmul.f32 v39, v24;
	v30 =	vadd.f32 v63, v60  }
0x13c: {  	v25 =	vld [tilespmem:s19+$0x2D0];
	(xrf2) =	vadd.scan.msk.f32 $0xffff, v58;
	v58 =	vmul.f32 v41, v20;
	v60 =	vadd.f32 v35, v31;
	v35 =	vmul.f32 v37, v20;
	v37, _, _ =	vpop (xrf2)  }
0x13d: {  	v40 =	vadd.f32 v29, v28;
	(xrf2) =	vadd.scan.msk.f32 $0xffff, v61;
	v61 =	vmul.f32 v42, v20;
	v29 =	vbroadcast v37, $0xF;
	v37 =	vld [tilespmem:s19+$0x300]  }
0x13e: {  	v20 =	vmul.f32 v43, v20;
	v43 =	vmul.f32 v45, v16;
	v1 =	vsel vm1, v14, v1;
	v14 =	vld [tilespmem:s18+$0xA0];
	(xrf2) =	vadd.scan.msk.f32 $0xffff, v3  }
0x13f: {  	v63 =	vadd.f32 v59, v58;
	v42 =	vadd.f32 v36, v35;
	v35 =	vld [tilespmem:s19+$0x2F0];
	v59 =	vmul.f32 v51, v16;
	(xrf2) =	vadd.scan.msk.f32 $0xffff, v30  }
0x140: {  	v39 =	vadd.f32 v62, v61;
	v41, _, _ =	vpop (xrf2);
	v21 =	vmul.f32 v21, v4;
	(xrf2) =	vadd.scan.msk.f32 $0xffff, v40;
	v40 =	vmul.f32 v44, v24;
	v24 =	vld [tilespmem:s19+$0x2C0]  }
0x141: {  	v1 =	vsel vm2, v1, v29;
	v44 =	vmul.f32 v52, v19;
	v28 =	vbroadcast v41, $0xF;
	v41 =	vld [tilespmem:s19+$0x390]  }
0x142: {  	v52 =	vmul.f32 v50, v19;
	(xrf2) =	vadd.scan.msk.f32 $0xffff, v60;
	v60 =	vmul.f32 v53, v19;
	v45 =	vadd.f32 v40, v20;
	v40 =	vld [tilespmem:s19+$0x310]  }
0x143: {  	(xrf2) =	vadd.scan.msk.f32 $0xffff, v63;
	v46 =	vadd.f32 v44, v43;
	v63 =	vmul.f32 v54, v16;
	v44 =	vmul.f32 v55, v19;
	v43 =	vld [tilespmem:s19+$0x350]  }
0x144: {  	v31, _, _ =	vpop (xrf2);
	v62 =	vadd.f32 v52, v47;
	v52 =	vbroadcast v48, $0xF;
	v16 =	vmul.f32 v32, v16;
	v32 =	vld [tilespmem:s19+$0x380];
	(xrf2) =	vadd.scan.msk.f32 $0xffff, v39  }
0x145: {  	v1 =	vsel vm3, v1, v28;
	v55 =	vbroadcast v49, $0xF;
	v19 =	vmul.f32 v33, v19;
	v33 =	vld [tilespmem:s19+$0x3C0];
	v20, _, _ =	vpop (xrf2);
	(xrf2) =	vadd.scan.msk.f32 $0xffff, v42  }
0x146: {  	v0 =	vadd.f32 v60, v59;
	v39 =	vld [tilespmem:s19+$0x370];
	v51 =	vadd.f32 v44, v63;
	v58, _, _ =	vpop (xrf2);
	(xrf2) =	vadd.scan.msk.f32 $0xffff, v45;
	v45 =	vbroadcast v31, $0xF  }
0x147: {  	v42 =	vld [tilespmem:s19+$0x330];
	v60 =	vsel vm12, v57, v52;
	v16 =	vadd.f32 v19, v16;
	v47 =	vbroadcast v20, $0xF;
	v61, _, _ =	vpop (xrf2)  }
0x148: {  	v19 =	vld [tilespmem:s19+$0x3A0];
	v3 =	vsel vm13, v60, v55;
	(xrf2) =	vadd.scan.msk.f32 $0xffff, v46;
	v53 =	vbroadcast v58, $0xF;
	v46, _, _ =	vpop (xrf2);
	v1 =	vsel vm4, v1, v45  }
0x149: {  	v44 =	vld [tilespmem:s19+$0x3B0];
	v60 =	vmul.f32 v12, v17;
	v58 =	vbroadcast v61, $0xF;
	v50, _, _ =	vpop (xrf2);
	v1 =	vsel vm5, v1, v47  }
0x14a: {  	v20 =	vld [tilespmem:s18+$0xB0];
	(xrf2) =	vadd.scan.msk.f32 $0xffff, v62;
	v32 =	vmul.f32 v32, v14;
	v61 =	vbroadcast v46, $0xF;
	v54, _, _ =	vpop (xrf2);
	v1 =	vsel vm6, v1, v53  }
0x14b: {  	(xrf2) =	vadd.scan.msk.f32 $0xffff, v0;
	v0 =	vld [tilespmem:s19+$0x320];
	v63 =	vbroadcast v50, $0xF;
	v59, _, _ =	vpop (xrf2);
	v28 =	vsel vm7, v1, v58;
	v47 =	vbroadcast v54, $0xF  }
0x14c: {  	v31 =	vld [tilespmem:s19+$0x340];
	v1 =	vsel vm14, v3, v2;
	v62, _, _ =	vpop (xrf2);
	v48 =	vbroadcast v59, $0xF;
	v59 =	vmul.f32 v11, v18  }
0x14d: {  	v12 =	vld [tilespmem:s19+$0x3F0];
	(xrf2) =	vadd.scan.msk.f32 $0xffff, v51;
	v46 =	vsel vm8, v28, v61;
	v61 =	vmul.f32 v13, v18;
	v29 =	vbroadcast v62, $0xF  }
0x14e: {  	v17 =	vld [tilespmem:s19+$0x410];
	v45, _, _ =	vpop (xrf2);
	v3 =	vsel vm9, v46, v63;
	v62 =	vmul.f32 v15, v6;
	v46 =	vmul.f32 v24, v6  }
0x14f: {  	v28 =	vld [tilespmem:s19+$0x360];
	v2, _, _ =	vpop (xrf2);
	v3 =	vsel vm10, v3, v47;
	v51 =	vbroadcast v45, $0xF;
	(xrf2) =	vadd.scan.msk.f32 $0xffff, v16;
	v63 =	vadd.f32 v59, v10  }
0x150: {  	v18 =	vld [tilespmem:s19+$0x420];
	v38 =	vadd.f32 v61, v60;
	v45 =	vmul.f32 v23, v4;
	v0 =	vmul.f32 v0, v14;
	v49, _, _ =	vpop (xrf2)  }
0x151: {  	v11 =	vld [tilespmem:s18+$0xE0];
	v59 =	vmul.f32 v31, v14;
	v60 =	vmul.f32 v43, v20;
	v3 =	vsel vm11, v3, v48;
	v50, _, _ =	vpop (xrf2)  }
0x152: {  	v15 =	vld [tilespmem:s19+$0x400];
	v47 =	vadd.f32 v21, v62;
	v48 =	vmul.f32 v25, v4;
	v52 =	vbroadcast v49, $0xF;
	v53, _, _ =	vpop (xrf2);
	(xrf2) =	vadd.scan.msk.f32 $0xffff, v34  }
0x153: {  	v16 =	vld [tilespmem:s18+$0xC0];
	v3 =	vsel vm12, v3, v29;
	v49 =	vmul.f32 v27, v6;
	v26 =	vbroadcast v50, $0xF  }
0x154: {  	v23 =	vld [tilespmem:s18+$0xF0];
	v3 =	vsel vm13, v3, v51;
	v34 =	vmul.f32 v22, v6;
	v6 =	vmul.f32 v37, v6;
	v54, _, _ =	vpop (xrf2)  }
0x155: {  	v61 =	vld [tilespmem:s19+$0x460];
	v36 =	vbroadcast v53, $0xF;
	(xrf2) =	vadd.scan.msk.f32 $0xffff, v5;
	v53 =	vadd.f32 v48, v46;
	v29 =	vbroadcast v54, $0xF  }
0x156: {  	v31 =	vld [tilespmem:s19+$0x470];
	v26 =	vsel vm0, v52, v26;
	v55, _, _ =	vpop (xrf2);
	(xrf2) =	vadd.scan.msk.f32 $0xffff, v8;
	v52 =	vmul.f32 v35, v4;
	v4 =	vmul.f32 v40, v4  }
0x157: {  	v21 =	vld [tilespmem:s19+$0x430];
	v50 =	vadd.f32 v45, v34;
	v34 =	vmul.f32 v41, v20;
	v40 =	vmul.f32 v44, v20;
	v57, _, _ =	vpop (xrf2);
	(xrf2) =	vadd.scan.msk.f32 $0xffff, v63  }
0x158: {  	v26 =	vsel vm1, v26, v36;
	v30 =	vbroadcast v55, $0xF;
	v36 =	vld [tilespmem:s18+$0xD0];
	v58 =	vbroadcast v57, $0xF;
	(xrf2) =	vadd.scan.msk.f32 $0xffff, v38  }
0x159: {  	v43 =	vmul.f32 v33, v16;
	v15 =	vmul.f32 v15, v16;
	v26 =	vsel vm2, v26, v29;
	v29 =	vld [tilespmem:s19+$0x3E0];
	v51, _, _ =	vpop (xrf2);
	(xrf2) =	vadd.scan.msk.f32 $0xffff, v47  }
0x15a: {  	v55 =	vadd.f32 v52, v49;
	v57 =	vmul.f32 v42, v20;
	v26 =	vsel vm3, v26, v30;
	v30 =	vld [tilespmem:s19+$0x3D0];
	(xrf2) =	vadd.scan.msk.f32 $0xffff, v50  }
0x15b: {  	v22 =	vld [tilespmem:s19+$0x440];
	v8 =	vmul.f32 v61, v11;
	v63 =	vmul.f32 v28, v14;
	v4 =	vadd.f32 v4, v6;
	(xrf2) =	vadd.scan.msk.f32 $0xffff, v53  }
0x15c: {  	v48 =	vld [tilespmem:s19+$0x4B0];
	v28 =	vmul.f32 v39, v20;
	v26 =	vsel vm4, v26, v58;
	v0 =	vadd.f32 v57, v0;
	v58, _, _ =	vpop (xrf2);
	(xrf2) =	vadd.scan.msk.f32 $0xffff, v55  }
0x15d: {  	v62 =	vadd.f32 v60, v59;
	v35 =	vld [tilespmem:s19+$0x480];
	v39 =	vmul.f32 v19, v14;
	v54 =	vbroadcast v51, $0xF;
	(xrf2) =	vadd.scan.msk.f32 $0xffff, v4  }
0x15e: {  	v41 =	vld [tilespmem:s19+$0x490];
	v38 =	vadd.f32 v28, v63;
	v12 =	vmul.f32 v12, v36;
	v47 =	vmul.f32 v29, v16;
	(xrf2) =	vadd.scan.msk.f32 $0xffff, v0  }
0x15f: {  	v45 =	vld [tilespmem:s19+$0x4A0];
	v44 =	vmul.f32 v30, v36;
	v5 =	vbroadcast v58, $0xF;
	v37, _, _ =	vpop (xrf2);
	v0 =	vadd.f32 v34, v32;
	(xrf2) =	vadd.scan.msk.f32 $0xffff, v62  }
0x160: {  	v61 =	vld [tilespmem:s19+$0x4F0];
	v6 =	vadd.f32 v40, v39;
	v17 =	vmul.f32 v17, v36;
	v7 =	vsel vm5, v26, v54;
	v42, _, _ =	vpop (xrf2);
	(xrf2) =	vadd.scan.msk.f32 $0xffff, v38  }
0x161: {  	v50 =	vld [tilespmem:s19+$0x4C0];
	v10 =	vadd.f32 v12, v47;
	v5 =	vsel vm6, v7, v5;
	v46, _, _ =	vpop (xrf2);
	v7 =	vadd.f32 v44, v43;
	(xrf2) =	vadd.scan.msk.f32 $0xffff, v0  }
0x162: {  	v52 =	vmul.f32 v18, v16;
	v53 =	vmul.f32 v21, v36;
	v54 =	vld [tilespmem:s19+$0x4D0];
	v49, _, _ =	vpop (xrf2);
	(xrf2) =	vadd.scan.msk.f32 $0xffff, v6  }
0x163: {  	v59 =	vld [tilespmem:s19+$0x4E0];
	v57 =	vmul.f32 v22, v16;
	v9 =	vmul.f32 v9, v36;
	v55 =	vadd.f32 v17, v15;
	v51, _, _ =	vpop (xrf2);
	(xrf2) =	vadd.scan.msk.f32 $0xffff, v7  }
0x164: {  	v13 =	vmul.f32 v31, v23;
	v24 =	vmul.f32 v48, v23;
	v12 =	vadd.f32 v53, v52;
	v58, _, _ =	vpop (xrf2);
	(xrf2) =	vadd.scan.msk.f32 $0xffff, v10  }
0x165: {  	v60 =	vmul.f32 v35, v11;
	v14 =	vmul.f32 v41, v23;
	v9 =	vadd.f32 v9, v57;
	v10, _, _ =	vpop (xrf2);
	(xrf2) =	vadd.scan.msk.f32 $0xffff, v55  }
0x166: {  	v8 =	vadd.f32 v13, v8;
	v63 =	vmul.f32 v45, v11;
	v36 =	vmul.f32 v61, v23;
	v7, _, _ =	vpop (xrf2);
	(xrf2) =	vadd.scan.msk.f32 $0xffff, v12  }
0x167: {  	v26 =	vadd.f32 v14, v60;
	v28 =	vmul.f32 v50, v11;
	v29 =	vmul.f32 v54, v23;
	v62, _, _ =	vpop (xrf2);
	(xrf2) =	vadd.scan.msk.f32 $0xffff, v9  }
0x168: {  	v13 =	vadd.f32 v24, v63;
	v34 =	vbroadcast v37, $0xF;
	v11 =	vmul.f32 v59, v11;
	v27, _, _ =	vpop (xrf2);
	(xrf2) =	vadd.scan.msk.f32 $0xffff, v8  }
0x169: {  	v33 =	vadd.f32 v29, v28;
	v30 =	vbroadcast v62, $0xF;
	v31 =	vbroadcast v27, $0xF;
	v32, _, _ =	vpop (xrf2);
	(xrf2) =	vadd.scan.msk.f32 $0xffff, v26  }
0x16a: {  	v39 =	vbroadcast v42, $0xF;
	v14 =	vbroadcast v32, $0xF;
	v35, _, _ =	vpop (xrf2);
	(xrf2) =	vadd.scan.msk.f32 $0xffff, v13  }
0x16b: {  	v5 =	vsel vm7, v5, v34;
	v8 =	vsel vm0, v30, v31;
	v12 =	vbroadcast v35, $0xF;
	v37, _, _ =	vpop (xrf2);
	(xrf2) =	vadd.scan.msk.f32 $0xffff, v33  }
0x16c: {  	v11 =	vadd.f32 v36, v11;
	v8 =	vsel vm1, v8, v14;
	v38, _, _ =	vpop (xrf2);
	v14 =	vbroadcast v37, $0xF  }
0x16d: {  	v4 =	vbroadcast v46, $0xF;
	v40, _, _ =	vpop (xrf2);
	v8 =	vsel vm2, v8, v12;
	v9 =	vbroadcast v38, $0xF  }
0x16e: {  	v5 =	vsel vm8, v5, v39;
	v8 =	vsel vm3, v8, v14;
	v41 =	vbroadcast v40, $0xF;
	v42, _, _ =	vpop (xrf2);
	(xrf2) =	vadd.scan.msk.f32 $0xffff, v11  }
0x16f: {  	v0 =	vbroadcast v49, $0xF;
	v43, _, _ =	vpop (xrf2);
	v44 =	vsel vm4, v8, v9;
	v45 =	vbroadcast v42, $0xF  }
0x170: {  	v4 =	vsel vm9, v5, v4;
	v46, _, _ =	vpop (xrf2);
	v5 =	vsel vm5, v44, v41;
	v11 =	vbroadcast v43, $0xF  }
0x171: {  	v0 =	vsel vm10, v4, v0;
	v47, _, _ =	vpop (xrf2);
	v5 =	vsel vm6, v5, v45;
	v48 =	vbroadcast v46, $0xF  }
0x172: {  	v6 =	vbroadcast v51, $0xF;
	v49, _, _ =	vpop (xrf2);
	v50 =	vsel vm7, v5, v11;
	v51 =	vbroadcast v47, $0xF  }
0x173: {  	v55 =	vbroadcast v58, $0xF;
	v52, _, _ =	vpop (xrf2);
	v4 =	vsel vm8, v50, v48;
	v53 =	vbroadcast v49, $0xF  }
0x174: {  	v0 =	vsel vm11, v0, v6;
	v54, _, _ =	vpop (xrf2);
	v4 =	vsel vm9, v4, v51;
	v57 =	vbroadcast v52, $0xF  }
0x175: {  	s21 =	sshra.s32 s20, $0x2;
	p0 =	sne.s32 s20, $0x26C0;
	v59 =	vbroadcast v10, $0xF;
	v58, _, _ =	vpop (xrf2);
	v4 =	vsel vm10, v4, v53;
	v8 =	vbroadcast v54, $0xF  }
.Ltmp0:
0x176: {  	[tilespmem:s21+$0x18C00] =	vst v56;
	v0 =	vsel vm12, v0, v55;
	v4 =	vsel vm11, v4, v57;
	v60 =	vbroadcast v58, $0xF;
	(pc) =	sbr.rel @p0 .LBB2_2-.Ltmp0, $4  }
0x177: {  	v2 =	vsel vm14, v3, v2;
	[tilespmem:s21+$0x18C10] =	vst v1;
	v0 =	vsel vm13, v0, v59;
	v61 =	vsel vm12, v4, v8  }
0x178: {  	[tilespmem:s21+$0x18C20] =	vst v2;
	v0 =	vsel vm14, v0, v7;
	v62 =	vsel vm13, v61, v60;
	v63, _, _ =	vpop (xrf2)  }
0x179: {  	[tilespmem:s21+$0x18C30] =	vst v0;
	v1 =	vsel vm14, v62, v63  }
0x17a: {  	s20 =	sadd.s32 $0x140, s20;
	s18 =	sadd.s32 $0x200, s18;
	s19 =	sadd.s32 $0xA00, s19;
	[tilespmem:s21+$0x18C40] =	vst v1  }
0x17b: {  	s17 =	sadd.s32 $0x1, s17  }
0x17c: {  	p0 =	sne.s32 s17, s8  }
.Ltmp1:
0x17d: {  	_ = 	snop;
	(pc) =	sbr.rel @p0 .LBB2_1-.Ltmp1, $4  }
0x17e: {  	[hbm4b:s7+s2] =	stream.linear.scatter [tilespmem:s16], [sflag:$0x2], $0xA00, $0x38;
	[tilespmem:$0x19600] =	vst v63  }
0x17f: {  	_ =	swait.ge [sflag:s9], $0xA00  }
0x180: {  	[sflag:s9] =	ssyncset.done $0x0  }
0x181: {  	[sflag:s9] =	ssyncadd.s32 $0xFFFFF600  }
0x182: {  	_ =	sfence.sel $0x180000  }
0x183: {  	[bflag:$0x0] =	sbarrier.arrive $0xFFFF  }
0x184: {  	_ =	strace $0x90000047  }
0x185: {  	s0 =	stileid.u32;
	[bflag:$0x2] =	sbarrier.arrive $0xFFFF  }
0x186: {  	p0 =	sne.s32 s0, $0x0;
	s0 =	rddreg [dreg:$0x3]  }
0x187: {  	s0 =	sadd.s32 @!p0 $0x100000, s0  }
0x188: {  	[sflag:s0] =	ssyncadd.tile.s32 @!p0 $0x1;
	_ =	shalt  }
.Lfunc_end2:
_tile_overlayer_lowered:
.L_overlay_start_2:
0x189: {  	(tag) =	ssettag $0x2  }
0x18a: {  	s0 =	rddreg [dreg:$0x0];
	s2 =	stileid.u32  }
0x18b: {  	s1 =	rddreg [dreg:$0x1];
	p0 =	sne.s32 s2, $0x0  }
0x18c: {  	s3 =	rddreg [dreg:$0x2];
	[bflag:$0x3] =	sbarrier.arrive $0xFFFF;
	s2 =	simm.s32 @!p0 $0x1C02  }
0x18d: {  	[timem:s3], [sflag:s2] =	dma.local @!p0 [hbm:s0], s1  }
0x18e: {  	s0 =	simm.s32 @!p0 $0x2  }
0x18f: {  	_ =	swait.ge @!p0 [sflag:s0], s1  }
0x190: {  	s1 =	ssub.s32 @!p0 $0x0, s1;
	[sflag:s0] =	ssyncset.done @!p0 $0x0  }
0x191: {  	[sflag:s0] =	ssyncadd.s32 @!p0 s1  }
0x192: {  	[bflag:$0x3] =	sbarrier.arrive $0xFFFF  }
0x193: {  	_ =	shalt  }

</sc_bundles>
